<compile_context>
chip_gen: v7x
topology: tpu7x:2x2x1
jax: 0.10.2.dev20260603
libtpu: 0.0.44.dev20260713+nightly
codegen_flags: <defaults>
</compile_context>

<pallas_src>
import functools

import jax
import jax.numpy as jnp
from jax import lax
from jax.experimental import pallas as pl
from jax.experimental.pallas import tpu as pltpu
from jax.experimental.pallas import tpu_sc as plsc

N = 10000
E = 320000
D_IN = 128
H = 64

NC = 2
NS = 16
NW = NC * NS

NPAD = 10240
ND8 = NPAD // 8
NH2 = NPAD // 2
D_ROWS_TILE = ND8 // NS
A_ROWS_TILE = NH2 // NS
E_TILE = E // NW
CK = 128

_MESH = plsc.VectorSubcoreMesh(
    core_axis_name="c", subcore_axis_name="s", num_cores=NC, num_subcores=NS
)


def _sc_deg_body(dst_hbm, ones8_hbm, deg_hbm, dst_v, orow_v, orow2_v,
                 orow3_v, orow4_v, st_v, deg_sp, ones_sp, gsems, ssems):
    cid = lax.axis_index("c")
    sid = lax.axis_index("s")
    g = sid * NC + cid
    zero16 = jnp.zeros((16,), jnp.float32)

    def zrow(i, carry):
        for k in range(8):
            st_v[i, pl.ds(k * 16, 16)] = zero16
        return carry

    lax.fori_loop(0, D_ROWS_TILE, zrow, 0)
    pltpu.sync_copy(st_v, deg_sp.at[pl.ds(sid * D_ROWS_TILE, D_ROWS_TILE)])

    @pl.when(sid == 0)
    def _():
        pltpu.sync_copy(ones8_hbm, st_v.at[pl.ds(0, 8)])
        pltpu.sync_copy(st_v.at[pl.ds(0, 8)], ones_sp)

    pltpu.sync_copy(dst_hbm.at[pl.ds(g * E_TILE, E_TILE)], dst_v)
    plsc.subcore_barrier()

    seven = jnp.full((16,), 7, jnp.int32)
    three = jnp.full((16,), 3, jnp.int32)
    NG = E_TILE // 16
    NQ = NG // 4
    bufs = [orow_v, orow2_v, orow3_v, orow4_v]

    def fire(j, buf, s):
        d16 = dst_v[pl.ds(j * 16, 16)]
        pltpu.async_copy(ones_sp.at[d16 & seven], buf, s)

    def gwait(buf, s):
        pltpu.make_async_copy(deg_hbm.at[cid, pl.ds(0, 16)], buf, s).wait()

    def sfire(j, buf, s):
        d16 = dst_v[pl.ds(j * 16, 16)]
        pltpu.async_copy(buf, deg_sp.at[lax.shift_right_logical(d16, three)],
                         s, add=True)

    def swait(buf, s):
        pltpu.make_async_copy(buf, deg_sp.at[pl.ds(0, 16)], s).wait()

    for k in range(4):
        fire(k, bufs[k], gsems[k])

    def dbody(i, carry):
        for k in range(4):
            gwait(bufs[k], gsems[k])
            sfire(4 * i + k, bufs[k], ssems[k])
        for k in range(4):
            swait(bufs[k], ssems[k])
            fire(4 * (i + 1) + k, bufs[k], gsems[k])
        return carry

    lax.fori_loop(0, NQ - 1, dbody, 0)
    for k in range(4):
        gwait(bufs[k], gsems[k])
        sfire(4 * (NQ - 1) + k, bufs[k], ssems[k])
    for k in range(4):
        swait(bufs[k], ssems[k])
    fire(NG - 1, bufs[0], gsems[0])
    gwait(bufs[0], gsems[0])
    sfire(NG - 1, bufs[0], ssems[0])
    swait(bufs[0], ssems[0])
    plsc.subcore_barrier()
    sl = pl.ds(sid * D_ROWS_TILE, D_ROWS_TILE)
    pltpu.sync_copy(deg_sp.at[sl], st_v)
    pltpu.sync_copy(st_v, deg_hbm.at[cid, sl])


_sc_deg = pl.kernel(
    _sc_deg_body,
    out_type=jax.ShapeDtypeStruct((NC, ND8, 128), jnp.float32),
    mesh=_MESH,
    scratch_types=[
        pltpu.VMEM((E_TILE,), jnp.int32),
        pltpu.VMEM((16, 128), jnp.float32),
        pltpu.VMEM((16, 128), jnp.float32),
        pltpu.VMEM((16, 128), jnp.float32),
        pltpu.VMEM((16, 128), jnp.float32),
        pltpu.VMEM((D_ROWS_TILE, 128), jnp.float32),
        pltpu.VMEM_SHARED((ND8, 128), jnp.float32),
        pltpu.VMEM_SHARED((8, 128), jnp.float32),
        [pltpu.SemaphoreType.DMA] * 4,
        [pltpu.SemaphoreType.DMA] * 4,
    ],
)


def _sc_agg_body(src_hbm, dst_hbm, y_hbm, acc_hbm,
                 src_v, dst_v, rows_v, rows2_v, rows3_v, rows4_v, ca_v,
                 acc_sp, gsems, ssems):
    cid = lax.axis_index("c")
    sid = lax.axis_index("s")
    g = sid * NC + cid
    zero16 = jnp.zeros((16,), jnp.float32)

    def zrow(i, carry):
        for k in range(8):
            ca_v[i, pl.ds(k * 16, 16)] = zero16
        return carry

    lax.fori_loop(0, CK, zrow, 0)
    a0 = sid * A_ROWS_TILE
    pltpu.sync_copy(ca_v, acc_sp.at[pl.ds(a0, CK)])
    pltpu.sync_copy(ca_v, acc_sp.at[pl.ds(a0 + CK, CK)])
    pltpu.sync_copy(ca_v.at[pl.ds(0, 64)], acc_sp.at[pl.ds(a0 + 2 * CK, 64)])
    pltpu.sync_copy(src_hbm.at[pl.ds(g * E_TILE, E_TILE)], src_v)
    pltpu.sync_copy(dst_hbm.at[pl.ds(g * E_TILE, E_TILE)], dst_v)
    plsc.subcore_barrier()

    one = jnp.full((16,), 1, jnp.int32)
    npad = jnp.full((16,), NPAD, jnp.int32)
    NG = E_TILE // 16
    NQ = NG // 4
    bufs = [rows_v, rows2_v, rows3_v, rows4_v]

    def fire(j, buf, s):
        s16 = src_v[pl.ds(j * 16, 16)]
        d16 = dst_v[pl.ds(j * 16, 16)]
        pltpu.async_copy(y_hbm.at[s16 + (d16 & one) * npad], buf, s)

    def gwait(buf, s):
        pltpu.make_async_copy(y_hbm.at[pl.ds(0, 16)], buf, s).wait()

    def sfire(j, buf, s):
        d16 = dst_v[pl.ds(j * 16, 16)]
        pltpu.async_copy(buf, acc_sp.at[lax.shift_right_logical(d16, one)],
                         s, add=True)

    def swait(buf, s):
        pltpu.make_async_copy(buf, acc_sp.at[pl.ds(0, 16)], s).wait()

    for k in range(4):
        fire(k, bufs[k], gsems[k])

    def abody(i, carry):
        for k in range(4):
            gwait(bufs[k], gsems[k])
            sfire(4 * i + k, bufs[k], ssems[k])
        for k in range(4):
            swait(bufs[k], ssems[k])
            fire(4 * (i + 1) + k, bufs[k], gsems[k])
        return carry

    lax.fori_loop(0, NQ - 1, abody, 0)
    for k in range(4):
        gwait(bufs[k], gsems[k])
        sfire(4 * (NQ - 1) + k, bufs[k], ssems[k])
    for k in range(4):
        swait(bufs[k], ssems[k])
    fire(NG - 1, bufs[0], gsems[0])
    gwait(bufs[0], gsems[0])
    sfire(NG - 1, bufs[0], ssems[0])
    swait(bufs[0], ssems[0])
    plsc.subcore_barrier()
    for c in range(2):
        r0 = a0 + c * CK
        pltpu.sync_copy(acc_sp.at[pl.ds(r0, CK)], ca_v)
        pltpu.sync_copy(ca_v, acc_hbm.at[cid, pl.ds(r0, CK)])
    r0 = a0 + 2 * CK
    pltpu.sync_copy(acc_sp.at[pl.ds(r0, 64)], ca_v.at[pl.ds(0, 64)])
    pltpu.sync_copy(ca_v.at[pl.ds(0, 64)], acc_hbm.at[cid, pl.ds(r0, 64)])


_sc_agg = pl.kernel(
    _sc_agg_body,
    out_type=jax.ShapeDtypeStruct((NC, NH2, 128), jnp.float32),
    mesh=_MESH,
    scratch_types=[
        pltpu.VMEM((E_TILE,), jnp.int32),
        pltpu.VMEM((E_TILE,), jnp.int32),
        pltpu.VMEM((16, 128), jnp.float32),
        pltpu.VMEM((16, 128), jnp.float32),
        pltpu.VMEM((16, 128), jnp.float32),
        pltpu.VMEM((16, 128), jnp.float32),
        pltpu.VMEM((CK, 128), jnp.float32),
        pltpu.VMEM_SHARED((NH2, 128), jnp.float32),
        [pltpu.SemaphoreType.DMA] * 4,
        [pltpu.SemaphoreType.DMA] * 4,
    ],
)


RB = 2000
NB = N // RB


def _tc_mid_body(x_ref, w_ref, degp_ref, yd_ref, y_ref):
    half = pl.program_id(0) // NB
    xw = jnp.dot(x_ref[...], w_ref[...], preferred_element_type=jnp.float32)
    deg = degp_ref[0, :, 0:1] + degp_ref[1, :, 0:1] + 1.0
    v = xw * lax.rsqrt(deg)
    y_ref[...] = v
    z = jnp.zeros((RB, H), jnp.float32)

    @pl.when(half == 0)
    def _():
        yd_ref[...] = jnp.concatenate([v, z], axis=1)[None]

    @pl.when(half == 1)
    def _():
        yd_ref[...] = jnp.concatenate([z, v], axis=1)[None]


def _tc_mid(x, w, degp):
    return pl.pallas_call(
        _tc_mid_body,
        grid=(2 * NB,),
        in_specs=[
            pl.BlockSpec((RB, D_IN), lambda j: (j % NB, 0)),
            pl.BlockSpec((D_IN, H), lambda j: (0, 0)),
            pl.BlockSpec((NC, RB, 16), lambda j: (0, j % NB, 0)),
        ],
        out_specs=[
            pl.BlockSpec((1, RB, 128), lambda j: (j // NB, j % NB, 0)),
            pl.BlockSpec((RB, H), lambda j: (j % NB, 0)),
        ],
        out_shape=[
            jax.ShapeDtypeStruct((2, NPAD, 128), jnp.float32),
            jax.ShapeDtypeStruct((N, H), jnp.float32),
        ],
    )(x, w, degp)


def _tc_final_body(acc_ref, degp_ref, y_ref, b_ref,
                   wir_ref, wiz_ref, win_ref, whr_ref, whz_ref, whn_ref,
                   bir_ref, biz_ref, bin_ref, bhr_ref, bhz_ref, bhn_ref,
                   h_ref, out_ref):
    deg = degp_ref[0, :, 0:1] + degp_ref[1, :, 0:1] + 1.0
    dinv = lax.rsqrt(deg)
    y = y_ref[...]
    g = (acc_ref[0] + acc_ref[1] + y) * dinv + b_ref[...]
    h = h_ref[...]
    dot = functools.partial(jnp.dot, preferred_element_type=jnp.float32)
    r = jax.nn.sigmoid(dot(g, wir_ref[...]) + bir_ref[...]
                       + dot(h, whr_ref[...]) + bhr_ref[...])
    z = jax.nn.sigmoid(dot(g, wiz_ref[...]) + biz_ref[...]
                       + dot(h, whz_ref[...]) + bhz_ref[...])
    n = jnp.tanh(dot(g, win_ref[...]) + bin_ref[...]
                 + r * (dot(h, whn_ref[...]) + bhn_ref[...]))
    out_ref[...] = (1.0 - z) * n + z * h


def _tc_final(acc, degp, y, b2, wmats, bvecs, h_mem):
    full = lambda shape: pl.BlockSpec(shape, lambda i: tuple(0 for _ in shape))
    return pl.pallas_call(
        _tc_final_body,
        grid=(NB,),
        in_specs=[
            pl.BlockSpec((NC, RB, H), lambda i: (0, i, 0)),
            pl.BlockSpec((NC, RB, 16), lambda i: (0, i, 0)),
            pl.BlockSpec((RB, H), lambda i: (i, 0)),
            full((1, H)),
            *[full((H, H)) for _ in range(6)],
            *[full((1, H)) for _ in range(6)],
            pl.BlockSpec((RB, H), lambda i: (i, 0)),
        ],
        out_specs=pl.BlockSpec((RB, H), lambda i: (i, 0)),
        out_shape=jax.ShapeDtypeStruct((N, H), jnp.float32),
    )(acc, degp, y, b2, *wmats, *bvecs, h_mem)


def kernel(x, edge_index, W, b, W_ih, W_hh, b_ih, b_hh, h_mem):
    ei = edge_index.astype(jnp.int32)
    src = ei[0].reshape(E)
    dst = ei[1].reshape(E)

    ones8 = jnp.repeat(jnp.eye(8, dtype=jnp.float32), 16, axis=1)

    degp8 = _sc_deg(dst, ones8)
    degp = degp8.reshape(NC, NPAD, 16)
    yd, y = _tc_mid(x, W, degp)
    acc = _sc_agg(src, dst, yd.reshape(2 * NPAD, 128))
    acc = acc.reshape(NC, NPAD, H)

    wm = [W_ih[0:H].T, W_ih[H:2 * H].T, W_ih[2 * H:3 * H].T,
          W_hh[0:H].T, W_hh[H:2 * H].T, W_hh[2 * H:3 * H].T]
    bv = [b_ih[0:H].reshape(1, H), b_ih[H:2 * H].reshape(1, H),
          b_ih[2 * H:3 * H].reshape(1, H),
          b_hh[0:H].reshape(1, H), b_hh[H:2 * H].reshape(1, H),
          b_hh[2 * H:3 * H].reshape(1, H)]
    return _tc_final(acc, degp, y, b.reshape(1, H), wm, bv, h_mem)

# --- scband reference (transcript-rebuilt; emitter-appended) ---
"""Pipeline reference for scband-diy-tgcn-18159121727862 (READ-ONLY COPY).

The authoritative reference and input builder live on the scoring server;
editing this copy changes nothing except your own understanding.
"""

import jax, jax.numpy as jnp
import numpy as np

N = 10000
E = 320000
D_IN = 128
H = 64


def setup_inputs(seed: int = 0) -> dict:
    key = jax.random.key(seed)
    k = jax.random.split(key, 8)
    x = jax.random.normal(k[0], (N, D_IN), dtype=jnp.float32)
    edge_index = jax.random.randint(k[1], (2, E), 0, N, dtype=jnp.int64)
    # GCNConv params (PyG default: glorot weight, zero bias)
    W = jax.random.normal(k[2], (D_IN, H), dtype=jnp.float32) * (1.0 / np.sqrt(D_IN))
    b = jnp.zeros((H,), dtype=jnp.float32)
    # GRUCell params (torch layout: weight_ih [3H, H_in], weight_hh [3H, H])
    s = 1.0 / np.sqrt(H)
    W_ih = jax.random.uniform(k[3], (3 * H, H), dtype=jnp.float32, minval=-s, maxval=s)
    W_hh = jax.random.uniform(k[4], (3 * H, H), dtype=jnp.float32, minval=-s, maxval=s)
    b_ih = jax.random.uniform(k[5], (3 * H,), dtype=jnp.float32, minval=-s, maxval=s)
    b_hh = jax.random.uniform(k[6], (3 * H,), dtype=jnp.float32, minval=-s, maxval=s)
    h_mem = jnp.zeros((N, H), dtype=jnp.float32)
    return {"x": x, "edge_index": edge_index, "W": W, "b": b,
            "W_ih": W_ih, "W_hh": W_hh, "b_ih": b_ih, "b_hh": b_hh, "h_mem": h_mem}


def _gcn_conv(x, edge_index, W, b):
    n = x.shape[0]
    loop = jnp.arange(n, dtype=edge_index.dtype)
    src = jnp.concatenate([edge_index[0], loop])
    dst = jnp.concatenate([edge_index[1], loop])
    ew = jnp.ones(src.shape[0], dtype=x.dtype)
    deg = jnp.zeros((n,), dtype=x.dtype).at[dst].add(ew)
    dinv = jnp.where(deg > 0, 1.0 / jnp.sqrt(deg), 0.0)
    norm = dinv[src] * ew * dinv[dst]
    xw = x @ W
    msg = xw[src] * norm[:, None]
    out = jnp.zeros((n, xw.shape[1]), dtype=x.dtype).at[dst].add(msg)
    return out + b


def _gru_cell(inp, h, W_ih, W_hh, b_ih, b_hh):
    gi = inp @ W_ih.T + b_ih
    gh = h @ W_hh.T + b_hh
    i_r, i_z, i_n = jnp.split(gi, 3, axis=1)
    h_r, h_z, h_n = jnp.split(gh, 3, axis=1)
    r = jax.nn.sigmoid(i_r + h_r)
    z = jax.nn.sigmoid(i_z + h_z)
    nng = jnp.tanh(i_n + r * h_n)
    return (1.0 - z) * nng + z * h


def reference(x, edge_index, W, b, W_ih, W_hh, b_ih, b_hh, h_mem):
    gcn_out = _gcn_conv(x, edge_index, W, b)
    h_new = _gru_cell(gcn_out, h_mem, W_ih, W_hh, b_ih, b_hh)
    return h_new

if __name__ == "__main__":
    import jax
    _d = setup_inputs()
    print(jax.jit(kernel)(*tuple(_d.values())))

</pallas_src>

<mosaic_0001>
#map = affine_map<(d0, d1) -> (0)>
#map1 = affine_map<(d0, d1) -> (0, 0)>
#map2 = affine_map<(d0, d1) -> (0, 0, 0)>
module attributes {stable_mosaic.version = 14 : i64} {
  func.func @_sc_agg_body(%arg0: i32, %arg1: i32, %arg2: memref<320000xi32, #tpu.memory_space<hbm>>, %arg3: memref<320000xi32, #tpu.memory_space<hbm>>, %arg4: memref<20480x128xf32, #tpu.memory_space<hbm>>, %arg5: memref<2x5120x128xf32, #tpu.memory_space<hbm>>, %arg6: memref<10000xi32, #tpu.memory_space<vmem>>, %arg7: memref<10000xi32, #tpu.memory_space<vmem>>, %arg8: memref<16x128xf32, #tpu.memory_space<vmem>>, %arg9: memref<16x128xf32, #tpu.memory_space<vmem>>, %arg10: memref<16x128xf32, #tpu.memory_space<vmem>>, %arg11: memref<16x128xf32, #tpu.memory_space<vmem>>, %arg12: memref<128x128xf32, #tpu.memory_space<vmem>>, %arg13: memref<5120x128xf32, #tpu.memory_space<vmem_shared>>, %arg14: memref<!tpu.dma_semaphore, #tpu.memory_space<semaphore_mem>>, %arg15: memref<!tpu.dma_semaphore, #tpu.memory_space<semaphore_mem>>, %arg16: memref<!tpu.dma_semaphore, #tpu.memory_space<semaphore_mem>>, %arg17: memref<!tpu.dma_semaphore, #tpu.memory_space<semaphore_mem>>, %arg18: memref<!tpu.dma_semaphore, #tpu.memory_space<semaphore_mem>>, %arg19: memref<!tpu.dma_semaphore, #tpu.memory_space<semaphore_mem>>, %arg20: memref<!tpu.dma_semaphore, #tpu.memory_space<semaphore_mem>>, %arg21: memref<!tpu.dma_semaphore, #tpu.memory_space<semaphore_mem>>) attributes {dimension_semantics = [#tpu.dimension_semantics<core_parallel>, #tpu.dimension_semantics<subcore_parallel>], iteration_bounds = array<i64: 2, 16>, scalar_prefetch = 0 : i64, scratch_operands = 16 : i64, tpu.core_type = #tpu.core_type<sc_vector_subcore>, window_params = [{transform_indices = #map}, {transform_indices = #map}, {transform_indices = #map1}, {transform_indices = #map2}]} {
    %mul3A = arith.constant 2 : i32
    %mul3A_0 = arith.muli %arg1, %mul3A : i32
    %add3A = arith.addi %mul3A_0, %arg0 : i32
    %broadcast_in_dim3A = arith.constant 0.000000e+00 : f32
    %broadcast_in_dim3A_1 = vector.broadcast %broadcast_in_dim3A : f32 to vector<16xf32>
    %scan3A = arith.constant 0 : i32
    %scan3A_2 = arith.constant 0 : i32
    %scan3A_3 = arith.constant 128 : i32
    %scan3A_4 = arith.addi %scan3A_2, %scan3A_3 : i32
    %scan3A_5 = arith.constant 1 : i32
    scf.for %scan3A_184 = %scan3A_2 to %scan3A_4 step %scan3A_5  : i32 {
      %swap3A = arith.index_cast %scan3A_184 : i32 to index
      %swap3A_185 = arith.constant 0 : index
      %swap3A_186 = tpu.vector_load %arg12[%swap3A, %swap3A_185] {strides = array<i32>} : memref<128x128xf32, #tpu.memory_space<vmem>>, vector<1x16xf32>,
      %swap3A_187 = vector.shape_cast %swap3A_186 : vector<1x16xf32> to vector<16xf32>
      %swap3A_188 = vector.shape_cast %broadcast_in_dim3A_1 : vector<16xf32> to vector<1x16xf32>
      tpu.vector_store %arg12[%swap3A, %swap3A_185], %swap3A_188 {strides = array<i32>} : memref<128x128xf32, #tpu.memory_space<vmem>>, vector<1x16xf32>,
      %swap3A_189 = arith.index_cast %scan3A_184 : i32 to index
      %swap3A_190 = arith.constant 16 : index
      %swap3A_191 = tpu.vector_load %arg12[%swap3A_189, %swap3A_190] {strides = array<i32>} : memref<128x128xf32, #tpu.memory_space<vmem>>, vector<1x16xf32>,
      %swap3A_192 = vector.shape_cast %swap3A_191 : vector<1x16xf32> to vector<16xf32>
      %swap3A_193 = vector.shape_cast %broadcast_in_dim3A_1 : vector<16xf32> to vector<1x16xf32>
      tpu.vector_store %arg12[%swap3A_189, %swap3A_190], %swap3A_193 {strides = array<i32>} : memref<128x128xf32, #tpu.memory_space<vmem>>, vector<1x16xf32>,
      %swap3A_194 = arith.index_cast %scan3A_184 : i32 to index
      %swap3A_195 = arith.constant 32 : index
      %swap3A_196 = tpu.vector_load %arg12[%swap3A_194, %swap3A_195] {strides = array<i32>} : memref<128x128xf32, #tpu.memory_space<vmem>>, vector<1x16xf32>,
      %swap3A_197 = vector.shape_cast %swap3A_196 : vector<1x16xf32> to vector<16xf32>
      %swap3A_198 = vector.shape_cast %broadcast_in_dim3A_1 : vector<16xf32> to vector<1x16xf32>
      tpu.vector_store %arg12[%swap3A_194, %swap3A_195], %swap3A_198 {strides = array<i32>} : memref<128x128xf32, #tpu.memory_space<vmem>>, vector<1x16xf32>,
      %swap3A_199 = arith.index_cast %scan3A_184 : i32 to index
      %swap3A_200 = arith.constant 48 : index
      %swap3A_201 = tpu.vector_load %arg12[%swap3A_199, %swap3A_200] {strides = array<i32>} : memref<128x128xf32, #tpu.memory_space<vmem>>, vector<1x16xf32>,
      %swap3A_202 = vector.shape_cast %swap3A_201 : vector<1x16xf32> to vector<16xf32>
      %swap3A_203 = vector.shape_cast %broadcast_in_dim3A_1 : vector<16xf32> to vector<1x16xf32>
      tpu.vector_store %arg12[%swap3A_199, %swap3A_200], %swap3A_203 {strides = array<i32>} : memref<128x128xf32, #tpu.memory_space<vmem>>, vector<1x16xf32>,
      %swap3A_204 = arith.index_cast %scan3A_184 : i32 to index
      %swap3A_205 = arith.constant 64 : index
      %swap3A_206 = tpu.vector_load %arg12[%swap3A_204, %swap3A_205] {strides = array<i32>} : memref<128x128xf32, #tpu.memory_space<vmem>>, vector<1x16xf32>,
      %swap3A_207 = vector.shape_cast %swap3A_206 : vector<1x16xf32> to vector<16xf32>
      %swap3A_208 = vector.shape_cast %broadcast_in_dim3A_1 : vector<16xf32> to vector<1x16xf32>
      tpu.vector_store %arg12[%swap3A_204, %swap3A_205], %swap3A_208 {strides = array<i32>} : memref<128x128xf32, #tpu.memory_space<vmem>>, vector<1x16xf32>,
      %swap3A_209 = arith.index_cast %scan3A_184 : i32 to index
      %swap3A_210 = arith.constant 80 : index
      %swap3A_211 = tpu.vector_load %arg12[%swap3A_209, %swap3A_210] {strides = array<i32>} : memref<128x128xf32, #tpu.memory_space<vmem>>, vector<1x16xf32>,
      %swap3A_212 = vector.shape_cast %swap3A_211 : vector<1x16xf32> to vector<16xf32>
      %swap3A_213 = vector.shape_cast %broadcast_in_dim3A_1 : vector<16xf32> to vector<1x16xf32>
      tpu.vector_store %arg12[%swap3A_209, %swap3A_210], %swap3A_213 {strides = array<i32>} : memref<128x128xf32, #tpu.memory_space<vmem>>, vector<1x16xf32>,
      %swap3A_214 = arith.index_cast %scan3A_184 : i32 to index
      %swap3A_215 = arith.constant 96 : index
      %swap3A_216 = tpu.vector_load %arg12[%swap3A_214, %swap3A_215] {strides = array<i32>} : memref<128x128xf32, #tpu.memory_space<vmem>>, vector<1x16xf32>,
      %swap3A_217 = vector.shape_cast %swap3A_216 : vector<1x16xf32> to vector<16xf32>
      %swap3A_218 = vector.shape_cast %broadcast_in_dim3A_1 : vector<16xf32> to vector<1x16xf32>
      tpu.vector_store %arg12[%swap3A_214, %swap3A_215], %swap3A_218 {strides = array<i32>} : memref<128x128xf32, #tpu.memory_space<vmem>>, vector<1x16xf32>,
      %swap3A_219 = arith.index_cast %scan3A_184 : i32 to index
      %swap3A_220 = arith.constant 112 : index
      %swap3A_221 = tpu.vector_load %arg12[%swap3A_219, %swap3A_220] {strides = array<i32>} : memref<128x128xf32, #tpu.memory_space<vmem>>, vector<1x16xf32>,
      %swap3A_222 = vector.shape_cast %swap3A_221 : vector<1x16xf32> to vector<16xf32>
      %swap3A_223 = vector.shape_cast %broadcast_in_dim3A_1 : vector<16xf32> to vector<1x16xf32>
      tpu.vector_store %arg12[%swap3A_219, %swap3A_220], %swap3A_223 {strides = array<i32>} : memref<128x128xf32, #tpu.memory_space<vmem>>, vector<1x16xf32>,
    }
    %scan3A_6 = arith.constant 128 : i32
    %mul3A_7 = arith.constant 320 : i32
    %mul3A_8 = arith.muli %arg1, %mul3A_7 : i32
    "tpu.region"() ({
      %run_scoped3A = tpu.sem_alloc : memref<!tpu.dma_semaphore, #tpu.memory_space<semaphore_mem>>
      %dma_start3A_184 = arith.constant 0 : i32
      %dma_start3A_185 = tpu.memref_slice %arg13[%mul3A_8, %dma_start3A_184] : memref<5120x128xf32, #tpu.memory_space<vmem_shared>> -> memref<128x128xf32, #tpu.memory_space<vmem_shared>>
      %dma_start3A_186 = arith.constant 0 : i32
      %dma_start3A_187 = tpu.memref_slice %arg13[%mul3A_8, %dma_start3A_186] : memref<5120x128xf32, #tpu.memory_space<vmem_shared>> -> memref<128x128xf32, #tpu.memory_space<vmem_shared>>
      tpu.enqueue_dma source(%arg12 : memref<128x128xf32, #tpu.memory_space<vmem>>) target(%dma_start3A_187 : memref<128x128xf32, #tpu.memory_space<vmem_shared>>) target_semaphore(%run_scoped3A : memref<!tpu.dma_semaphore, #tpu.memory_space<semaphore_mem>>)
      %dma_wait3A_188 = arith.constant 0 : i32
      %dma_wait3A_189 = tpu.memref_slice %arg13[%mul3A_8, %dma_wait3A_188] : memref<5120x128xf32, #tpu.memory_space<vmem_shared>> -> memref<128x128xf32, #tpu.memory_space<vmem_shared>>
      %dma_wait3A_190 = arith.constant 0 : i32
      %dma_wait3A_191 = tpu.memref_slice %arg13[%mul3A_8, %dma_wait3A_190] : memref<5120x128xf32, #tpu.memory_space<vmem_shared>> -> memref<128x128xf32, #tpu.memory_space<vmem_shared>>
      tpu.wait_dma2 semaphore(%run_scoped3A : memref<!tpu.dma_semaphore, #tpu.memory_space<semaphore_mem>>) src(%arg12 : memref<128x128xf32, #tpu.memory_space<vmem>>) dst(%dma_wait3A_191 : memref<128x128xf32, #tpu.memory_space<vmem_shared>>)
      tpu.yield
    }) : () -> ()
    %add3A_9 = arith.constant 128 : i32
    %add3A_10 = arith.addi %mul3A_8, %add3A_9 : i32
    "tpu.region"() ({
      %run_scoped3A = tpu.sem_alloc : memref<!tpu.dma_semaphore, #tpu.memory_space<semaphore_mem>>
      %dma_start3A_184 = arith.constant 0 : i32
      %dma_start3A_185 = tpu.memref_slice %arg13[%add3A_10, %dma_start3A_184] : memref<5120x128xf32, #tpu.memory_space<vmem_shared>> -> memref<128x128xf32, #tpu.memory_space<vmem_shared>>
      %dma_start3A_186 = arith.constant 0 : i32
      %dma_start3A_187 = tpu.memref_slice %arg13[%add3A_10, %dma_start3A_186] : memref<5120x128xf32, #tpu.memory_space<vmem_shared>> -> memref<128x128xf32, #tpu.memory_space<vmem_shared>>
      tpu.enqueue_dma source(%arg12 : memref<128x128xf32, #tpu.memory_space<vmem>>) target(%dma_start3A_187 : memref<128x128xf32, #tpu.memory_space<vmem_shared>>) target_semaphore(%run_scoped3A : memref<!tpu.dma_semaphore, #tpu.memory_space<semaphore_mem>>)
      %dma_wait3A_188 = arith.constant 0 : i32
      %dma_wait3A_189 = tpu.memref_slice %arg13[%add3A_10, %dma_wait3A_188] : memref<5120x128xf32, #tpu.memory_space<vmem_shared>> -> memref<128x128xf32, #tpu.memory_space<vmem_shared>>
      %dma_wait3A_190 = arith.constant 0 : i32
      %dma_wait3A_191 = tpu.memref_slice %arg13[%add3A_10, %dma_wait3A_190] : memref<5120x128xf32, #tpu.memory_space<vmem_shared>> -> memref<128x128xf32, #tpu.memory_space<vmem_shared>>
      tpu.wait_dma2 semaphore(%run_scoped3A : memref<!tpu.dma_semaphore, #tpu.memory_space<semaphore_mem>>) src(%arg12 : memref<128x128xf32, #tpu.memory_space<vmem>>) dst(%dma_wait3A_191 : memref<128x128xf32, #tpu.memory_space<vmem_shared>>)
      tpu.yield
    }) : () -> ()
    %add3A_11 = arith.constant 256 : i32
    %add3A_12 = arith.addi %mul3A_8, %add3A_11 : i32
    "tpu.region"() ({
      %run_scoped3A = tpu.sem_alloc : memref<!tpu.dma_semaphore, #tpu.memory_space<semaphore_mem>>
      %dma_start3A_184 = arith.constant 0 : i32
      %dma_start3A_185 = arith.constant 0 : i32
      %dma_start3A_186 = tpu.memref_slice %arg12[%dma_start3A_184, %dma_start3A_185] : memref<128x128xf32, #tpu.memory_space<vmem>> -> memref<64x128xf32, #tpu.memory_space<vmem>>
      %dma_start3A_187 = arith.constant 0 : i32
      %dma_start3A_188 = tpu.memref_slice %arg13[%add3A_12, %dma_start3A_187] : memref<5120x128xf32, #tpu.memory_space<vmem_shared>> -> memref<64x128xf32, #tpu.memory_space<vmem_shared>>
      %dma_start3A_189 = arith.constant 0 : i32
      %dma_start3A_190 = tpu.memref_slice %arg13[%add3A_12, %dma_start3A_189] : memref<5120x128xf32, #tpu.memory_space<vmem_shared>> -> memref<64x128xf32, #tpu.memory_space<vmem_shared>>
      %dma_start3A_191 = arith.constant 0 : i32
      %dma_start3A_192 = arith.constant 0 : i32
      %dma_start3A_193 = tpu.memref_slice %arg12[%dma_start3A_191, %dma_start3A_192] : memref<128x128xf32, #tpu.memory_space<vmem>> -> memref<64x128xf32, #tpu.memory_space<vmem>>
      tpu.enqueue_dma source(%dma_start3A_193 : memref<64x128xf32, #tpu.memory_space<vmem>>) target(%dma_start3A_190 : memref<64x128xf32, #tpu.memory_space<vmem_shared>>) target_semaphore(%run_scoped3A : memref<!tpu.dma_semaphore, #tpu.memory_space<semaphore_mem>>)
      %dma_wait3A_194 = arith.constant 0 : i32
      %dma_wait3A_195 = arith.constant 0 : i32
      %dma_wait3A_196 = tpu.memref_slice %arg12[%dma_wait3A_194, %dma_wait3A_195] : memref<128x128xf32, #tpu.memory_space<vmem>> -> memref<64x128xf32, #tpu.memory_space<vmem>>
      %dma_wait3A_197 = arith.constant 0 : i32
      %dma_wait3A_198 = tpu.memref_slice %arg13[%add3A_12, %dma_wait3A_197] : memref<5120x128xf32, #tpu.memory_space<vmem_shared>> -> memref<64x128xf32, #tpu.memory_space<vmem_shared>>
      %dma_wait3A_199 = arith.constant 0 : i32
      %dma_wait3A_200 = tpu.memref_slice %arg13[%add3A_12, %dma_wait3A_199] : memref<5120x128xf32, #tpu.memory_space<vmem_shared>> -> memref<64x128xf32, #tpu.memory_space<vmem_shared>>
      %dma_wait3A_201 = arith.constant 0 : i32
      %dma_wait3A_202 = arith.constant 0 : i32
      %dma_wait3A_203 = tpu.memref_slice %arg12[%dma_wait3A_201, %dma_wait3A_202] : memref<128x128xf32, #tpu.memory_space<vmem>> -> memref<64x128xf32, #tpu.memory_space<vmem>>
      tpu.wait_dma2 semaphore(%run_scoped3A : memref<!tpu.dma_semaphore, #tpu.memory_space<semaphore_mem>>) src(%dma_wait3A_203 : memref<64x128xf32, #tpu.memory_space<vmem>>) dst(%dma_wait3A_200 : memref<64x128xf32, #tpu.memory_space<vmem_shared>>)
      tpu.yield
    }) : () -> ()
    %mul3A_13 = arith.constant 10000 : i32
    %mul3A_14 = arith.muli %add3A, %mul3A_13 : i32
    "tpu.region"() ({
      %run_scoped3A = tpu.sem_alloc : memref<!tpu.dma_semaphore, #tpu.memory_space<semaphore_mem>>
      %dma_start3A_184 = tpu.memref_slice %arg2[%mul3A_14] : memref<320000xi32, #tpu.memory_space<hbm>> -> memref<10000xi32, #tpu.memory_space<hbm>>
      %dma_start3A_185 = tpu.memref_slice %arg2[%mul3A_14] : memref<320000xi32, #tpu.memory_space<hbm>> -> memref<10000xi32, #tpu.memory_space<hbm>>
      tpu.enqueue_dma source(%dma_start3A_185 : memref<10000xi32, #tpu.memory_space<hbm>>) target(%arg6 : memref<10000xi32, #tpu.memory_space<vmem>>) target_semaphore(%run_scoped3A : memref<!tpu.dma_semaphore, #tpu.memory_space<semaphore_mem>>)
      %dma_wait3A_186 = tpu.memref_slice %arg2[%mul3A_14] : memref<320000xi32, #tpu.memory_space<hbm>> -> memref<10000xi32, #tpu.memory_space<hbm>>
      %dma_wait3A_187 = tpu.memref_slice %arg2[%mul3A_14] : memref<320000xi32, #tpu.memory_space<hbm>> -> memref<10000xi32, #tpu.memory_space<hbm>>
      tpu.wait_dma2 semaphore(%run_scoped3A : memref<!tpu.dma_semaphore, #tpu.memory_space<semaphore_mem>>) src(%dma_wait3A_187 : memref<10000xi32, #tpu.memory_space<hbm>>) dst(%arg6 : memref<10000xi32, #tpu.memory_space<vmem>>)
      tpu.yield
    }) : () -> ()
    %mul3A_15 = arith.constant 10000 : i32
    %mul3A_16 = arith.muli %add3A, %mul3A_15 : i32
    "tpu.region"() ({
      %run_scoped3A = tpu.sem_alloc : memref<!tpu.dma_semaphore, #tpu.memory_space<semaphore_mem>>
      %dma_start3A_184 = tpu.memref_slice %arg3[%mul3A_16] : memref<320000xi32, #tpu.memory_space<hbm>> -> memref<10000xi32, #tpu.memory_space<hbm>>
      %dma_start3A_185 = tpu.memref_slice %arg3[%mul3A_16] : memref<320000xi32, #tpu.memory_space<hbm>> -> memref<10000xi32, #tpu.memory_space<hbm>>
      tpu.enqueue_dma source(%dma_start3A_185 : memref<10000xi32, #tpu.memory_space<hbm>>) target(%arg7 : memref<10000xi32, #tpu.memory_space<vmem>>) target_semaphore(%run_scoped3A : memref<!tpu.dma_semaphore, #tpu.memory_space<semaphore_mem>>)
      %dma_wait3A_186 = tpu.memref_slice %arg3[%mul3A_16] : memref<320000xi32, #tpu.memory_space<hbm>> -> memref<10000xi32, #tpu.memory_space<hbm>>
      %dma_wait3A_187 = tpu.memref_slice %arg3[%mul3A_16] : memref<320000xi32, #tpu.memory_space<hbm>> -> memref<10000xi32, #tpu.memory_space<hbm>>
      tpu.wait_dma2 semaphore(%run_scoped3A : memref<!tpu.dma_semaphore, #tpu.memory_space<semaphore_mem>>) src(%dma_wait3A_187 : memref<10000xi32, #tpu.memory_space<hbm>>) dst(%arg7 : memref<10000xi32, #tpu.memory_space<vmem>>)
      tpu.yield
    }) : () -> ()
    %barrier3A = arith.constant 0 : index
    tpu.barrier barrier_id(%barrier3A)
    %broadcast_in_dim3A_17 = arith.constant 1 : i32
    %broadcast_in_dim3A_18 = vector.broadcast %broadcast_in_dim3A_17 : i32 to vector<16xi32>
    %broadcast_in_dim3A_19 = arith.constant 10240 : i32
    %broadcast_in_dim3A_20 = vector.broadcast %broadcast_in_dim3A_19 : i32 to vector<16xi32>
    %get3A = arith.constant 0 : index
    %get3A_21 = tpu.vector_load %arg6[%get3A] {strides = array<i32>} : memref<10000xi32, #tpu.memory_space<vmem>>, vector<16xi32>,
    %get3A_22 = vector.shape_cast %get3A_21 : vector<16xi32> to vector<16xi32>
    %get3A_23 = arith.constant 0 : index
    %get3A_24 = tpu.vector_load %arg7[%get3A_23] {strides = array<i32>} : memref<10000xi32, #tpu.memory_space<vmem>>, vector<16xi32>,
    %get3A_25 = vector.shape_cast %get3A_24 : vector<16xi32> to vector<16xi32>
    %and3A = arith.andi %get3A_25, %broadcast_in_dim3A_18 : vector<16xi32>
    %mul3A_26 = arith.muli %and3A, %broadcast_in_dim3A_20 : vector<16xi32>
    %add3A_27 = arith.addi %get3A_22, %mul3A_26 : vector<16xi32>
    %dma_start3A = arith.constant 0 : i32
    %dma_start3A_28 = arith.constant 0 : i32
    %dma_start3A_29 = tpu.memref_slice %arg4[%dma_start3A, %dma_start3A_28] : memref<20480x128xf32, #tpu.memory_space<hbm>> -> memref<20480x128xf32, #tpu.memory_space<hbm>>
    tpu.enqueue_indirect_dma source(%dma_start3A_29 : memref<20480x128xf32, #tpu.memory_space<hbm>>) target(%arg8 : memref<16x128xf32, #tpu.memory_space<vmem>>) offsets(%add3A_27 : vector<16xi32>) semaphore(%arg14 : memref<!tpu.dma_semaphore, #tpu.memory_space<semaphore_mem>>)
    %get3A_30 = arith.constant 16 : index
    %get3A_31 = tpu.vector_load %arg6[%get3A_30] {strides = array<i32>} : memref<10000xi32, #tpu.memory_space<vmem>>, vector<16xi32>,
    %get3A_32 = vector.shape_cast %get3A_31 : vector<16xi32> to vector<16xi32>
    %get3A_33 = arith.constant 16 : index
    %get3A_34 = tpu.vector_load %arg7[%get3A_33] {strides = array<i32>} : memref<10000xi32, #tpu.memory_space<vmem>>, vector<16xi32>,
    %get3A_35 = vector.shape_cast %get3A_34 : vector<16xi32> to vector<16xi32>
    %and3A_36 = arith.andi %get3A_35, %broadcast_in_dim3A_18 : vector<16xi32>
    %mul3A_37 = arith.muli %and3A_36, %broadcast_in_dim3A_20 : vector<16xi32>
    %add3A_38 = arith.addi %get3A_32, %mul3A_37 : vector<16xi32>
    %dma_start3A_39 = arith.constant 0 : i32
    %dma_start3A_40 = arith.constant 0 : i32
    %dma_start3A_41 = tpu.memref_slice %arg4[%dma_start3A_39, %dma_start3A_40] : memref<20480x128xf32, #tpu.memory_space<hbm>> -> memref<20480x128xf32, #tpu.memory_space<hbm>>
    tpu.enqueue_indirect_dma source(%dma_start3A_41 : memref<20480x128xf32, #tpu.memory_space<hbm>>) target(%arg9 : memref<16x128xf32, #tpu.memory_space<vmem>>) offsets(%add3A_38 : vector<16xi32>) semaphore(%arg15 : memref<!tpu.dma_semaphore, #tpu.memory_space<semaphore_mem>>)
    %get3A_42 = arith.constant 32 : index
    %get3A_43 = tpu.vector_load %arg6[%get3A_42] {strides = array<i32>} : memref<10000xi32, #tpu.memory_space<vmem>>, vector<16xi32>,
    %get3A_44 = vector.shape_cast %get3A_43 : vector<16xi32> to vector<16xi32>
    %get3A_45 = arith.constant 32 : index
    %get3A_46 = tpu.vector_load %arg7[%get3A_45] {strides = array<i32>} : memref<10000xi32, #tpu.memory_space<vmem>>, vector<16xi32>,
    %get3A_47 = vector.shape_cast %get3A_46 : vector<16xi32> to vector<16xi32>
    %and3A_48 = arith.andi %get3A_47, %broadcast_in_dim3A_18 : vector<16xi32>
    %mul3A_49 = arith.muli %and3A_48, %broadcast_in_dim3A_20 : vector<16xi32>
    %add3A_50 = arith.addi %get3A_44, %mul3A_49 : vector<16xi32>
    %dma_start3A_51 = arith.constant 0 : i32
    %dma_start3A_52 = arith.constant 0 : i32
    %dma_start3A_53 = tpu.memref_slice %arg4[%dma_start3A_51, %dma_start3A_52] : memref<20480x128xf32, #tpu.memory_space<hbm>> -> memref<20480x128xf32, #tpu.memory_space<hbm>>
    tpu.enqueue_indirect_dma source(%dma_start3A_53 : memref<20480x128xf32, #tpu.memory_space<hbm>>) target(%arg10 : memref<16x128xf32, #tpu.memory_space<vmem>>) offsets(%add3A_50 : vector<16xi32>) semaphore(%arg16 : memref<!tpu.dma_semaphore, #tpu.memory_space<semaphore_mem>>)
    %get3A_54 = arith.constant 48 : index
    %get3A_55 = tpu.vector_load %arg6[%get3A_54] {strides = array<i32>} : memref<10000xi32, #tpu.memory_space<vmem>>, vector<16xi32>,
    %get3A_56 = vector.shape_cast %get3A_55 : vector<16xi32> to vector<16xi32>
    %get3A_57 = arith.constant 48 : index
    %get3A_58 = tpu.vector_load %arg7[%get3A_57] {strides = array<i32>} : memref<10000xi32, #tpu.memory_space<vmem>>, vector<16xi32>,
    %get3A_59 = vector.shape_cast %get3A_58 : vector<16xi32> to vector<16xi32>
    %and3A_60 = arith.andi %get3A_59, %broadcast_in_dim3A_18 : vector<16xi32>
    %mul3A_61 = arith.muli %and3A_60, %broadcast_in_dim3A_20 : vector<16xi32>
    %add3A_62 = arith.addi %get3A_56, %mul3A_61 : vector<16xi32>
    %dma_start3A_63 = arith.constant 0 : i32
    %dma_start3A_64 = arith.constant 0 : i32
    %dma_start3A_65 = tpu.memref_slice %arg4[%dma_start3A_63, %dma_start3A_64] : memref<20480x128xf32, #tpu.memory_space<hbm>> -> memref<20480x128xf32, #tpu.memory_space<hbm>>
    tpu.enqueue_indirect_dma source(%dma_start3A_65 : memref<20480x128xf32, #tpu.memory_space<hbm>>) target(%arg11 : memref<16x128xf32, #tpu.memory_space<vmem>>) offsets(%add3A_62 : vector<16xi32>) semaphore(%arg17 : memref<!tpu.dma_semaphore, #tpu.memory_space<semaphore_mem>>)
    %scan3A_66 = arith.constant 0 : i32
    %scan3A_67 = arith.constant 0 : i32
    %scan3A_68 = arith.constant 155 : i32
    %scan3A_69 = arith.addi %scan3A_67, %scan3A_68 : i32
    %scan3A_70 = arith.constant 1 : i32
    scf.for %scan3A_184 = %scan3A_67 to %scan3A_69 step %scan3A_70  : i32 {
      %dma_wait3A_185 = arith.constant 0 : i32
      %dma_wait3A_186 = arith.constant 0 : i32
      %dma_wait3A_187 = tpu.memref_slice %arg4[%dma_wait3A_185, %dma_wait3A_186] : memref<20480x128xf32, #tpu.memory_space<hbm>> -> memref<16x128xf32, #tpu.memory_space<hbm>>
      %dma_wait3A_188 = arith.constant 0 : i32
      %dma_wait3A_189 = arith.constant 0 : i32
      %dma_wait3A_190 = tpu.memref_slice %arg4[%dma_wait3A_188, %dma_wait3A_189] : memref<20480x128xf32, #tpu.memory_space<hbm>> -> memref<16x128xf32, #tpu.memory_space<hbm>>
      tpu.wait_dma2 semaphore(%arg14 : memref<!tpu.dma_semaphore, #tpu.memory_space<semaphore_mem>>) src(%dma_wait3A_190 : memref<16x128xf32, #tpu.memory_space<hbm>>) dst(%arg8 : memref<16x128xf32, #tpu.memory_space<vmem>>)
      %mul3A_191 = arith.constant 4 : i32
      %mul3A_192 = arith.muli %mul3A_191, %scan3A_184 : i32
      %add3A_193 = arith.constant 0 : i32
      %add3A_194 = arith.addi %mul3A_192, %add3A_193 : i32
      %mul3A_195 = arith.constant 16 : i32
      %mul3A_196 = arith.muli %add3A_194, %mul3A_195 : i32
      %get3A_197 = arith.index_cast %mul3A_196 : i32 to index
      %get3A_198 = tpu.vector_load %arg7[%get3A_197] {strides = array<i32>} : memref<10000xi32, #tpu.memory_space<vmem>>, vector<16xi32>,
      %get3A_199 = vector.shape_cast %get3A_198 : vector<16xi32> to vector<16xi32>
      %shift_right_logical3A_200 = arith.shrui %get3A_199, %broadcast_in_dim3A_18 : vector<16xi32>
      %dma_start3A_201 = arith.constant 0 : i32
      %dma_start3A_202 = arith.constant 0 : i32
      %dma_start3A_203 = tpu.memref_slice %arg13[%dma_start3A_201, %dma_start3A_202] : memref<5120x128xf32, #tpu.memory_space<vmem_shared>> -> memref<5120x128xf32, #tpu.memory_space<vmem_shared>>
      tpu.enqueue_indirect_dma source(%arg8 : memref<16x128xf32, #tpu.memory_space<vmem>>) target(%dma_start3A_203 : memref<5120x128xf32, #tpu.memory_space<vmem_shared>>) offsets(%shift_right_logical3A_200 : vector<16xi32>) semaphore(%arg18 : memref<!tpu.dma_semaphore, #tpu.memory_space<semaphore_mem>>) {add = true}
      %dma_wait3A_204 = arith.constant 0 : i32
      %dma_wait3A_205 = arith.constant 0 : i32
      %dma_wait3A_206 = tpu.memref_slice %arg4[%dma_wait3A_204, %dma_wait3A_205] : memref<20480x128xf32, #tpu.memory_space<hbm>> -> memref<16x128xf32, #tpu.memory_space<hbm>>
      %dma_wait3A_207 = arith.constant 0 : i32
      %dma_wait3A_208 = arith.constant 0 : i32
      %dma_wait3A_209 = tpu.memref_slice %arg4[%dma_wait3A_207, %dma_wait3A_208] : memref<20480x128xf32, #tpu.memory_space<hbm>> -> memref<16x128xf32, #tpu.memory_space<hbm>>
      tpu.wait_dma2 semaphore(%arg15 : memref<!tpu.dma_semaphore, #tpu.memory_space<semaphore_mem>>) src(%dma_wait3A_209 : memref<16x128xf32, #tpu.memory_space<hbm>>) dst(%arg9 : memref<16x128xf32, #tpu.memory_space<vmem>>)
      %mul3A_210 = arith.constant 4 : i32
      %mul3A_211 = arith.muli %mul3A_210, %scan3A_184 : i32
      %add3A_212 = arith.constant 1 : i32
      %add3A_213 = arith.addi %mul3A_211, %add3A_212 : i32
      %mul3A_214 = arith.constant 16 : i32
      %mul3A_215 = arith.muli %add3A_213, %mul3A_214 : i32
      %get3A_216 = arith.index_cast %mul3A_215 : i32 to index
      %get3A_217 = tpu.vector_load %arg7[%get3A_216] {strides = array<i32>} : memref<10000xi32, #tpu.memory_space<vmem>>, vector<16xi32>,
      %get3A_218 = vector.shape_cast %get3A_217 : vector<16xi32> to vector<16xi32>
      %shift_right_logical3A_219 = arith.shrui %get3A_218, %broadcast_in_dim3A_18 : vector<16xi32>
      %dma_start3A_220 = arith.constant 0 : i32
      %dma_start3A_221 = arith.constant 0 : i32
      %dma_start3A_222 = tpu.memref_slice %arg13[%dma_start3A_220, %dma_start3A_221] : memref<5120x128xf32, #tpu.memory_space<vmem_shared>> -> memref<5120x128xf32, #tpu.memory_space<vmem_shared>>
      tpu.enqueue_indirect_dma source(%arg9 : memref<16x128xf32, #tpu.memory_space<vmem>>) target(%dma_start3A_222 : memref<5120x128xf32, #tpu.memory_space<vmem_shared>>) offsets(%shift_right_logical3A_219 : vector<16xi32>) semaphore(%arg19 : memref<!tpu.dma_semaphore, #tpu.memory_space<semaphore_mem>>) {add = true}
      %dma_wait3A_223 = arith.constant 0 : i32
      %dma_wait3A_224 = arith.constant 0 : i32
      %dma_wait3A_225 = tpu.memref_slice %arg4[%dma_wait3A_223, %dma_wait3A_224] : memref<20480x128xf32, #tpu.memory_space<hbm>> -> memref<16x128xf32, #tpu.memory_space<hbm>>
      %dma_wait3A_226 = arith.constant 0 : i32
      %dma_wait3A_227 = arith.constant 0 : i32
      %dma_wait3A_228 = tpu.memref_slice %arg4[%dma_wait3A_226, %dma_wait3A_227] : memref<20480x128xf32, #tpu.memory_space<hbm>> -> memref<16x128xf32, #tpu.memory_space<hbm>>
      tpu.wait_dma2 semaphore(%arg16 : memref<!tpu.dma_semaphore, #tpu.memory_space<semaphore_mem>>) src(%dma_wait3A_228 : memref<16x128xf32, #tpu.memory_space<hbm>>) dst(%arg10 : memref<16x128xf32, #tpu.memory_space<vmem>>)
      %mul3A_229 = arith.constant 4 : i32
      %mul3A_230 = arith.muli %mul3A_229, %scan3A_184 : i32
      %add3A_231 = arith.constant 2 : i32
      %add3A_232 = arith.addi %mul3A_230, %add3A_231 : i32
      %mul3A_233 = arith.constant 16 : i32
      %mul3A_234 = arith.muli %add3A_232, %mul3A_233 : i32
      %get3A_235 = arith.index_cast %mul3A_234 : i32 to index
      %get3A_236 = tpu.vector_load %arg7[%get3A_235] {strides = array<i32>} : memref<10000xi32, #tpu.memory_space<vmem>>, vector<16xi32>,
      %get3A_237 = vector.shape_cast %get3A_236 : vector<16xi32> to vector<16xi32>
      %shift_right_logical3A_238 = arith.shrui %get3A_237, %broadcast_in_dim3A_18 : vector<16xi32>
      %dma_start3A_239 = arith.constant 0 : i32
      %dma_start3A_240 = arith.constant 0 : i32
      %dma_start3A_241 = tpu.memref_slice %arg13[%dma_start3A_239, %dma_start3A_240] : memref<5120x128xf32, #tpu.memory_space<vmem_shared>> -> memref<5120x128xf32, #tpu.memory_space<vmem_shared>>
      tpu.enqueue_indirect_dma source(%arg10 : memref<16x128xf32, #tpu.memory_space<vmem>>) target(%dma_start3A_241 : memref<5120x128xf32, #tpu.memory_space<vmem_shared>>) offsets(%shift_right_logical3A_238 : vector<16xi32>) semaphore(%arg20 : memref<!tpu.dma_semaphore, #tpu.memory_space<semaphore_mem>>) {add = true}
      %dma_wait3A_242 = arith.constant 0 : i32
      %dma_wait3A_243 = arith.constant 0 : i32
      %dma_wait3A_244 = tpu.memref_slice %arg4[%dma_wait3A_242, %dma_wait3A_243] : memref<20480x128xf32, #tpu.memory_space<hbm>> -> memref<16x128xf32, #tpu.memory_space<hbm>>
      %dma_wait3A_245 = arith.constant 0 : i32
      %dma_wait3A_246 = arith.constant 0 : i32
      %dma_wait3A_247 = tpu.memref_slice %arg4[%dma_wait3A_245, %dma_wait3A_246] : memref<20480x128xf32, #tpu.memory_space<hbm>> -> memref<16x128xf32, #tpu.memory_space<hbm>>
      tpu.wait_dma2 semaphore(%arg17 : memref<!tpu.dma_semaphore, #tpu.memory_space<semaphore_mem>>) src(%dma_wait3A_247 : memref<16x128xf32, #tpu.memory_space<hbm>>) dst(%arg11 : memref<16x128xf32, #tpu.memory_space<vmem>>)
      %mul3A_248 = arith.constant 4 : i32
      %mul3A_249 = arith.muli %mul3A_248, %scan3A_184 : i32
      %add3A_250 = arith.constant 3 : i32
      %add3A_251 = arith.addi %mul3A_249, %add3A_250 : i32
      %mul3A_252 = arith.constant 16 : i32
      %mul3A_253 = arith.muli %add3A_251, %mul3A_252 : i32
      %get3A_254 = arith.index_cast %mul3A_253 : i32 to index
      %get3A_255 = tpu.vector_load %arg7[%get3A_254] {strides = array<i32>} : memref<10000xi32, #tpu.memory_space<vmem>>, vector<16xi32>,
      %get3A_256 = vector.shape_cast %get3A_255 : vector<16xi32> to vector<16xi32>
      %shift_right_logical3A_257 = arith.shrui %get3A_256, %broadcast_in_dim3A_18 : vector<16xi32>
      %dma_start3A_258 = arith.constant 0 : i32
      %dma_start3A_259 = arith.constant 0 : i32
      %dma_start3A_260 = tpu.memref_slice %arg13[%dma_start3A_258, %dma_start3A_259] : memref<5120x128xf32, #tpu.memory_space<vmem_shared>> -> memref<5120x128xf32, #tpu.memory_space<vmem_shared>>
      tpu.enqueue_indirect_dma source(%arg11 : memref<16x128xf32, #tpu.memory_space<vmem>>) target(%dma_start3A_260 : memref<5120x128xf32, #tpu.memory_space<vmem_shared>>) offsets(%shift_right_logical3A_257 : vector<16xi32>) semaphore(%arg21 : memref<!tpu.dma_semaphore, #tpu.memory_space<semaphore_mem>>) {add = true}
      %dma_wait3A_261 = arith.constant 0 : i32
      %dma_wait3A_262 = arith.constant 0 : i32
      %dma_wait3A_263 = tpu.memref_slice %arg13[%dma_wait3A_261, %dma_wait3A_262] : memref<5120x128xf32, #tpu.memory_space<vmem_shared>> -> memref<16x128xf32, #tpu.memory_space<vmem_shared>>
      %dma_wait3A_264 = arith.constant 0 : i32
      %dma_wait3A_265 = arith.constant 0 : i32
      %dma_wait3A_266 = tpu.memref_slice %arg13[%dma_wait3A_264, %dma_wait3A_265] : memref<5120x128xf32, #tpu.memory_space<vmem_shared>> -> memref<16x128xf32, #tpu.memory_space<vmem_shared>>
      tpu.wait_dma2 semaphore(%arg18 : memref<!tpu.dma_semaphore, #tpu.memory_space<semaphore_mem>>) src(%arg8 : memref<16x128xf32, #tpu.memory_space<vmem>>) dst(%dma_wait3A_266 : memref<16x128xf32, #tpu.memory_space<vmem_shared>>)
      %add3A_267 = arith.constant 1 : i32
      %add3A_268 = arith.addi %scan3A_184, %add3A_267 : i32
      %mul3A_269 = arith.constant 4 : i32
      %mul3A_270 = arith.muli %mul3A_269, %add3A_268 : i32
      %add3A_271 = arith.constant 0 : i32
      %add3A_272 = arith.addi %mul3A_270, %add3A_271 : i32
      %mul3A_273 = arith.constant 16 : i32
      %mul3A_274 = arith.muli %add3A_272, %mul3A_273 : i32
      %get3A_275 = arith.index_cast %mul3A_274 : i32 to index
      %get3A_276 = tpu.vector_load %arg6[%get3A_275] {strides = array<i32>} : memref<10000xi32, #tpu.memory_space<vmem>>, vector<16xi32>,
      %get3A_277 = vector.shape_cast %get3A_276 : vector<16xi32> to vector<16xi32>
      %mul3A_278 = arith.constant 16 : i32
      %mul3A_279 = arith.muli %add3A_272, %mul3A_278 : i32
      %get3A_280 = arith.index_cast %mul3A_279 : i32 to index
      %get3A_281 = tpu.vector_load %arg7[%get3A_280] {strides = array<i32>} : memref<10000xi32, #tpu.memory_space<vmem>>, vector<16xi32>,
      %get3A_282 = vector.shape_cast %get3A_281 : vector<16xi32> to vector<16xi32>
      %and3A_283 = arith.andi %get3A_282, %broadcast_in_dim3A_18 : vector<16xi32>
      %mul3A_284 = arith.muli %and3A_283, %broadcast_in_dim3A_20 : vector<16xi32>
      %add3A_285 = arith.addi %get3A_277, %mul3A_284 : vector<16xi32>
      %dma_start3A_286 = arith.constant 0 : i32
      %dma_start3A_287 = arith.constant 0 : i32
      %dma_start3A_288 = tpu.memref_slice %arg4[%dma_start3A_286, %dma_start3A_287] : memref<20480x128xf32, #tpu.memory_space<hbm>> -> memref<20480x128xf32, #tpu.memory_space<hbm>>
      tpu.enqueue_indirect_dma source(%dma_start3A_288 : memref<20480x128xf32, #tpu.memory_space<hbm>>) target(%arg8 : memref<16x128xf32, #tpu.memory_space<vmem>>) offsets(%add3A_285 : vector<16xi32>) semaphore(%arg14 : memref<!tpu.dma_semaphore, #tpu.memory_space<semaphore_mem>>)
      %dma_wait3A_289 = arith.constant 0 : i32
      %dma_wait3A_290 = arith.constant 0 : i32
      %dma_wait3A_291 = tpu.memref_slice %arg13[%dma_wait3A_289, %dma_wait3A_290] : memref<5120x128xf32, #tpu.memory_space<vmem_shared>> -> memref<16x128xf32, #tpu.memory_space<vmem_shared>>
      %dma_wait3A_292 = arith.constant 0 : i32
      %dma_wait3A_293 = arith.constant 0 : i32
      %dma_wait3A_294 = tpu.memref_slice %arg13[%dma_wait3A_292, %dma_wait3A_293] : memref<5120x128xf32, #tpu.memory_space<vmem_shared>> -> memref<16x128xf32, #tpu.memory_space<vmem_shared>>
      tpu.wait_dma2 semaphore(%arg19 : memref<!tpu.dma_semaphore, #tpu.memory_space<semaphore_mem>>) src(%arg9 : memref<16x128xf32, #tpu.memory_space<vmem>>) dst(%dma_wait3A_294 : memref<16x128xf32, #tpu.memory_space<vmem_shared>>)
      %add3A_295 = arith.constant 1 : i32
      %add3A_296 = arith.addi %scan3A_184, %add3A_295 : i32
      %mul3A_297 = arith.constant 4 : i32
      %mul3A_298 = arith.muli %mul3A_297, %add3A_296 : i32
      %add3A_299 = arith.constant 1 : i32
      %add3A_300 = arith.addi %mul3A_298, %add3A_299 : i32
      %mul3A_301 = arith.constant 16 : i32
      %mul3A_302 = arith.muli %add3A_300, %mul3A_301 : i32
      %get3A_303 = arith.index_cast %mul3A_302 : i32 to index
      %get3A_304 = tpu.vector_load %arg6[%get3A_303] {strides = array<i32>} : memref<10000xi32, #tpu.memory_space<vmem>>, vector<16xi32>,
      %get3A_305 = vector.shape_cast %get3A_304 : vector<16xi32> to vector<16xi32>
      %mul3A_306 = arith.constant 16 : i32
      %mul3A_307 = arith.muli %add3A_300, %mul3A_306 : i32
      %get3A_308 = arith.index_cast %mul3A_307 : i32 to index
      %get3A_309 = tpu.vector_load %arg7[%get3A_308] {strides = array<i32>} : memref<10000xi32, #tpu.memory_space<vmem>>, vector<16xi32>,
      %get3A_310 = vector.shape_cast %get3A_309 : vector<16xi32> to vector<16xi32>
      %and3A_311 = arith.andi %get3A_310, %broadcast_in_dim3A_18 : vector<16xi32>
      %mul3A_312 = arith.muli %and3A_311, %broadcast_in_dim3A_20 : vector<16xi32>
      %add3A_313 = arith.addi %get3A_305, %mul3A_312 : vector<16xi32>
      %dma_start3A_314 = arith.constant 0 : i32
      %dma_start3A_315 = arith.constant 0 : i32
      %dma_start3A_316 = tpu.memref_slice %arg4[%dma_start3A_314, %dma_start3A_315] : memref<20480x128xf32, #tpu.memory_space<hbm>> -> memref<20480x128xf32, #tpu.memory_space<hbm>>
      tpu.enqueue_indirect_dma source(%dma_start3A_316 : memref<20480x128xf32, #tpu.memory_space<hbm>>) target(%arg9 : memref<16x128xf32, #tpu.memory_space<vmem>>) offsets(%add3A_313 : vector<16xi32>) semaphore(%arg15 : memref<!tpu.dma_semaphore, #tpu.memory_space<semaphore_mem>>)
      %dma_wait3A_317 = arith.constant 0 : i32
      %dma_wait3A_318 = arith.constant 0 : i32
      %dma_wait3A_319 = tpu.memref_slice %arg13[%dma_wait3A_317, %dma_wait3A_318] : memref<5120x128xf32, #tpu.memory_space<vmem_shared>> -> memref<16x128xf32, #tpu.memory_space<vmem_shared>>
      %dma_wait3A_320 = arith.constant 0 : i32
      %dma_wait3A_321 = arith.constant 0 : i32
      %dma_wait3A_322 = tpu.memref_slice %arg13[%dma_wait3A_320, %dma_wait3A_321] : memref<5120x128xf32, #tpu.memory_space<vmem_shared>> -> memref<16x128xf32, #tpu.memory_space<vmem_shared>>
      tpu.wait_dma2 semaphore(%arg20 : memref<!tpu.dma_semaphore, #tpu.memory_space<semaphore_mem>>) src(%arg10 : memref<16x128xf32, #tpu.memory_space<vmem>>) dst(%dma_wait3A_322 : memref<16x128xf32, #tpu.memory_space<vmem_shared>>)
      %add3A_323 = arith.constant 1 : i32
      %add3A_324 = arith.addi %scan3A_184, %add3A_323 : i32
      %mul3A_325 = arith.constant 4 : i32
      %mul3A_326 = arith.muli %mul3A_325, %add3A_324 : i32
      %add3A_327 = arith.constant 2 : i32
      %add3A_328 = arith.addi %mul3A_326, %add3A_327 : i32
      %mul3A_329 = arith.constant 16 : i32
      %mul3A_330 = arith.muli %add3A_328, %mul3A_329 : i32
      %get3A_331 = arith.index_cast %mul3A_330 : i32 to index
      %get3A_332 = tpu.vector_load %arg6[%get3A_331] {strides = array<i32>} : memref<10000xi32, #tpu.memory_space<vmem>>, vector<16xi32>,
      %get3A_333 = vector.shape_cast %get3A_332 : vector<16xi32> to vector<16xi32>
      %mul3A_334 = arith.constant 16 : i32
      %mul3A_335 = arith.muli %add3A_328, %mul3A_334 : i32
      %get3A_336 = arith.index_cast %mul3A_335 : i32 to index
      %get3A_337 = tpu.vector_load %arg7[%get3A_336] {strides = array<i32>} : memref<10000xi32, #tpu.memory_space<vmem>>, vector<16xi32>,
      %get3A_338 = vector.shape_cast %get3A_337 : vector<16xi32> to vector<16xi32>
      %and3A_339 = arith.andi %get3A_338, %broadcast_in_dim3A_18 : vector<16xi32>
      %mul3A_340 = arith.muli %and3A_339, %broadcast_in_dim3A_20 : vector<16xi32>
      %add3A_341 = arith.addi %get3A_333, %mul3A_340 : vector<16xi32>
      %dma_start3A_342 = arith.constant 0 : i32
      %dma_start3A_343 = arith.constant 0 : i32
      %dma_start3A_344 = tpu.memref_slice %arg4[%dma_start3A_342, %dma_start3A_343] : memref<20480x128xf32, #tpu.memory_space<hbm>> -> memref<20480x128xf32, #tpu.memory_space<hbm>>
      tpu.enqueue_indirect_dma source(%dma_start3A_344 : memref<20480x128xf32, #tpu.memory_space<hbm>>) target(%arg10 : memref<16x128xf32, #tpu.memory_space<vmem>>) offsets(%add3A_341 : vector<16xi32>) semaphore(%arg16 : memref<!tpu.dma_semaphore, #tpu.memory_space<semaphore_mem>>)
      %dma_wait3A_345 = arith.constant 0 : i32
      %dma_wait3A_346 = arith.constant 0 : i32
      %dma_wait3A_347 = tpu.memref_slice %arg13[%dma_wait3A_345, %dma_wait3A_346] : memref<5120x128xf32, #tpu.memory_space<vmem_shared>> -> memref<16x128xf32, #tpu.memory_space<vmem_shared>>
      %dma_wait3A_348 = arith.constant 0 : i32
      %dma_wait3A_349 = arith.constant 0 : i32
      %dma_wait3A_350 = tpu.memref_slice %arg13[%dma_wait3A_348, %dma_wait3A_349] : memref<5120x128xf32, #tpu.memory_space<vmem_shared>> -> memref<16x128xf32, #tpu.memory_space<vmem_shared>>
      tpu.wait_dma2 semaphore(%arg21 : memref<!tpu.dma_semaphore, #tpu.memory_space<semaphore_mem>>) src(%arg11 : memref<16x128xf32, #tpu.memory_space<vmem>>) dst(%dma_wait3A_350 : memref<16x128xf32, #tpu.memory_space<vmem_shared>>)
      %add3A_351 = arith.constant 1 : i32
      %add3A_352 = arith.addi %scan3A_184, %add3A_351 : i32
      %mul3A_353 = arith.constant 4 : i32
      %mul3A_354 = arith.muli %mul3A_353, %add3A_352 : i32
      %add3A_355 = arith.constant 3 : i32
      %add3A_356 = arith.addi %mul3A_354, %add3A_355 : i32
      %mul3A_357 = arith.constant 16 : i32
      %mul3A_358 = arith.muli %add3A_356, %mul3A_357 : i32
      %get3A_359 = arith.index_cast %mul3A_358 : i32 to index
      %get3A_360 = tpu.vector_load %arg6[%get3A_359] {strides = array<i32>} : memref<10000xi32, #tpu.memory_space<vmem>>, vector<16xi32>,
      %get3A_361 = vector.shape_cast %get3A_360 : vector<16xi32> to vector<16xi32>
      %mul3A_362 = arith.constant 16 : i32
      %mul3A_363 = arith.muli %add3A_356, %mul3A_362 : i32
      %get3A_364 = arith.index_cast %mul3A_363 : i32 to index
      %get3A_365 = tpu.vector_load %arg7[%get3A_364] {strides = array<i32>} : memref<10000xi32, #tpu.memory_space<vmem>>, vector<16xi32>,
      %get3A_366 = vector.shape_cast %get3A_365 : vector<16xi32> to vector<16xi32>
      %and3A_367 = arith.andi %get3A_366, %broadcast_in_dim3A_18 : vector<16xi32>
      %mul3A_368 = arith.muli %and3A_367, %broadcast_in_dim3A_20 : vector<16xi32>
      %add3A_369 = arith.addi %get3A_361, %mul3A_368 : vector<16xi32>
      %dma_start3A_370 = arith.constant 0 : i32
      %dma_start3A_371 = arith.constant 0 : i32
      %dma_start3A_372 = tpu.memref_slice %arg4[%dma_start3A_370, %dma_start3A_371] : memref<20480x128xf32, #tpu.memory_space<hbm>> -> memref<20480x128xf32, #tpu.memory_space<hbm>>
      tpu.enqueue_indirect_dma source(%dma_start3A_372 : memref<20480x128xf32, #tpu.memory_space<hbm>>) target(%arg11 : memref<16x128xf32, #tpu.memory_space<vmem>>) offsets(%add3A_369 : vector<16xi32>) semaphore(%arg17 : memref<!tpu.dma_semaphore, #tpu.memory_space<semaphore_mem>>)
    }
    %scan3A_71 = arith.constant 155 : i32
    %dma_wait3A = arith.constant 0 : i32
    %dma_wait3A_72 = arith.constant 0 : i32
    %dma_wait3A_73 = tpu.memref_slice %arg4[%dma_wait3A, %dma_wait3A_72] : memref<20480x128xf32, #tpu.memory_space<hbm>> -> memref<16x128xf32, #tpu.memory_space<hbm>>
    %dma_wait3A_74 = arith.constant 0 : i32
    %dma_wait3A_75 = arith.constant 0 : i32
    %dma_wait3A_76 = tpu.memref_slice %arg4[%dma_wait3A_74, %dma_wait3A_75] : memref<20480x128xf32, #tpu.memory_space<hbm>> -> memref<16x128xf32, #tpu.memory_space<hbm>>
    tpu.wait_dma2 semaphore(%arg14 : memref<!tpu.dma_semaphore, #tpu.memory_space<semaphore_mem>>) src(%dma_wait3A_76 : memref<16x128xf32, #tpu.memory_space<hbm>>) dst(%arg8 : memref<16x128xf32, #tpu.memory_space<vmem>>)
    %get3A_77 = arith.constant 9920 : index
    %get3A_78 = tpu.vector_load %arg7[%get3A_77] {strides = array<i32>} : memref<10000xi32, #tpu.memory_space<vmem>>, vector<16xi32>,
    %get3A_79 = vector.shape_cast %get3A_78 : vector<16xi32> to vector<16xi32>
    %shift_right_logical3A = arith.shrui %get3A_79, %broadcast_in_dim3A_18 : vector<16xi32>
    %dma_start3A_80 = arith.constant 0 : i32
    %dma_start3A_81 = arith.constant 0 : i32
    %dma_start3A_82 = tpu.memref_slice %arg13[%dma_start3A_80, %dma_start3A_81] : memref<5120x128xf32, #tpu.memory_space<vmem_shared>> -> memref<5120x128xf32, #tpu.memory_space<vmem_shared>>
    tpu.enqueue_indirect_dma source(%arg8 : memref<16x128xf32, #tpu.memory_space<vmem>>) target(%dma_start3A_82 : memref<5120x128xf32, #tpu.memory_space<vmem_shared>>) offsets(%shift_right_logical3A : vector<16xi32>) semaphore(%arg18 : memref<!tpu.dma_semaphore, #tpu.memory_space<semaphore_mem>>) {add = true}
    %dma_wait3A_83 = arith.constant 0 : i32
    %dma_wait3A_84 = arith.constant 0 : i32
    %dma_wait3A_85 = tpu.memref_slice %arg4[%dma_wait3A_83, %dma_wait3A_84] : memref<20480x128xf32, #tpu.memory_space<hbm>> -> memref<16x128xf32, #tpu.memory_space<hbm>>
    %dma_wait3A_86 = arith.constant 0 : i32
    %dma_wait3A_87 = arith.constant 0 : i32
    %dma_wait3A_88 = tpu.memref_slice %arg4[%dma_wait3A_86, %dma_wait3A_87] : memref<20480x128xf32, #tpu.memory_space<hbm>> -> memref<16x128xf32, #tpu.memory_space<hbm>>
    tpu.wait_dma2 semaphore(%arg15 : memref<!tpu.dma_semaphore, #tpu.memory_space<semaphore_mem>>) src(%dma_wait3A_88 : memref<16x128xf32, #tpu.memory_space<hbm>>) dst(%arg9 : memref<16x128xf32, #tpu.memory_space<vmem>>)
    %get3A_89 = arith.constant 9936 : index
    %get3A_90 = tpu.vector_load %arg7[%get3A_89] {strides = array<i32>} : memref<10000xi32, #tpu.memory_space<vmem>>, vector<16xi32>,
    %get3A_91 = vector.shape_cast %get3A_90 : vector<16xi32> to vector<16xi32>
    %shift_right_logical3A_92 = arith.shrui %get3A_91, %broadcast_in_dim3A_18 : vector<16xi32>
    %dma_start3A_93 = arith.constant 0 : i32
    %dma_start3A_94 = arith.constant 0 : i32
    %dma_start3A_95 = tpu.memref_slice %arg13[%dma_start3A_93, %dma_start3A_94] : memref<5120x128xf32, #tpu.memory_space<vmem_shared>> -> memref<5120x128xf32, #tpu.memory_space<vmem_shared>>
    tpu.enqueue_indirect_dma source(%arg9 : memref<16x128xf32, #tpu.memory_space<vmem>>) target(%dma_start3A_95 : memref<5120x128xf32, #tpu.memory_space<vmem_shared>>) offsets(%shift_right_logical3A_92 : vector<16xi32>) semaphore(%arg19 : memref<!tpu.dma_semaphore, #tpu.memory_space<semaphore_mem>>) {add = true}
    %dma_wait3A_96 = arith.constant 0 : i32
    %dma_wait3A_97 = arith.constant 0 : i32
    %dma_wait3A_98 = tpu.memref_slice %arg4[%dma_wait3A_96, %dma_wait3A_97] : memref<20480x128xf32, #tpu.memory_space<hbm>> -> memref<16x128xf32, #tpu.memory_space<hbm>>
    %dma_wait3A_99 = arith.constant 0 : i32
    %dma_wait3A_100 = arith.constant 0 : i32
    %dma_wait3A_101 = tpu.memref_slice %arg4[%dma_wait3A_99, %dma_wait3A_100] : memref<20480x128xf32, #tpu.memory_space<hbm>> -> memref<16x128xf32, #tpu.memory_space<hbm>>
    tpu.wait_dma2 semaphore(%arg16 : memref<!tpu.dma_semaphore, #tpu.memory_space<semaphore_mem>>) src(%dma_wait3A_101 : memref<16x128xf32, #tpu.memory_space<hbm>>) dst(%arg10 : memref<16x128xf32, #tpu.memory_space<vmem>>)
    %get3A_102 = arith.constant 9952 : index
    %get3A_103 = tpu.vector_load %arg7[%get3A_102] {strides = array<i32>} : memref<10000xi32, #tpu.memory_space<vmem>>, vector<16xi32>,
    %get3A_104 = vector.shape_cast %get3A_103 : vector<16xi32> to vector<16xi32>
    %shift_right_logical3A_105 = arith.shrui %get3A_104, %broadcast_in_dim3A_18 : vector<16xi32>
    %dma_start3A_106 = arith.constant 0 : i32
    %dma_start3A_107 = arith.constant 0 : i32
    %dma_start3A_108 = tpu.memref_slice %arg13[%dma_start3A_106, %dma_start3A_107] : memref<5120x128xf32, #tpu.memory_space<vmem_shared>> -> memref<5120x128xf32, #tpu.memory_space<vmem_shared>>
    tpu.enqueue_indirect_dma source(%arg10 : memref<16x128xf32, #tpu.memory_space<vmem>>) target(%dma_start3A_108 : memref<5120x128xf32, #tpu.memory_space<vmem_shared>>) offsets(%shift_right_logical3A_105 : vector<16xi32>) semaphore(%arg20 : memref<!tpu.dma_semaphore, #tpu.memory_space<semaphore_mem>>) {add = true}
    %dma_wait3A_109 = arith.constant 0 : i32
    %dma_wait3A_110 = arith.constant 0 : i32
    %dma_wait3A_111 = tpu.memref_slice %arg4[%dma_wait3A_109, %dma_wait3A_110] : memref<20480x128xf32, #tpu.memory_space<hbm>> -> memref<16x128xf32, #tpu.memory_space<hbm>>
    %dma_wait3A_112 = arith.constant 0 : i32
    %dma_wait3A_113 = arith.constant 0 : i32
    %dma_wait3A_114 = tpu.memref_slice %arg4[%dma_wait3A_112, %dma_wait3A_113] : memref<20480x128xf32, #tpu.memory_space<hbm>> -> memref<16x128xf32, #tpu.memory_space<hbm>>
    tpu.wait_dma2 semaphore(%arg17 : memref<!tpu.dma_semaphore, #tpu.memory_space<semaphore_mem>>) src(%dma_wait3A_114 : memref<16x128xf32, #tpu.memory_space<hbm>>) dst(%arg11 : memref<16x128xf32, #tpu.memory_space<vmem>>)
    %get3A_115 = arith.constant 9968 : index
    %get3A_116 = tpu.vector_load %arg7[%get3A_115] {strides = array<i32>} : memref<10000xi32, #tpu.memory_space<vmem>>, vector<16xi32>,
    %get3A_117 = vector.shape_cast %get3A_116 : vector<16xi32> to vector<16xi32>
    %shift_right_logical3A_118 = arith.shrui %get3A_117, %broadcast_in_dim3A_18 : vector<16xi32>
    %dma_start3A_119 = arith.constant 0 : i32
    %dma_start3A_120 = arith.constant 0 : i32
    %dma_start3A_121 = tpu.memref_slice %arg13[%dma_start3A_119, %dma_start3A_120] : memref<5120x128xf32, #tpu.memory_space<vmem_shared>> -> memref<5120x128xf32, #tpu.memory_space<vmem_shared>>
    tpu.enqueue_indirect_dma source(%arg11 : memref<16x128xf32, #tpu.memory_space<vmem>>) target(%dma_start3A_121 : memref<5120x128xf32, #tpu.memory_space<vmem_shared>>) offsets(%shift_right_logical3A_118 : vector<16xi32>) semaphore(%arg21 : memref<!tpu.dma_semaphore, #tpu.memory_space<semaphore_mem>>) {add = true}
    %dma_wait3A_122 = arith.constant 0 : i32
    %dma_wait3A_123 = arith.constant 0 : i32
    %dma_wait3A_124 = tpu.memref_slice %arg13[%dma_wait3A_122, %dma_wait3A_123] : memref<5120x128xf32, #tpu.memory_space<vmem_shared>> -> memref<16x128xf32, #tpu.memory_space<vmem_shared>>
    %dma_wait3A_125 = arith.constant 0 : i32
    %dma_wait3A_126 = arith.constant 0 : i32
    %dma_wait3A_127 = tpu.memref_slice %arg13[%dma_wait3A_125, %dma_wait3A_126] : memref<5120x128xf32, #tpu.memory_space<vmem_shared>> -> memref<16x128xf32, #tpu.memory_space<vmem_shared>>
    tpu.wait_dma2 semaphore(%arg18 : memref<!tpu.dma_semaphore, #tpu.memory_space<semaphore_mem>>) src(%arg8 : memref<16x128xf32, #tpu.memory_space<vmem>>) dst(%dma_wait3A_127 : memref<16x128xf32, #tpu.memory_space<vmem_shared>>)
    %dma_wait3A_128 = arith.constant 0 : i32
    %dma_wait3A_129 = arith.constant 0 : i32
    %dma_wait3A_130 = tpu.memref_slice %arg13[%dma_wait3A_128, %dma_wait3A_129] : memref<5120x128xf32, #tpu.memory_space<vmem_shared>> -> memref<16x128xf32, #tpu.memory_space<vmem_shared>>
    %dma_wait3A_131 = arith.constant 0 : i32
    %dma_wait3A_132 = arith.constant 0 : i32
    %dma_wait3A_133 = tpu.memref_slice %arg13[%dma_wait3A_131, %dma_wait3A_132] : memref<5120x128xf32, #tpu.memory_space<vmem_shared>> -> memref<16x128xf32, #tpu.memory_space<vmem_shared>>
    tpu.wait_dma2 semaphore(%arg19 : memref<!tpu.dma_semaphore, #tpu.memory_space<semaphore_mem>>) src(%arg9 : memref<16x128xf32, #tpu.memory_space<vmem>>) dst(%dma_wait3A_133 : memref<16x128xf32, #tpu.memory_space<vmem_shared>>)
    %dma_wait3A_134 = arith.constant 0 : i32
    %dma_wait3A_135 = arith.constant 0 : i32
    %dma_wait3A_136 = tpu.memref_slice %arg13[%dma_wait3A_134, %dma_wait3A_135] : memref<5120x128xf32, #tpu.memory_space<vmem_shared>> -> memref<16x128xf32, #tpu.memory_space<vmem_shared>>
    %dma_wait3A_137 = arith.constant 0 : i32
    %dma_wait3A_138 = arith.constant 0 : i32
    %dma_wait3A_139 = tpu.memref_slice %arg13[%dma_wait3A_137, %dma_wait3A_138] : memref<5120x128xf32, #tpu.memory_space<vmem_shared>> -> memref<16x128xf32, #tpu.memory_space<vmem_shared>>
    tpu.wait_dma2 semaphore(%arg20 : memref<!tpu.dma_semaphore, #tpu.memory_space<semaphore_mem>>) src(%arg10 : memref<16x128xf32, #tpu.memory_space<vmem>>) dst(%dma_wait3A_139 : memref<16x128xf32, #tpu.memory_space<vmem_shared>>)
    %dma_wait3A_140 = arith.constant 0 : i32
    %dma_wait3A_141 = arith.constant 0 : i32
    %dma_wait3A_142 = tpu.memref_slice %arg13[%dma_wait3A_140, %dma_wait3A_141] : memref<5120x128xf32, #tpu.memory_space<vmem_shared>> -> memref<16x128xf32, #tpu.memory_space<vmem_shared>>
    %dma_wait3A_143 = arith.constant 0 : i32
    %dma_wait3A_144 = arith.constant 0 : i32
    %dma_wait3A_145 = tpu.memref_slice %arg13[%dma_wait3A_143, %dma_wait3A_144] : memref<5120x128xf32, #tpu.memory_space<vmem_shared>> -> memref<16x128xf32, #tpu.memory_space<vmem_shared>>
    tpu.wait_dma2 semaphore(%arg21 : memref<!tpu.dma_semaphore, #tpu.memory_space<semaphore_mem>>) src(%arg11 : memref<16x128xf32, #tpu.memory_space<vmem>>) dst(%dma_wait3A_145 : memref<16x128xf32, #tpu.memory_space<vmem_shared>>)
    %get3A_146 = arith.constant 9984 : index
    %get3A_147 = tpu.vector_load %arg6[%get3A_146] {strides = array<i32>} : memref<10000xi32, #tpu.memory_space<vmem>>, vector<16xi32>,
    %get3A_148 = vector.shape_cast %get3A_147 : vector<16xi32> to vector<16xi32>
    %get3A_149 = arith.constant 9984 : index
    %get3A_150 = tpu.vector_load %arg7[%get3A_149] {strides = array<i32>} : memref<10000xi32, #tpu.memory_space<vmem>>, vector<16xi32>,
    %get3A_151 = vector.shape_cast %get3A_150 : vector<16xi32> to vector<16xi32>
    %and3A_152 = arith.andi %get3A_151, %broadcast_in_dim3A_18 : vector<16xi32>
    %mul3A_153 = arith.muli %and3A_152, %broadcast_in_dim3A_20 : vector<16xi32>
    %add3A_154 = arith.addi %get3A_148, %mul3A_153 : vector<16xi32>
    %dma_start3A_155 = arith.constant 0 : i32
    %dma_start3A_156 = arith.constant 0 : i32
    %dma_start3A_157 = tpu.memref_slice %arg4[%dma_start3A_155, %dma_start3A_156] : memref<20480x128xf32, #tpu.memory_space<hbm>> -> memref<20480x128xf32, #tpu.memory_space<hbm>>
    tpu.enqueue_indirect_dma source(%dma_start3A_157 : memref<20480x128xf32, #tpu.memory_space<hbm>>) target(%arg8 : memref<16x128xf32, #tpu.memory_space<vmem>>) offsets(%add3A_154 : vector<16xi32>) semaphore(%arg14 : memref<!tpu.dma_semaphore, #tpu.memory_space<semaphore_mem>>)
    %dma_wait3A_158 = arith.constant 0 : i32
    %dma_wait3A_159 = arith.constant 0 : i32
    %dma_wait3A_160 = tpu.memref_slice %arg4[%dma_wait3A_158, %dma_wait3A_159] : memref<20480x128xf32, #tpu.memory_space<hbm>> -> memref<16x128xf32, #tpu.memory_space<hbm>>
    %dma_wait3A_161 = arith.constant 0 : i32
    %dma_wait3A_162 = arith.constant 0 : i32
    %dma_wait3A_163 = tpu.memref_slice %arg4[%dma_wait3A_161, %dma_wait3A_162] : memref<20480x128xf32, #tpu.memory_space<hbm>> -> memref<16x128xf32, #tpu.memory_space<hbm>>
    tpu.wait_dma2 semaphore(%arg14 : memref<!tpu.dma_semaphore, #tpu.memory_space<semaphore_mem>>) src(%dma_wait3A_163 : memref<16x128xf32, #tpu.memory_space<hbm>>) dst(%arg8 : memref<16x128xf32, #tpu.memory_space<vmem>>)
    %get3A_164 = arith.constant 9984 : index
    %get3A_165 = tpu.vector_load %arg7[%get3A_164] {strides = array<i32>} : memref<10000xi32, #tpu.memory_space<vmem>>, vector<16xi32>,
    %get3A_166 = vector.shape_cast %get3A_165 : vector<16xi32> to vector<16xi32>
    %shift_right_logical3A_167 = arith.shrui %get3A_166, %broadcast_in_dim3A_18 : vector<16xi32>
    %dma_start3A_168 = arith.constant 0 : i32
    %dma_start3A_169 = arith.constant 0 : i32
    %dma_start3A_170 = tpu.memref_slice %arg13[%dma_start3A_168, %dma_start3A_169] : memref<5120x128xf32, #tpu.memory_space<vmem_shared>> -> memref<5120x128xf32, #tpu.memory_space<vmem_shared>>
    tpu.enqueue_indirect_dma source(%arg8 : memref<16x128xf32, #tpu.memory_space<vmem>>) target(%dma_start3A_170 : memref<5120x128xf32, #tpu.memory_space<vmem_shared>>) offsets(%shift_right_logical3A_167 : vector<16xi32>) semaphore(%arg18 : memref<!tpu.dma_semaphore, #tpu.memory_space<semaphore_mem>>) {add = true}
    %dma_wait3A_171 = arith.constant 0 : i32
    %dma_wait3A_172 = arith.constant 0 : i32
    %dma_wait3A_173 = tpu.memref_slice %arg13[%dma_wait3A_171, %dma_wait3A_172] : memref<5120x128xf32, #tpu.memory_space<vmem_shared>> -> memref<16x128xf32, #tpu.memory_space<vmem_shared>>
    %dma_wait3A_174 = arith.constant 0 : i32
    %dma_wait3A_175 = arith.constant 0 : i32
    %dma_wait3A_176 = tpu.memref_slice %arg13[%dma_wait3A_174, %dma_wait3A_175] : memref<5120x128xf32, #tpu.memory_space<vmem_shared>> -> memref<16x128xf32, #tpu.memory_space<vmem_shared>>
    tpu.wait_dma2 semaphore(%arg18 : memref<!tpu.dma_semaphore, #tpu.memory_space<semaphore_mem>>) src(%arg8 : memref<16x128xf32, #tpu.memory_space<vmem>>) dst(%dma_wait3A_176 : memref<16x128xf32, #tpu.memory_space<vmem_shared>>)
    %barrier3A_177 = arith.constant 0 : index
    tpu.barrier barrier_id(%barrier3A_177)
    %add3A_178 = arith.constant 0 : i32
    %add3A_179 = arith.addi %mul3A_8, %add3A_178 : i32
    "tpu.region"() ({
      %run_scoped3A = tpu.sem_alloc : memref<!tpu.dma_semaphore, #tpu.memory_space<semaphore_mem>>
      %dma_start3A_184 = arith.constant 0 : i32
      %dma_start3A_185 = tpu.memref_slice %arg13[%add3A_179, %dma_start3A_184] : memref<5120x128xf32, #tpu.memory_space<vmem_shared>> -> memref<128x128xf32, #tpu.memory_space<vmem_shared>>
      %dma_start3A_186 = arith.constant 0 : i32
      %dma_start3A_187 = tpu.memref_slice %arg13[%add3A_179, %dma_start3A_186] : memref<5120x128xf32, #tpu.memory_space<vmem_shared>> -> memref<128x128xf32, #tpu.memory_space<vmem_shared>>
      tpu.enqueue_dma source(%dma_start3A_187 : memref<128x128xf32, #tpu.memory_space<vmem_shared>>) target(%arg12 : memref<128x128xf32, #tpu.memory_space<vmem>>) target_semaphore(%run_scoped3A : memref<!tpu.dma_semaphore, #tpu.memory_space<semaphore_mem>>)
      %dma_wait3A_188 = arith.constant 0 : i32
      %dma_wait3A_189 = tpu.memref_slice %arg13[%add3A_179, %dma_wait3A_188] : memref<5120x128xf32, #tpu.memory_space<vmem_shared>> -> memref<128x128xf32, #tpu.memory_space<vmem_shared>>
      %dma_wait3A_190 = arith.constant 0 : i32
      %dma_wait3A_191 = tpu.memref_slice %arg13[%add3A_179, %dma_wait3A_190] : memref<5120x128xf32, #tpu.memory_space<vmem_shared>> -> memref<128x128xf32, #tpu.memory_space<vmem_shared>>
      tpu.wait_dma2 semaphore(%run_scoped3A : memref<!tpu.dma_semaphore, #tpu.memory_space<semaphore_mem>>) src(%dma_wait3A_191 : memref<128x128xf32, #tpu.memory_space<vmem_shared>>) dst(%arg12 : memref<128x128xf32, #tpu.memory_space<vmem>>)
      tpu.yield
    }) : () -> ()
    "tpu.region"() ({
      %run_scoped3A = tpu.sem_alloc : memref<!tpu.dma_semaphore, #tpu.memory_space<semaphore_mem>>
      %dma_start3A_184 = arith.constant 0 : i32
      %dma_start3A_185 = tpu.memref_slice %arg5[%arg0, %add3A_179, %dma_start3A_184] : memref<2x5120x128xf32, #tpu.memory_space<hbm>> -> memref<1x128x128xf32, #tpu.memory_space<hbm>>
      %dma_start3A_186 = tpu.memref_squeeze %dma_start3A_185 : memref<1x128x128xf32, #tpu.memory_space<hbm>> -> memref<128x128xf32, #tpu.memory_space<hbm>>
      %dma_start3A_187 = arith.constant 0 : i32
      %dma_start3A_188 = tpu.memref_slice %arg5[%arg0, %add3A_179, %dma_start3A_187] : memref<2x5120x128xf32, #tpu.memory_space<hbm>> -> memref<1x128x128xf32, #tpu.memory_space<hbm>>
      %dma_start3A_189 = tpu.memref_squeeze %dma_start3A_188 : memref<1x128x128xf32, #tpu.memory_space<hbm>> -> memref<128x128xf32, #tpu.memory_space<hbm>>
      tpu.enqueue_dma source(%arg12 : memref<128x128xf32, #tpu.memory_space<vmem>>) target(%dma_start3A_189 : memref<128x128xf32, #tpu.memory_space<hbm>>) target_semaphore(%run_scoped3A : memref<!tpu.dma_semaphore, #tpu.memory_space<semaphore_mem>>)
      %dma_wait3A_190 = arith.constant 0 : i32
      %dma_wait3A_191 = tpu.memref_slice %arg5[%arg0, %add3A_179, %dma_wait3A_190] : memref<2x5120x128xf32, #tpu.memory_space<hbm>> -> memref<1x128x128xf32, #tpu.memory_space<hbm>>
      %dma_wait3A_192 = tpu.memref_squeeze %dma_wait3A_191 : memref<1x128x128xf32, #tpu.memory_space<hbm>> -> memref<128x128xf32, #tpu.memory_space<hbm>>
      %dma_wait3A_193 = arith.constant 0 : i32
      %dma_wait3A_194 = tpu.memref_slice %arg5[%arg0, %add3A_179, %dma_wait3A_193] : memref<2x5120x128xf32, #tpu.memory_space<hbm>> -> memref<1x128x128xf32, #tpu.memory_space<hbm>>
      %dma_wait3A_195 = tpu.memref_squeeze %dma_wait3A_194 : memref<1x128x128xf32, #tpu.memory_space<hbm>> -> memref<128x128xf32, #tpu.memory_space<hbm>>
      tpu.wait_dma2 semaphore(%run_scoped3A : memref<!tpu.dma_semaphore, #tpu.memory_space<semaphore_mem>>) src(%arg12 : memref<128x128xf32, #tpu.memory_space<vmem>>) dst(%dma_wait3A_195 : memref<128x128xf32, #tpu.memory_space<hbm>>)
      tpu.yield
    }) : () -> ()
    %add3A_180 = arith.constant 128 : i32
    %add3A_181 = arith.addi %mul3A_8, %add3A_180 : i32
    "tpu.region"() ({
      %run_scoped3A = tpu.sem_alloc : memref<!tpu.dma_semaphore, #tpu.memory_space<semaphore_mem>>
      %dma_start3A_184 = arith.constant 0 : i32
      %dma_start3A_185 = tpu.memref_slice %arg13[%add3A_181, %dma_start3A_184] : memref<5120x128xf32, #tpu.memory_space<vmem_shared>> -> memref<128x128xf32, #tpu.memory_space<vmem_shared>>
      %dma_start3A_186 = arith.constant 0 : i32
      %dma_start3A_187 = tpu.memref_slice %arg13[%add3A_181, %dma_start3A_186] : memref<5120x128xf32, #tpu.memory_space<vmem_shared>> -> memref<128x128xf32, #tpu.memory_space<vmem_shared>>
      tpu.enqueue_dma source(%dma_start3A_187 : memref<128x128xf32, #tpu.memory_space<vmem_shared>>) target(%arg12 : memref<128x128xf32, #tpu.memory_space<vmem>>) target_semaphore(%run_scoped3A : memref<!tpu.dma_semaphore, #tpu.memory_space<semaphore_mem>>)
      %dma_wait3A_188 = arith.constant 0 : i32
      %dma_wait3A_189 = tpu.memref_slice %arg13[%add3A_181, %dma_wait3A_188] : memref<5120x128xf32, #tpu.memory_space<vmem_shared>> -> memref<128x128xf32, #tpu.memory_space<vmem_shared>>
      %dma_wait3A_190 = arith.constant 0 : i32
      %dma_wait3A_191 = tpu.memref_slice %arg13[%add3A_181, %dma_wait3A_190] : memref<5120x128xf32, #tpu.memory_space<vmem_shared>> -> memref<128x128xf32, #tpu.memory_space<vmem_shared>>
      tpu.wait_dma2 semaphore(%run_scoped3A : memref<!tpu.dma_semaphore, #tpu.memory_space<semaphore_mem>>) src(%dma_wait3A_191 : memref<128x128xf32, #tpu.memory_space<vmem_shared>>) dst(%arg12 : memref<128x128xf32, #tpu.memory_space<vmem>>)
      tpu.yield
    }) : () -> ()
    "tpu.region"() ({
      %run_scoped3A = tpu.sem_alloc : memref<!tpu.dma_semaphore, #tpu.memory_space<semaphore_mem>>
      %dma_start3A_184 = arith.constant 0 : i32
      %dma_start3A_185 = tpu.memref_slice %arg5[%arg0, %add3A_181, %dma_start3A_184] : memref<2x5120x128xf32, #tpu.memory_space<hbm>> -> memref<1x128x128xf32, #tpu.memory_space<hbm>>
      %dma_start3A_186 = tpu.memref_squeeze %dma_start3A_185 : memref<1x128x128xf32, #tpu.memory_space<hbm>> -> memref<128x128xf32, #tpu.memory_space<hbm>>
      %dma_start3A_187 = arith.constant 0 : i32
      %dma_start3A_188 = tpu.memref_slice %arg5[%arg0, %add3A_181, %dma_start3A_187] : memref<2x5120x128xf32, #tpu.memory_space<hbm>> -> memref<1x128x128xf32, #tpu.memory_space<hbm>>
      %dma_start3A_189 = tpu.memref_squeeze %dma_start3A_188 : memref<1x128x128xf32, #tpu.memory_space<hbm>> -> memref<128x128xf32, #tpu.memory_space<hbm>>
      tpu.enqueue_dma source(%arg12 : memref<128x128xf32, #tpu.memory_space<vmem>>) target(%dma_start3A_189 : memref<128x128xf32, #tpu.memory_space<hbm>>) target_semaphore(%run_scoped3A : memref<!tpu.dma_semaphore, #tpu.memory_space<semaphore_mem>>)
      %dma_wait3A_190 = arith.constant 0 : i32
      %dma_wait3A_191 = tpu.memref_slice %arg5[%arg0, %add3A_181, %dma_wait3A_190] : memref<2x5120x128xf32, #tpu.memory_space<hbm>> -> memref<1x128x128xf32, #tpu.memory_space<hbm>>
      %dma_wait3A_192 = tpu.memref_squeeze %dma_wait3A_191 : memref<1x128x128xf32, #tpu.memory_space<hbm>> -> memref<128x128xf32, #tpu.memory_space<hbm>>
      %dma_wait3A_193 = arith.constant 0 : i32
      %dma_wait3A_194 = tpu.memref_slice %arg5[%arg0, %add3A_181, %dma_wait3A_193] : memref<2x5120x128xf32, #tpu.memory_space<hbm>> -> memref<1x128x128xf32, #tpu.memory_space<hbm>>
      %dma_wait3A_195 = tpu.memref_squeeze %dma_wait3A_194 : memref<1x128x128xf32, #tpu.memory_space<hbm>> -> memref<128x128xf32, #tpu.memory_space<hbm>>
      tpu.wait_dma2 semaphore(%run_scoped3A : memref<!tpu.dma_semaphore, #tpu.memory_space<semaphore_mem>>) src(%arg12 : memref<128x128xf32, #tpu.memory_space<vmem>>) dst(%dma_wait3A_195 : memref<128x128xf32, #tpu.memory_space<hbm>>)
      tpu.yield
    }) : () -> ()
    %add3A_182 = arith.constant 256 : i32
    %add3A_183 = arith.addi %mul3A_8, %add3A_182 : i32
    "tpu.region"() ({
      %run_scoped3A = tpu.sem_alloc : memref<!tpu.dma_semaphore, #tpu.memory_space<semaphore_mem>>
      %dma_start3A_184 = arith.constant 0 : i32
      %dma_start3A_185 = arith.constant 0 : i32
      %dma_start3A_186 = tpu.memref_slice %arg12[%dma_start3A_184, %dma_start3A_185] : memref<128x128xf32, #tpu.memory_space<vmem>> -> memref<64x128xf32, #tpu.memory_space<vmem>>
      %dma_start3A_187 = arith.constant 0 : i32
      %dma_start3A_188 = tpu.memref_slice %arg13[%add3A_183, %dma_start3A_187] : memref<5120x128xf32, #tpu.memory_space<vmem_shared>> -> memref<64x128xf32, #tpu.memory_space<vmem_shared>>
      %dma_start3A_189 = arith.constant 0 : i32
      %dma_start3A_190 = arith.constant 0 : i32
      %dma_start3A_191 = tpu.memref_slice %arg12[%dma_start3A_189, %dma_start3A_190] : memref<128x128xf32, #tpu.memory_space<vmem>> -> memref<64x128xf32, #tpu.memory_space<vmem>>
      %dma_start3A_192 = arith.constant 0 : i32
      %dma_start3A_193 = tpu.memref_slice %arg13[%add3A_183, %dma_start3A_192] : memref<5120x128xf32, #tpu.memory_space<vmem_shared>> -> memref<64x128xf32, #tpu.memory_space<vmem_shared>>
      tpu.enqueue_dma source(%dma_start3A_193 : memref<64x128xf32, #tpu.memory_space<vmem_shared>>) target(%dma_start3A_191 : memref<64x128xf32, #tpu.memory_space<vmem>>) target_semaphore(%run_scoped3A : memref<!tpu.dma_semaphore, #tpu.memory_space<semaphore_mem>>)
      %dma_wait3A_194 = arith.constant 0 : i32
      %dma_wait3A_195 = arith.constant 0 : i32
      %dma_wait3A_196 = tpu.memref_slice %arg12[%dma_wait3A_194, %dma_wait3A_195] : memref<128x128xf32, #tpu.memory_space<vmem>> -> memref<64x128xf32, #tpu.memory_space<vmem>>
      %dma_wait3A_197 = arith.constant 0 : i32
      %dma_wait3A_198 = tpu.memref_slice %arg13[%add3A_183, %dma_wait3A_197] : memref<5120x128xf32, #tpu.memory_space<vmem_shared>> -> memref<64x128xf32, #tpu.memory_space<vmem_shared>>
      %dma_wait3A_199 = arith.constant 0 : i32
      %dma_wait3A_200 = arith.constant 0 : i32
      %dma_wait3A_201 = tpu.memref_slice %arg12[%dma_wait3A_199, %dma_wait3A_200] : memref<128x128xf32, #tpu.memory_space<vmem>> -> memref<64x128xf32, #tpu.memory_space<vmem>>
      %dma_wait3A_202 = arith.constant 0 : i32
      %dma_wait3A_203 = tpu.memref_slice %arg13[%add3A_183, %dma_wait3A_202] : memref<5120x128xf32, #tpu.memory_space<vmem_shared>> -> memref<64x128xf32, #tpu.memory_space<vmem_shared>>
      tpu.wait_dma2 semaphore(%run_scoped3A : memref<!tpu.dma_semaphore, #tpu.memory_space<semaphore_mem>>) src(%dma_wait3A_203 : memref<64x128xf32, #tpu.memory_space<vmem_shared>>) dst(%dma_wait3A_201 : memref<64x128xf32, #tpu.memory_space<vmem>>)
      tpu.yield
    }) : () -> ()
    "tpu.region"() ({
      %run_scoped3A = tpu.sem_alloc : memref<!tpu.dma_semaphore, #tpu.memory_space<semaphore_mem>>
      %dma_start3A_184 = arith.constant 0 : i32
      %dma_start3A_185 = arith.constant 0 : i32
      %dma_start3A_186 = tpu.memref_slice %arg12[%dma_start3A_184, %dma_start3A_185] : memref<128x128xf32, #tpu.memory_space<vmem>> -> memref<64x128xf32, #tpu.memory_space<vmem>>
      %dma_start3A_187 = arith.constant 0 : i32
      %dma_start3A_188 = tpu.memref_slice %arg5[%arg0, %add3A_183, %dma_start3A_187] : memref<2x5120x128xf32, #tpu.memory_space<hbm>> -> memref<1x64x128xf32, #tpu.memory_space<hbm>>
      %dma_start3A_189 = tpu.memref_squeeze %dma_start3A_188 : memref<1x64x128xf32, #tpu.memory_space<hbm>> -> memref<64x128xf32, #tpu.memory_space<hbm>>
      %dma_start3A_190 = arith.constant 0 : i32
      %dma_start3A_191 = tpu.memref_slice %arg5[%arg0, %add3A_183, %dma_start3A_190] : memref<2x5120x128xf32, #tpu.memory_space<hbm>> -> memref<1x64x128xf32, #tpu.memory_space<hbm>>
      %dma_start3A_192 = tpu.memref_squeeze %dma_start3A_191 : memref<1x64x128xf32, #tpu.memory_space<hbm>> -> memref<64x128xf32, #tpu.memory_space<hbm>>
      %dma_start3A_193 = arith.constant 0 : i32
      %dma_start3A_194 = arith.constant 0 : i32
      %dma_start3A_195 = tpu.memref_slice %arg12[%dma_start3A_193, %dma_start3A_194] : memref<128x128xf32, #tpu.memory_space<vmem>> -> memref<64x128xf32, #tpu.memory_space<vmem>>
      tpu.enqueue_dma source(%dma_start3A_195 : memref<64x128xf32, #tpu.memory_space<vmem>>) target(%dma_start3A_192 : memref<64x128xf32, #tpu.memory_space<hbm>>) target_semaphore(%run_scoped3A : memref<!tpu.dma_semaphore, #tpu.memory_space<semaphore_mem>>)
      %dma_wait3A_196 = arith.constant 0 : i32
      %dma_wait3A_197 = arith.constant 0 : i32
      %dma_wait3A_198 = tpu.memref_slice %arg12[%dma_wait3A_196, %dma_wait3A_197] : memref<128x128xf32, #tpu.memory_space<vmem>> -> memref<64x128xf32, #tpu.memory_space<vmem>>
      %dma_wait3A_199 = arith.constant 0 : i32
      %dma_wait3A_200 = tpu.memref_slice %arg5[%arg0, %add3A_183, %dma_wait3A_199] : memref<2x5120x128xf32, #tpu.memory_space<hbm>> -> memref<1x64x128xf32, #tpu.memory_space<hbm>>
      %dma_wait3A_201 = tpu.memref_squeeze %dma_wait3A_200 : memref<1x64x128xf32, #tpu.memory_space<hbm>> -> memref<64x128xf32, #tpu.memory_space<hbm>>
      %dma_wait3A_202 = arith.constant 0 : i32
      %dma_wait3A_203 = tpu.memref_slice %arg5[%arg0, %add3A_183, %dma_wait3A_202] : memref<2x5120x128xf32, #tpu.memory_space<hbm>> -> memref<1x64x128xf32, #tpu.memory_space<hbm>>
      %dma_wait3A_204 = tpu.memref_squeeze %dma_wait3A_203 : memref<1x64x128xf32, #tpu.memory_space<hbm>> -> memref<64x128xf32, #tpu.memory_space<hbm>>
      %dma_wait3A_205 = arith.constant 0 : i32
      %dma_wait3A_206 = arith.constant 0 : i32
      %dma_wait3A_207 = tpu.memref_slice %arg12[%dma_wait3A_205, %dma_wait3A_206] : memref<128x128xf32, #tpu.memory_space<vmem>> -> memref<64x128xf32, #tpu.memory_space<vmem>>
      tpu.wait_dma2 semaphore(%run_scoped3A : memref<!tpu.dma_semaphore, #tpu.memory_space<semaphore_mem>>) src(%dma_wait3A_207 : memref<64x128xf32, #tpu.memory_space<vmem>>) dst(%dma_wait3A_204 : memref<64x128xf32, #tpu.memory_space<hbm>>)
      tpu.yield
    }) : () -> ()
    return
  }
}

#map = affine_map<(d0, d1) -> (0)>
#map1 = affine_map<(d0, d1) -> (0, 0)>
#map2 = affine_map<(d0, d1) -> (0, 0, 0)>
module attributes {stable_mosaic.version = 14 : i64} {
  func.func @_sc_deg_body(%arg0: i32, %arg1: i32, %arg2: memref<320000xi32, #tpu.memory_space<hbm>>, %arg3: memref<8x128xf32, #tpu.memory_space<hbm>>, %arg4: memref<2x1280x128xf32, #tpu.memory_space<hbm>>, %arg5: memref<10000xi32, #tpu.memory_space<vmem>>, %arg6: memref<16x128xf32, #tpu.memory_space<vmem>>, %arg7: memref<16x128xf32, #tpu.memory_space<vmem>>, %arg8: memref<16x128xf32, #tpu.memory_space<vmem>>, %arg9: memref<16x128xf32, #tpu.memory_space<vmem>>, %arg10: memref<80x128xf32, #tpu.memory_space<vmem>>, %arg11: memref<1280x128xf32, #tpu.memory_space<vmem_shared>>, %arg12: memref<8x128xf32, #tpu.memory_space<vmem_shared>>, %arg13: memref<!tpu.dma_semaphore, #tpu.memory_space<semaphore_mem>>, %arg14: memref<!tpu.dma_semaphore, #tpu.memory_space<semaphore_mem>>, %arg15: memref<!tpu.dma_semaphore, #tpu.memory_space<semaphore_mem>>, %arg16: memref<!tpu.dma_semaphore, #tpu.memory_space<semaphore_mem>>, %arg17: memref<!tpu.dma_semaphore, #tpu.memory_space<semaphore_mem>>, %arg18: memref<!tpu.dma_semaphore, #tpu.memory_space<semaphore_mem>>, %arg19: memref<!tpu.dma_semaphore, #tpu.memory_space<semaphore_mem>>, %arg20: memref<!tpu.dma_semaphore, #tpu.memory_space<semaphore_mem>>) attributes {dimension_semantics = [#tpu.dimension_semantics<core_parallel>, #tpu.dimension_semantics<subcore_parallel>], iteration_bounds = array<i64: 2, 16>, scalar_prefetch = 0 : i64, scratch_operands = 16 : i64, tpu.core_type = #tpu.core_type<sc_vector_subcore>, window_params = [{transform_indices = #map}, {transform_indices = #map1}, {transform_indices = #map2}]} {
    %mul3A = arith.constant 2 : i32
    %mul3A_0 = arith.muli %arg1, %mul3A : i32
    %add3A = arith.addi %mul3A_0, %arg0 : i32
    %broadcast_in_dim3A = arith.constant 0.000000e+00 : f32
    %broadcast_in_dim3A_1 = vector.broadcast %broadcast_in_dim3A : f32 to vector<16xf32>
    %scan3A = arith.constant 0 : i32
    %scan3A_2 = arith.constant 0 : i32
    %scan3A_3 = arith.constant 80 : i32
    %scan3A_4 = arith.addi %scan3A_2, %scan3A_3 : i32
    %scan3A_5 = arith.constant 1 : i32
    scf.for %scan3A_161 = %scan3A_2 to %scan3A_4 step %scan3A_5  : i32 {
      %swap3A = arith.index_cast %scan3A_161 : i32 to index
      %swap3A_162 = arith.constant 0 : index
      %swap3A_163 = tpu.vector_load %arg10[%swap3A, %swap3A_162] {strides = array<i32>} : memref<80x128xf32, #tpu.memory_space<vmem>>, vector<1x16xf32>,
      %swap3A_164 = vector.shape_cast %swap3A_163 : vector<1x16xf32> to vector<16xf32>
      %swap3A_165 = vector.shape_cast %broadcast_in_dim3A_1 : vector<16xf32> to vector<1x16xf32>
      tpu.vector_store %arg10[%swap3A, %swap3A_162], %swap3A_165 {strides = array<i32>} : memref<80x128xf32, #tpu.memory_space<vmem>>, vector<1x16xf32>,
      %swap3A_166 = arith.index_cast %scan3A_161 : i32 to index
      %swap3A_167 = arith.constant 16 : index
      %swap3A_168 = tpu.vector_load %arg10[%swap3A_166, %swap3A_167] {strides = array<i32>} : memref<80x128xf32, #tpu.memory_space<vmem>>, vector<1x16xf32>,
      %swap3A_169 = vector.shape_cast %swap3A_168 : vector<1x16xf32> to vector<16xf32>
      %swap3A_170 = vector.shape_cast %broadcast_in_dim3A_1 : vector<16xf32> to vector<1x16xf32>
      tpu.vector_store %arg10[%swap3A_166, %swap3A_167], %swap3A_170 {strides = array<i32>} : memref<80x128xf32, #tpu.memory_space<vmem>>, vector<1x16xf32>,
      %swap3A_171 = arith.index_cast %scan3A_161 : i32 to index
      %swap3A_172 = arith.constant 32 : index
      %swap3A_173 = tpu.vector_load %arg10[%swap3A_171, %swap3A_172] {strides = array<i32>} : memref<80x128xf32, #tpu.memory_space<vmem>>, vector<1x16xf32>,
      %swap3A_174 = vector.shape_cast %swap3A_173 : vector<1x16xf32> to vector<16xf32>
      %swap3A_175 = vector.shape_cast %broadcast_in_dim3A_1 : vector<16xf32> to vector<1x16xf32>
      tpu.vector_store %arg10[%swap3A_171, %swap3A_172], %swap3A_175 {strides = array<i32>} : memref<80x128xf32, #tpu.memory_space<vmem>>, vector<1x16xf32>,
      %swap3A_176 = arith.index_cast %scan3A_161 : i32 to index
      %swap3A_177 = arith.constant 48 : index
      %swap3A_178 = tpu.vector_load %arg10[%swap3A_176, %swap3A_177] {strides = array<i32>} : memref<80x128xf32, #tpu.memory_space<vmem>>, vector<1x16xf32>,
      %swap3A_179 = vector.shape_cast %swap3A_178 : vector<1x16xf32> to vector<16xf32>
      %swap3A_180 = vector.shape_cast %broadcast_in_dim3A_1 : vector<16xf32> to vector<1x16xf32>
      tpu.vector_store %arg10[%swap3A_176, %swap3A_177], %swap3A_180 {strides = array<i32>} : memref<80x128xf32, #tpu.memory_space<vmem>>, vector<1x16xf32>,
      %swap3A_181 = arith.index_cast %scan3A_161 : i32 to index
      %swap3A_182 = arith.constant 64 : index
      %swap3A_183 = tpu.vector_load %arg10[%swap3A_181, %swap3A_182] {strides = array<i32>} : memref<80x128xf32, #tpu.memory_space<vmem>>, vector<1x16xf32>,
      %swap3A_184 = vector.shape_cast %swap3A_183 : vector<1x16xf32> to vector<16xf32>
      %swap3A_185 = vector.shape_cast %broadcast_in_dim3A_1 : vector<16xf32> to vector<1x16xf32>
      tpu.vector_store %arg10[%swap3A_181, %swap3A_182], %swap3A_185 {strides = array<i32>} : memref<80x128xf32, #tpu.memory_space<vmem>>, vector<1x16xf32>,
      %swap3A_186 = arith.index_cast %scan3A_161 : i32 to index
      %swap3A_187 = arith.constant 80 : index
      %swap3A_188 = tpu.vector_load %arg10[%swap3A_186, %swap3A_187] {strides = array<i32>} : memref<80x128xf32, #tpu.memory_space<vmem>>, vector<1x16xf32>,
      %swap3A_189 = vector.shape_cast %swap3A_188 : vector<1x16xf32> to vector<16xf32>
      %swap3A_190 = vector.shape_cast %broadcast_in_dim3A_1 : vector<16xf32> to vector<1x16xf32>
      tpu.vector_store %arg10[%swap3A_186, %swap3A_187], %swap3A_190 {strides = array<i32>} : memref<80x128xf32, #tpu.memory_space<vmem>>, vector<1x16xf32>,
      %swap3A_191 = arith.index_cast %scan3A_161 : i32 to index
      %swap3A_192 = arith.constant 96 : index
      %swap3A_193 = tpu.vector_load %arg10[%swap3A_191, %swap3A_192] {strides = array<i32>} : memref<80x128xf32, #tpu.memory_space<vmem>>, vector<1x16xf32>,
      %swap3A_194 = vector.shape_cast %swap3A_193 : vector<1x16xf32> to vector<16xf32>
      %swap3A_195 = vector.shape_cast %broadcast_in_dim3A_1 : vector<16xf32> to vector<1x16xf32>
      tpu.vector_store %arg10[%swap3A_191, %swap3A_192], %swap3A_195 {strides = array<i32>} : memref<80x128xf32, #tpu.memory_space<vmem>>, vector<1x16xf32>,
      %swap3A_196 = arith.index_cast %scan3A_161 : i32 to index
      %swap3A_197 = arith.constant 112 : index
      %swap3A_198 = tpu.vector_load %arg10[%swap3A_196, %swap3A_197] {strides = array<i32>} : memref<80x128xf32, #tpu.memory_space<vmem>>, vector<1x16xf32>,
      %swap3A_199 = vector.shape_cast %swap3A_198 : vector<1x16xf32> to vector<16xf32>
      %swap3A_200 = vector.shape_cast %broadcast_in_dim3A_1 : vector<16xf32> to vector<1x16xf32>
      tpu.vector_store %arg10[%swap3A_196, %swap3A_197], %swap3A_200 {strides = array<i32>} : memref<80x128xf32, #tpu.memory_space<vmem>>, vector<1x16xf32>,
    }
    %scan3A_6 = arith.constant 80 : i32
    %mul3A_7 = arith.constant 80 : i32
    %mul3A_8 = arith.muli %arg1, %mul3A_7 : i32
    "tpu.region"() ({
      %run_scoped3A = tpu.sem_alloc : memref<!tpu.dma_semaphore, #tpu.memory_space<semaphore_mem>>
      %dma_start3A_161 = arith.constant 0 : i32
      %dma_start3A_162 = tpu.memref_slice %arg11[%mul3A_8, %dma_start3A_161] : memref<1280x128xf32, #tpu.memory_space<vmem_shared>> -> memref<80x128xf32, #tpu.memory_space<vmem_shared>>
      %dma_start3A_163 = arith.constant 0 : i32
      %dma_start3A_164 = tpu.memref_slice %arg11[%mul3A_8, %dma_start3A_163] : memref<1280x128xf32, #tpu.memory_space<vmem_shared>> -> memref<80x128xf32, #tpu.memory_space<vmem_shared>>
      tpu.enqueue_dma source(%arg10 : memref<80x128xf32, #tpu.memory_space<vmem>>) target(%dma_start3A_164 : memref<80x128xf32, #tpu.memory_space<vmem_shared>>) target_semaphore(%run_scoped3A : memref<!tpu.dma_semaphore, #tpu.memory_space<semaphore_mem>>)
      %dma_wait3A_165 = arith.constant 0 : i32
      %dma_wait3A_166 = tpu.memref_slice %arg11[%mul3A_8, %dma_wait3A_165] : memref<1280x128xf32, #tpu.memory_space<vmem_shared>> -> memref<80x128xf32, #tpu.memory_space<vmem_shared>>
      %dma_wait3A_167 = arith.constant 0 : i32
      %dma_wait3A_168 = tpu.memref_slice %arg11[%mul3A_8, %dma_wait3A_167] : memref<1280x128xf32, #tpu.memory_space<vmem_shared>> -> memref<80x128xf32, #tpu.memory_space<vmem_shared>>
      tpu.wait_dma2 semaphore(%run_scoped3A : memref<!tpu.dma_semaphore, #tpu.memory_space<semaphore_mem>>) src(%arg10 : memref<80x128xf32, #tpu.memory_space<vmem>>) dst(%dma_wait3A_168 : memref<80x128xf32, #tpu.memory_space<vmem_shared>>)
      tpu.yield
    }) : () -> ()
    %eq3A = arith.constant 0 : i32
    %eq3A_9 = arith.cmpi eq, %arg1, %eq3A : i32
    %convert_element_type3A = arith.extui %eq3A_9 : i1 to i32
    %cond3A = arith.constant 0 : i32
    %cond3A_10 = arith.cmpi ne, %convert_element_type3A, %cond3A : i32
    scf.if %cond3A_10 {
      "tpu.region"() ({
        %run_scoped3A = tpu.sem_alloc : memref<!tpu.dma_semaphore, #tpu.memory_space<semaphore_mem>>
        %dma_start3A_161 = arith.constant 0 : i32
        %dma_start3A_162 = arith.constant 0 : i32
        %dma_start3A_163 = tpu.memref_slice %arg10[%dma_start3A_161, %dma_start3A_162] : memref<80x128xf32, #tpu.memory_space<vmem>> -> memref<8x128xf32, #tpu.memory_space<vmem>>
        %dma_start3A_164 = arith.constant 0 : i32
        %dma_start3A_165 = arith.constant 0 : i32
        %dma_start3A_166 = tpu.memref_slice %arg10[%dma_start3A_164, %dma_start3A_165] : memref<80x128xf32, #tpu.memory_space<vmem>> -> memref<8x128xf32, #tpu.memory_space<vmem>>
        tpu.enqueue_dma source(%arg3 : memref<8x128xf32, #tpu.memory_space<hbm>>) target(%dma_start3A_166 : memref<8x128xf32, #tpu.memory_space<vmem>>) target_semaphore(%run_scoped3A : memref<!tpu.dma_semaphore, #tpu.memory_space<semaphore_mem>>)
        %dma_wait3A_167 = arith.constant 0 : i32
        %dma_wait3A_168 = arith.constant 0 : i32
        %dma_wait3A_169 = tpu.memref_slice %arg10[%dma_wait3A_167, %dma_wait3A_168] : memref<80x128xf32, #tpu.memory_space<vmem>> -> memref<8x128xf32, #tpu.memory_space<vmem>>
        %dma_wait3A_170 = arith.constant 0 : i32
        %dma_wait3A_171 = arith.constant 0 : i32
        %dma_wait3A_172 = tpu.memref_slice %arg10[%dma_wait3A_170, %dma_wait3A_171] : memref<80x128xf32, #tpu.memory_space<vmem>> -> memref<8x128xf32, #tpu.memory_space<vmem>>
        tpu.wait_dma2 semaphore(%run_scoped3A : memref<!tpu.dma_semaphore, #tpu.memory_space<semaphore_mem>>) src(%arg3 : memref<8x128xf32, #tpu.memory_space<hbm>>) dst(%dma_wait3A_172 : memref<8x128xf32, #tpu.memory_space<vmem>>)
        tpu.yield
      }) : () -> ()
      "tpu.region"() ({
        %run_scoped3A = tpu.sem_alloc : memref<!tpu.dma_semaphore, #tpu.memory_space<semaphore_mem>>
        %dma_start3A_161 = arith.constant 0 : i32
        %dma_start3A_162 = arith.constant 0 : i32
        %dma_start3A_163 = tpu.memref_slice %arg10[%dma_start3A_161, %dma_start3A_162] : memref<80x128xf32, #tpu.memory_space<vmem>> -> memref<8x128xf32, #tpu.memory_space<vmem>>
        %dma_start3A_164 = arith.constant 0 : i32
        %dma_start3A_165 = arith.constant 0 : i32
        %dma_start3A_166 = tpu.memref_slice %arg10[%dma_start3A_164, %dma_start3A_165] : memref<80x128xf32, #tpu.memory_space<vmem>> -> memref<8x128xf32, #tpu.memory_space<vmem>>
        tpu.enqueue_dma source(%dma_start3A_166 : memref<8x128xf32, #tpu.memory_space<vmem>>) target(%arg12 : memref<8x128xf32, #tpu.memory_space<vmem_shared>>) target_semaphore(%run_scoped3A : memref<!tpu.dma_semaphore, #tpu.memory_space<semaphore_mem>>)
        %dma_wait3A_167 = arith.constant 0 : i32
        %dma_wait3A_168 = arith.constant 0 : i32
        %dma_wait3A_169 = tpu.memref_slice %arg10[%dma_wait3A_167, %dma_wait3A_168] : memref<80x128xf32, #tpu.memory_space<vmem>> -> memref<8x128xf32, #tpu.memory_space<vmem>>
        %dma_wait3A_170 = arith.constant 0 : i32
        %dma_wait3A_171 = arith.constant 0 : i32
        %dma_wait3A_172 = tpu.memref_slice %arg10[%dma_wait3A_170, %dma_wait3A_171] : memref<80x128xf32, #tpu.memory_space<vmem>> -> memref<8x128xf32, #tpu.memory_space<vmem>>
        tpu.wait_dma2 semaphore(%run_scoped3A : memref<!tpu.dma_semaphore, #tpu.memory_space<semaphore_mem>>) src(%dma_wait3A_172 : memref<8x128xf32, #tpu.memory_space<vmem>>) dst(%arg12 : memref<8x128xf32, #tpu.memory_space<vmem_shared>>)
        tpu.yield
      }) : () -> ()
    } else {
    }
    %mul3A_11 = arith.constant 10000 : i32
    %mul3A_12 = arith.muli %add3A, %mul3A_11 : i32
    "tpu.region"() ({
      %run_scoped3A = tpu.sem_alloc : memref<!tpu.dma_semaphore, #tpu.memory_space<semaphore_mem>>
      %dma_start3A_161 = tpu.memref_slice %arg2[%mul3A_12] : memref<320000xi32, #tpu.memory_space<hbm>> -> memref<10000xi32, #tpu.memory_space<hbm>>
      %dma_start3A_162 = tpu.memref_slice %arg2[%mul3A_12] : memref<320000xi32, #tpu.memory_space<hbm>> -> memref<10000xi32, #tpu.memory_space<hbm>>
      tpu.enqueue_dma source(%dma_start3A_162 : memref<10000xi32, #tpu.memory_space<hbm>>) target(%arg5 : memref<10000xi32, #tpu.memory_space<vmem>>) target_semaphore(%run_scoped3A : memref<!tpu.dma_semaphore, #tpu.memory_space<semaphore_mem>>)
      %dma_wait3A_163 = tpu.memref_slice %arg2[%mul3A_12] : memref<320000xi32, #tpu.memory_space<hbm>> -> memref<10000xi32, #tpu.memory_space<hbm>>
      %dma_wait3A_164 = tpu.memref_slice %arg2[%mul3A_12] : memref<320000xi32, #tpu.memory_space<hbm>> -> memref<10000xi32, #tpu.memory_space<hbm>>
      tpu.wait_dma2 semaphore(%run_scoped3A : memref<!tpu.dma_semaphore, #tpu.memory_space<semaphore_mem>>) src(%dma_wait3A_164 : memref<10000xi32, #tpu.memory_space<hbm>>) dst(%arg5 : memref<10000xi32, #tpu.memory_space<vmem>>)
      tpu.yield
    }) : () -> ()
    %barrier3A = arith.constant 0 : index
    tpu.barrier barrier_id(%barrier3A)
    %broadcast_in_dim3A_13 = arith.constant 7 : i32
    %broadcast_in_dim3A_14 = vector.broadcast %broadcast_in_dim3A_13 : i32 to vector<16xi32>
    %broadcast_in_dim3A_15 = arith.constant 3 : i32
    %broadcast_in_dim3A_16 = vector.broadcast %broadcast_in_dim3A_15 : i32 to vector<16xi32>
    %get3A = arith.constant 0 : index
    %get3A_17 = tpu.vector_load %arg5[%get3A] {strides = array<i32>} : memref<10000xi32, #tpu.memory_space<vmem>>, vector<16xi32>,
    %get3A_18 = vector.shape_cast %get3A_17 : vector<16xi32> to vector<16xi32>
    %and3A = arith.andi %get3A_18, %broadcast_in_dim3A_14 : vector<16xi32>
    %dma_start3A = arith.constant 0 : i32
    %dma_start3A_19 = arith.constant 0 : i32
    %dma_start3A_20 = tpu.memref_slice %arg12[%dma_start3A, %dma_start3A_19] : memref<8x128xf32, #tpu.memory_space<vmem_shared>> -> memref<8x128xf32, #tpu.memory_space<vmem_shared>>
    tpu.enqueue_indirect_dma source(%dma_start3A_20 : memref<8x128xf32, #tpu.memory_space<vmem_shared>>) target(%arg6 : memref<16x128xf32, #tpu.memory_space<vmem>>) offsets(%and3A : vector<16xi32>) semaphore(%arg13 : memref<!tpu.dma_semaphore, #tpu.memory_space<semaphore_mem>>)
    %get3A_21 = arith.constant 16 : index
    %get3A_22 = tpu.vector_load %arg5[%get3A_21] {strides = array<i32>} : memref<10000xi32, #tpu.memory_space<vmem>>, vector<16xi32>,
    %get3A_23 = vector.shape_cast %get3A_22 : vector<16xi32> to vector<16xi32>
    %and3A_24 = arith.andi %get3A_23, %broadcast_in_dim3A_14 : vector<16xi32>
    %dma_start3A_25 = arith.constant 0 : i32
    %dma_start3A_26 = arith.constant 0 : i32
    %dma_start3A_27 = tpu.memref_slice %arg12[%dma_start3A_25, %dma_start3A_26] : memref<8x128xf32, #tpu.memory_space<vmem_shared>> -> memref<8x128xf32, #tpu.memory_space<vmem_shared>>
    tpu.enqueue_indirect_dma source(%dma_start3A_27 : memref<8x128xf32, #tpu.memory_space<vmem_shared>>) target(%arg7 : memref<16x128xf32, #tpu.memory_space<vmem>>) offsets(%and3A_24 : vector<16xi32>) semaphore(%arg14 : memref<!tpu.dma_semaphore, #tpu.memory_space<semaphore_mem>>)
    %get3A_28 = arith.constant 32 : index
    %get3A_29 = tpu.vector_load %arg5[%get3A_28] {strides = array<i32>} : memref<10000xi32, #tpu.memory_space<vmem>>, vector<16xi32>,
    %get3A_30 = vector.shape_cast %get3A_29 : vector<16xi32> to vector<16xi32>
    %and3A_31 = arith.andi %get3A_30, %broadcast_in_dim3A_14 : vector<16xi32>
    %dma_start3A_32 = arith.constant 0 : i32
    %dma_start3A_33 = arith.constant 0 : i32
    %dma_start3A_34 = tpu.memref_slice %arg12[%dma_start3A_32, %dma_start3A_33] : memref<8x128xf32, #tpu.memory_space<vmem_shared>> -> memref<8x128xf32, #tpu.memory_space<vmem_shared>>
    tpu.enqueue_indirect_dma source(%dma_start3A_34 : memref<8x128xf32, #tpu.memory_space<vmem_shared>>) target(%arg8 : memref<16x128xf32, #tpu.memory_space<vmem>>) offsets(%and3A_31 : vector<16xi32>) semaphore(%arg15 : memref<!tpu.dma_semaphore, #tpu.memory_space<semaphore_mem>>)
    %get3A_35 = arith.constant 48 : index
    %get3A_36 = tpu.vector_load %arg5[%get3A_35] {strides = array<i32>} : memref<10000xi32, #tpu.memory_space<vmem>>, vector<16xi32>,
    %get3A_37 = vector.shape_cast %get3A_36 : vector<16xi32> to vector<16xi32>
    %and3A_38 = arith.andi %get3A_37, %broadcast_in_dim3A_14 : vector<16xi32>
    %dma_start3A_39 = arith.constant 0 : i32
    %dma_start3A_40 = arith.constant 0 : i32
    %dma_start3A_41 = tpu.memref_slice %arg12[%dma_start3A_39, %dma_start3A_40] : memref<8x128xf32, #tpu.memory_space<vmem_shared>> -> memref<8x128xf32, #tpu.memory_space<vmem_shared>>
    tpu.enqueue_indirect_dma source(%dma_start3A_41 : memref<8x128xf32, #tpu.memory_space<vmem_shared>>) target(%arg9 : memref<16x128xf32, #tpu.memory_space<vmem>>) offsets(%and3A_38 : vector<16xi32>) semaphore(%arg16 : memref<!tpu.dma_semaphore, #tpu.memory_space<semaphore_mem>>)
    %scan3A_42 = arith.constant 0 : i32
    %scan3A_43 = arith.constant 0 : i32
    %scan3A_44 = arith.constant 155 : i32
    %scan3A_45 = arith.addi %scan3A_43, %scan3A_44 : i32
    %scan3A_46 = arith.constant 1 : i32
    scf.for %scan3A_161 = %scan3A_43 to %scan3A_45 step %scan3A_46  : i32 {
      %dma_wait3A_162 = arith.constant 0 : i32
      %dma_wait3A_163 = arith.constant 0 : i32
      %dma_wait3A_164 = tpu.memref_slice %arg4[%arg0, %dma_wait3A_162, %dma_wait3A_163] : memref<2x1280x128xf32, #tpu.memory_space<hbm>> -> memref<1x16x128xf32, #tpu.memory_space<hbm>>
      %dma_wait3A_165 = tpu.memref_squeeze %dma_wait3A_164 : memref<1x16x128xf32, #tpu.memory_space<hbm>> -> memref<16x128xf32, #tpu.memory_space<hbm>>
      %dma_wait3A_166 = arith.constant 0 : i32
      %dma_wait3A_167 = arith.constant 0 : i32
      %dma_wait3A_168 = tpu.memref_slice %arg4[%arg0, %dma_wait3A_166, %dma_wait3A_167] : memref<2x1280x128xf32, #tpu.memory_space<hbm>> -> memref<1x16x128xf32, #tpu.memory_space<hbm>>
      %dma_wait3A_169 = tpu.memref_squeeze %dma_wait3A_168 : memref<1x16x128xf32, #tpu.memory_space<hbm>> -> memref<16x128xf32, #tpu.memory_space<hbm>>
      tpu.wait_dma2 semaphore(%arg13 : memref<!tpu.dma_semaphore, #tpu.memory_space<semaphore_mem>>) src(%dma_wait3A_169 : memref<16x128xf32, #tpu.memory_space<hbm>>) dst(%arg6 : memref<16x128xf32, #tpu.memory_space<vmem>>)
      %mul3A_170 = arith.constant 4 : i32
      %mul3A_171 = arith.muli %mul3A_170, %scan3A_161 : i32
      %add3A_172 = arith.constant 0 : i32
      %add3A_173 = arith.addi %mul3A_171, %add3A_172 : i32
      %mul3A_174 = arith.constant 16 : i32
      %mul3A_175 = arith.muli %add3A_173, %mul3A_174 : i32
      %get3A_176 = arith.index_cast %mul3A_175 : i32 to index
      %get3A_177 = tpu.vector_load %arg5[%get3A_176] {strides = array<i32>} : memref<10000xi32, #tpu.memory_space<vmem>>, vector<16xi32>,
      %get3A_178 = vector.shape_cast %get3A_177 : vector<16xi32> to vector<16xi32>
      %shift_right_logical3A_179 = arith.shrui %get3A_178, %broadcast_in_dim3A_16 : vector<16xi32>
      %dma_start3A_180 = arith.constant 0 : i32
      %dma_start3A_181 = arith.constant 0 : i32
      %dma_start3A_182 = tpu.memref_slice %arg11[%dma_start3A_180, %dma_start3A_181] : memref<1280x128xf32, #tpu.memory_space<vmem_shared>> -> memref<1280x128xf32, #tpu.memory_space<vmem_shared>>
      tpu.enqueue_indirect_dma source(%arg6 : memref<16x128xf32, #tpu.memory_space<vmem>>) target(%dma_start3A_182 : memref<1280x128xf32, #tpu.memory_space<vmem_shared>>) offsets(%shift_right_logical3A_179 : vector<16xi32>) semaphore(%arg17 : memref<!tpu.dma_semaphore, #tpu.memory_space<semaphore_mem>>) {add = true}
      %dma_wait3A_183 = arith.constant 0 : i32
      %dma_wait3A_184 = arith.constant 0 : i32
      %dma_wait3A_185 = tpu.memref_slice %arg4[%arg0, %dma_wait3A_183, %dma_wait3A_184] : memref<2x1280x128xf32, #tpu.memory_space<hbm>> -> memref<1x16x128xf32, #tpu.memory_space<hbm>>
      %dma_wait3A_186 = tpu.memref_squeeze %dma_wait3A_185 : memref<1x16x128xf32, #tpu.memory_space<hbm>> -> memref<16x128xf32, #tpu.memory_space<hbm>>
      %dma_wait3A_187 = arith.constant 0 : i32
      %dma_wait3A_188 = arith.constant 0 : i32
      %dma_wait3A_189 = tpu.memref_slice %arg4[%arg0, %dma_wait3A_187, %dma_wait3A_188] : memref<2x1280x128xf32, #tpu.memory_space<hbm>> -> memref<1x16x128xf32, #tpu.memory_space<hbm>>
      %dma_wait3A_190 = tpu.memref_squeeze %dma_wait3A_189 : memref<1x16x128xf32, #tpu.memory_space<hbm>> -> memref<16x128xf32, #tpu.memory_space<hbm>>
      tpu.wait_dma2 semaphore(%arg14 : memref<!tpu.dma_semaphore, #tpu.memory_space<semaphore_mem>>) src(%dma_wait3A_190 : memref<16x128xf32, #tpu.memory_space<hbm>>) dst(%arg7 : memref<16x128xf32, #tpu.memory_space<vmem>>)
      %mul3A_191 = arith.constant 4 : i32
      %mul3A_192 = arith.muli %mul3A_191, %scan3A_161 : i32
      %add3A_193 = arith.constant 1 : i32
      %add3A_194 = arith.addi %mul3A_192, %add3A_193 : i32
      %mul3A_195 = arith.constant 16 : i32
      %mul3A_196 = arith.muli %add3A_194, %mul3A_195 : i32
      %get3A_197 = arith.index_cast %mul3A_196 : i32 to index
      %get3A_198 = tpu.vector_load %arg5[%get3A_197] {strides = array<i32>} : memref<10000xi32, #tpu.memory_space<vmem>>, vector<16xi32>,
      %get3A_199 = vector.shape_cast %get3A_198 : vector<16xi32> to vector<16xi32>
      %shift_right_logical3A_200 = arith.shrui %get3A_199, %broadcast_in_dim3A_16 : vector<16xi32>
      %dma_start3A_201 = arith.constant 0 : i32
      %dma_start3A_202 = arith.constant 0 : i32
      %dma_start3A_203 = tpu.memref_slice %arg11[%dma_start3A_201, %dma_start3A_202] : memref<1280x128xf32, #tpu.memory_space<vmem_shared>> -> memref<1280x128xf32, #tpu.memory_space<vmem_shared>>
      tpu.enqueue_indirect_dma source(%arg7 : memref<16x128xf32, #tpu.memory_space<vmem>>) target(%dma_start3A_203 : memref<1280x128xf32, #tpu.memory_space<vmem_shared>>) offsets(%shift_right_logical3A_200 : vector<16xi32>) semaphore(%arg18 : memref<!tpu.dma_semaphore, #tpu.memory_space<semaphore_mem>>) {add = true}
      %dma_wait3A_204 = arith.constant 0 : i32
      %dma_wait3A_205 = arith.constant 0 : i32
      %dma_wait3A_206 = tpu.memref_slice %arg4[%arg0, %dma_wait3A_204, %dma_wait3A_205] : memref<2x1280x128xf32, #tpu.memory_space<hbm>> -> memref<1x16x128xf32, #tpu.memory_space<hbm>>
      %dma_wait3A_207 = tpu.memref_squeeze %dma_wait3A_206 : memref<1x16x128xf32, #tpu.memory_space<hbm>> -> memref<16x128xf32, #tpu.memory_space<hbm>>
      %dma_wait3A_208 = arith.constant 0 : i32
      %dma_wait3A_209 = arith.constant 0 : i32
      %dma_wait3A_210 = tpu.memref_slice %arg4[%arg0, %dma_wait3A_208, %dma_wait3A_209] : memref<2x1280x128xf32, #tpu.memory_space<hbm>> -> memref<1x16x128xf32, #tpu.memory_space<hbm>>
      %dma_wait3A_211 = tpu.memref_squeeze %dma_wait3A_210 : memref<1x16x128xf32, #tpu.memory_space<hbm>> -> memref<16x128xf32, #tpu.memory_space<hbm>>
      tpu.wait_dma2 semaphore(%arg15 : memref<!tpu.dma_semaphore, #tpu.memory_space<semaphore_mem>>) src(%dma_wait3A_211 : memref<16x128xf32, #tpu.memory_space<hbm>>) dst(%arg8 : memref<16x128xf32, #tpu.memory_space<vmem>>)
      %mul3A_212 = arith.constant 4 : i32
      %mul3A_213 = arith.muli %mul3A_212, %scan3A_161 : i32
      %add3A_214 = arith.constant 2 : i32
      %add3A_215 = arith.addi %mul3A_213, %add3A_214 : i32
      %mul3A_216 = arith.constant 16 : i32
      %mul3A_217 = arith.muli %add3A_215, %mul3A_216 : i32
      %get3A_218 = arith.index_cast %mul3A_217 : i32 to index
      %get3A_219 = tpu.vector_load %arg5[%get3A_218] {strides = array<i32>} : memref<10000xi32, #tpu.memory_space<vmem>>, vector<16xi32>,
      %get3A_220 = vector.shape_cast %get3A_219 : vector<16xi32> to vector<16xi32>
      %shift_right_logical3A_221 = arith.shrui %get3A_220, %broadcast_in_dim3A_16 : vector<16xi32>
      %dma_start3A_222 = arith.constant 0 : i32
      %dma_start3A_223 = arith.constant 0 : i32
      %dma_start3A_224 = tpu.memref_slice %arg11[%dma_start3A_222, %dma_start3A_223] : memref<1280x128xf32, #tpu.memory_space<vmem_shared>> -> memref<1280x128xf32, #tpu.memory_space<vmem_shared>>
      tpu.enqueue_indirect_dma source(%arg8 : memref<16x128xf32, #tpu.memory_space<vmem>>) target(%dma_start3A_224 : memref<1280x128xf32, #tpu.memory_space<vmem_shared>>) offsets(%shift_right_logical3A_221 : vector<16xi32>) semaphore(%arg19 : memref<!tpu.dma_semaphore, #tpu.memory_space<semaphore_mem>>) {add = true}
      %dma_wait3A_225 = arith.constant 0 : i32
      %dma_wait3A_226 = arith.constant 0 : i32
      %dma_wait3A_227 = tpu.memref_slice %arg4[%arg0, %dma_wait3A_225, %dma_wait3A_226] : memref<2x1280x128xf32, #tpu.memory_space<hbm>> -> memref<1x16x128xf32, #tpu.memory_space<hbm>>
      %dma_wait3A_228 = tpu.memref_squeeze %dma_wait3A_227 : memref<1x16x128xf32, #tpu.memory_space<hbm>> -> memref<16x128xf32, #tpu.memory_space<hbm>>
      %dma_wait3A_229 = arith.constant 0 : i32
      %dma_wait3A_230 = arith.constant 0 : i32
      %dma_wait3A_231 = tpu.memref_slice %arg4[%arg0, %dma_wait3A_229, %dma_wait3A_230] : memref<2x1280x128xf32, #tpu.memory_space<hbm>> -> memref<1x16x128xf32, #tpu.memory_space<hbm>>
      %dma_wait3A_232 = tpu.memref_squeeze %dma_wait3A_231 : memref<1x16x128xf32, #tpu.memory_space<hbm>> -> memref<16x128xf32, #tpu.memory_space<hbm>>
      tpu.wait_dma2 semaphore(%arg16 : memref<!tpu.dma_semaphore, #tpu.memory_space<semaphore_mem>>) src(%dma_wait3A_232 : memref<16x128xf32, #tpu.memory_space<hbm>>) dst(%arg9 : memref<16x128xf32, #tpu.memory_space<vmem>>)
      %mul3A_233 = arith.constant 4 : i32
      %mul3A_234 = arith.muli %mul3A_233, %scan3A_161 : i32
      %add3A_235 = arith.constant 3 : i32
      %add3A_236 = arith.addi %mul3A_234, %add3A_235 : i32
      %mul3A_237 = arith.constant 16 : i32
      %mul3A_238 = arith.muli %add3A_236, %mul3A_237 : i32
      %get3A_239 = arith.index_cast %mul3A_238 : i32 to index
      %get3A_240 = tpu.vector_load %arg5[%get3A_239] {strides = array<i32>} : memref<10000xi32, #tpu.memory_space<vmem>>, vector<16xi32>,
      %get3A_241 = vector.shape_cast %get3A_240 : vector<16xi32> to vector<16xi32>
      %shift_right_logical3A_242 = arith.shrui %get3A_241, %broadcast_in_dim3A_16 : vector<16xi32>
      %dma_start3A_243 = arith.constant 0 : i32
      %dma_start3A_244 = arith.constant 0 : i32
      %dma_start3A_245 = tpu.memref_slice %arg11[%dma_start3A_243, %dma_start3A_244] : memref<1280x128xf32, #tpu.memory_space<vmem_shared>> -> memref<1280x128xf32, #tpu.memory_space<vmem_shared>>
      tpu.enqueue_indirect_dma source(%arg9 : memref<16x128xf32, #tpu.memory_space<vmem>>) target(%dma_start3A_245 : memref<1280x128xf32, #tpu.memory_space<vmem_shared>>) offsets(%shift_right_logical3A_242 : vector<16xi32>) semaphore(%arg20 : memref<!tpu.dma_semaphore, #tpu.memory_space<semaphore_mem>>) {add = true}
      %dma_wait3A_246 = arith.constant 0 : i32
      %dma_wait3A_247 = arith.constant 0 : i32
      %dma_wait3A_248 = tpu.memref_slice %arg11[%dma_wait3A_246, %dma_wait3A_247] : memref<1280x128xf32, #tpu.memory_space<vmem_shared>> -> memref<16x128xf32, #tpu.memory_space<vmem_shared>>
      %dma_wait3A_249 = arith.constant 0 : i32
      %dma_wait3A_250 = arith.constant 0 : i32
      %dma_wait3A_251 = tpu.memref_slice %arg11[%dma_wait3A_249, %dma_wait3A_250] : memref<1280x128xf32, #tpu.memory_space<vmem_shared>> -> memref<16x128xf32, #tpu.memory_space<vmem_shared>>
      tpu.wait_dma2 semaphore(%arg17 : memref<!tpu.dma_semaphore, #tpu.memory_space<semaphore_mem>>) src(%arg6 : memref<16x128xf32, #tpu.memory_space<vmem>>) dst(%dma_wait3A_251 : memref<16x128xf32, #tpu.memory_space<vmem_shared>>)
      %add3A_252 = arith.constant 1 : i32
      %add3A_253 = arith.addi %scan3A_161, %add3A_252 : i32
      %mul3A_254 = arith.constant 4 : i32
      %mul3A_255 = arith.muli %mul3A_254, %add3A_253 : i32
      %add3A_256 = arith.constant 0 : i32
      %add3A_257 = arith.addi %mul3A_255, %add3A_256 : i32
      %mul3A_258 = arith.constant 16 : i32
      %mul3A_259 = arith.muli %add3A_257, %mul3A_258 : i32
      %get3A_260 = arith.index_cast %mul3A_259 : i32 to index
      %get3A_261 = tpu.vector_load %arg5[%get3A_260] {strides = array<i32>} : memref<10000xi32, #tpu.memory_space<vmem>>, vector<16xi32>,
      %get3A_262 = vector.shape_cast %get3A_261 : vector<16xi32> to vector<16xi32>
      %and3A_263 = arith.andi %get3A_262, %broadcast_in_dim3A_14 : vector<16xi32>
      %dma_start3A_264 = arith.constant 0 : i32
      %dma_start3A_265 = arith.constant 0 : i32
      %dma_start3A_266 = tpu.memref_slice %arg12[%dma_start3A_264, %dma_start3A_265] : memref<8x128xf32, #tpu.memory_space<vmem_shared>> -> memref<8x128xf32, #tpu.memory_space<vmem_shared>>
      tpu.enqueue_indirect_dma source(%dma_start3A_266 : memref<8x128xf32, #tpu.memory_space<vmem_shared>>) target(%arg6 : memref<16x128xf32, #tpu.memory_space<vmem>>) offsets(%and3A_263 : vector<16xi32>) semaphore(%arg13 : memref<!tpu.dma_semaphore, #tpu.memory_space<semaphore_mem>>)
      %dma_wait3A_267 = arith.constant 0 : i32
      %dma_wait3A_268 = arith.constant 0 : i32
      %dma_wait3A_269 = tpu.memref_slice %arg11[%dma_wait3A_267, %dma_wait3A_268] : memref<1280x128xf32, #tpu.memory_space<vmem_shared>> -> memref<16x128xf32, #tpu.memory_space<vmem_shared>>
      %dma_wait3A_270 = arith.constant 0 : i32
      %dma_wait3A_271 = arith.constant 0 : i32
      %dma_wait3A_272 = tpu.memref_slice %arg11[%dma_wait3A_270, %dma_wait3A_271] : memref<1280x128xf32, #tpu.memory_space<vmem_shared>> -> memref<16x128xf32, #tpu.memory_space<vmem_shared>>
      tpu.wait_dma2 semaphore(%arg18 : memref<!tpu.dma_semaphore, #tpu.memory_space<semaphore_mem>>) src(%arg7 : memref<16x128xf32, #tpu.memory_space<vmem>>) dst(%dma_wait3A_272 : memref<16x128xf32, #tpu.memory_space<vmem_shared>>)
      %add3A_273 = arith.constant 1 : i32
      %add3A_274 = arith.addi %scan3A_161, %add3A_273 : i32
      %mul3A_275 = arith.constant 4 : i32
      %mul3A_276 = arith.muli %mul3A_275, %add3A_274 : i32
      %add3A_277 = arith.constant 1 : i32
      %add3A_278 = arith.addi %mul3A_276, %add3A_277 : i32
      %mul3A_279 = arith.constant 16 : i32
      %mul3A_280 = arith.muli %add3A_278, %mul3A_279 : i32
      %get3A_281 = arith.index_cast %mul3A_280 : i32 to index
      %get3A_282 = tpu.vector_load %arg5[%get3A_281] {strides = array<i32>} : memref<10000xi32, #tpu.memory_space<vmem>>, vector<16xi32>,
      %get3A_283 = vector.shape_cast %get3A_282 : vector<16xi32> to vector<16xi32>
      %and3A_284 = arith.andi %get3A_283, %broadcast_in_dim3A_14 : vector<16xi32>
      %dma_start3A_285 = arith.constant 0 : i32
      %dma_start3A_286 = arith.constant 0 : i32
      %dma_start3A_287 = tpu.memref_slice %arg12[%dma_start3A_285, %dma_start3A_286] : memref<8x128xf32, #tpu.memory_space<vmem_shared>> -> memref<8x128xf32, #tpu.memory_space<vmem_shared>>
      tpu.enqueue_indirect_dma source(%dma_start3A_287 : memref<8x128xf32, #tpu.memory_space<vmem_shared>>) target(%arg7 : memref<16x128xf32, #tpu.memory_space<vmem>>) offsets(%and3A_284 : vector<16xi32>) semaphore(%arg14 : memref<!tpu.dma_semaphore, #tpu.memory_space<semaphore_mem>>)
      %dma_wait3A_288 = arith.constant 0 : i32
      %dma_wait3A_289 = arith.constant 0 : i32
      %dma_wait3A_290 = tpu.memref_slice %arg11[%dma_wait3A_288, %dma_wait3A_289] : memref<1280x128xf32, #tpu.memory_space<vmem_shared>> -> memref<16x128xf32, #tpu.memory_space<vmem_shared>>
      %dma_wait3A_291 = arith.constant 0 : i32
      %dma_wait3A_292 = arith.constant 0 : i32
      %dma_wait3A_293 = tpu.memref_slice %arg11[%dma_wait3A_291, %dma_wait3A_292] : memref<1280x128xf32, #tpu.memory_space<vmem_shared>> -> memref<16x128xf32, #tpu.memory_space<vmem_shared>>
      tpu.wait_dma2 semaphore(%arg19 : memref<!tpu.dma_semaphore, #tpu.memory_space<semaphore_mem>>) src(%arg8 : memref<16x128xf32, #tpu.memory_space<vmem>>) dst(%dma_wait3A_293 : memref<16x128xf32, #tpu.memory_space<vmem_shared>>)
      %add3A_294 = arith.constant 1 : i32
      %add3A_295 = arith.addi %scan3A_161, %add3A_294 : i32
      %mul3A_296 = arith.constant 4 : i32
      %mul3A_297 = arith.muli %mul3A_296, %add3A_295 : i32
      %add3A_298 = arith.constant 2 : i32
      %add3A_299 = arith.addi %mul3A_297, %add3A_298 : i32
      %mul3A_300 = arith.constant 16 : i32
      %mul3A_301 = arith.muli %add3A_299, %mul3A_300 : i32
      %get3A_302 = arith.index_cast %mul3A_301 : i32 to index
      %get3A_303 = tpu.vector_load %arg5[%get3A_302] {strides = array<i32>} : memref<10000xi32, #tpu.memory_space<vmem>>, vector<16xi32>,
      %get3A_304 = vector.shape_cast %get3A_303 : vector<16xi32> to vector<16xi32>
      %and3A_305 = arith.andi %get3A_304, %broadcast_in_dim3A_14 : vector<16xi32>
      %dma_start3A_306 = arith.constant 0 : i32
      %dma_start3A_307 = arith.constant 0 : i32
      %dma_start3A_308 = tpu.memref_slice %arg12[%dma_start3A_306, %dma_start3A_307] : memref<8x128xf32, #tpu.memory_space<vmem_shared>> -> memref<8x128xf32, #tpu.memory_space<vmem_shared>>
      tpu.enqueue_indirect_dma source(%dma_start3A_308 : memref<8x128xf32, #tpu.memory_space<vmem_shared>>) target(%arg8 : memref<16x128xf32, #tpu.memory_space<vmem>>) offsets(%and3A_305 : vector<16xi32>) semaphore(%arg15 : memref<!tpu.dma_semaphore, #tpu.memory_space<semaphore_mem>>)
      %dma_wait3A_309 = arith.constant 0 : i32
      %dma_wait3A_310 = arith.constant 0 : i32
      %dma_wait3A_311 = tpu.memref_slice %arg11[%dma_wait3A_309, %dma_wait3A_310] : memref<1280x128xf32, #tpu.memory_space<vmem_shared>> -> memref<16x128xf32, #tpu.memory_space<vmem_shared>>
      %dma_wait3A_312 = arith.constant 0 : i32
      %dma_wait3A_313 = arith.constant 0 : i32
      %dma_wait3A_314 = tpu.memref_slice %arg11[%dma_wait3A_312, %dma_wait3A_313] : memref<1280x128xf32, #tpu.memory_space<vmem_shared>> -> memref<16x128xf32, #tpu.memory_space<vmem_shared>>
      tpu.wait_dma2 semaphore(%arg20 : memref<!tpu.dma_semaphore, #tpu.memory_space<semaphore_mem>>) src(%arg9 : memref<16x128xf32, #tpu.memory_space<vmem>>) dst(%dma_wait3A_314 : memref<16x128xf32, #tpu.memory_space<vmem_shared>>)
      %add3A_315 = arith.constant 1 : i32
      %add3A_316 = arith.addi %scan3A_161, %add3A_315 : i32
      %mul3A_317 = arith.constant 4 : i32
      %mul3A_318 = arith.muli %mul3A_317, %add3A_316 : i32
      %add3A_319 = arith.constant 3 : i32
      %add3A_320 = arith.addi %mul3A_318, %add3A_319 : i32
      %mul3A_321 = arith.constant 16 : i32
      %mul3A_322 = arith.muli %add3A_320, %mul3A_321 : i32
      %get3A_323 = arith.index_cast %mul3A_322 : i32 to index
      %get3A_324 = tpu.vector_load %arg5[%get3A_323] {strides = array<i32>} : memref<10000xi32, #tpu.memory_space<vmem>>, vector<16xi32>,
      %get3A_325 = vector.shape_cast %get3A_324 : vector<16xi32> to vector<16xi32>
      %and3A_326 = arith.andi %get3A_325, %broadcast_in_dim3A_14 : vector<16xi32>
      %dma_start3A_327 = arith.constant 0 : i32
      %dma_start3A_328 = arith.constant 0 : i32
      %dma_start3A_329 = tpu.memref_slice %arg12[%dma_start3A_327, %dma_start3A_328] : memref<8x128xf32, #tpu.memory_space<vmem_shared>> -> memref<8x128xf32, #tpu.memory_space<vmem_shared>>
      tpu.enqueue_indirect_dma source(%dma_start3A_329 : memref<8x128xf32, #tpu.memory_space<vmem_shared>>) target(%arg9 : memref<16x128xf32, #tpu.memory_space<vmem>>) offsets(%and3A_326 : vector<16xi32>) semaphore(%arg16 : memref<!tpu.dma_semaphore, #tpu.memory_space<semaphore_mem>>)
    }
    %scan3A_47 = arith.constant 155 : i32
    %dma_wait3A = arith.constant 0 : i32
    %dma_wait3A_48 = arith.constant 0 : i32
    %dma_wait3A_49 = tpu.memref_slice %arg4[%arg0, %dma_wait3A, %dma_wait3A_48] : memref<2x1280x128xf32, #tpu.memory_space<hbm>> -> memref<1x16x128xf32, #tpu.memory_space<hbm>>
    %dma_wait3A_50 = tpu.memref_squeeze %dma_wait3A_49 : memref<1x16x128xf32, #tpu.memory_space<hbm>> -> memref<16x128xf32, #tpu.memory_space<hbm>>
    %dma_wait3A_51 = arith.constant 0 : i32
    %dma_wait3A_52 = arith.constant 0 : i32
    %dma_wait3A_53 = tpu.memref_slice %arg4[%arg0, %dma_wait3A_51, %dma_wait3A_52] : memref<2x1280x128xf32, #tpu.memory_space<hbm>> -> memref<1x16x128xf32, #tpu.memory_space<hbm>>
    %dma_wait3A_54 = tpu.memref_squeeze %dma_wait3A_53 : memref<1x16x128xf32, #tpu.memory_space<hbm>> -> memref<16x128xf32, #tpu.memory_space<hbm>>
    tpu.wait_dma2 semaphore(%arg13 : memref<!tpu.dma_semaphore, #tpu.memory_space<semaphore_mem>>) src(%dma_wait3A_54 : memref<16x128xf32, #tpu.memory_space<hbm>>) dst(%arg6 : memref<16x128xf32, #tpu.memory_space<vmem>>)
    %get3A_55 = arith.constant 9920 : index
    %get3A_56 = tpu.vector_load %arg5[%get3A_55] {strides = array<i32>} : memref<10000xi32, #tpu.memory_space<vmem>>, vector<16xi32>,
    %get3A_57 = vector.shape_cast %get3A_56 : vector<16xi32> to vector<16xi32>
    %shift_right_logical3A = arith.shrui %get3A_57, %broadcast_in_dim3A_16 : vector<16xi32>
    %dma_start3A_58 = arith.constant 0 : i32
    %dma_start3A_59 = arith.constant 0 : i32
    %dma_start3A_60 = tpu.memref_slice %arg11[%dma_start3A_58, %dma_start3A_59] : memref<1280x128xf32, #tpu.memory_space<vmem_shared>> -> memref<1280x128xf32, #tpu.memory_space<vmem_shared>>
    tpu.enqueue_indirect_dma source(%arg6 : memref<16x128xf32, #tpu.memory_space<vmem>>) target(%dma_start3A_60 : memref<1280x128xf32, #tpu.memory_space<vmem_shared>>) offsets(%shift_right_logical3A : vector<16xi32>) semaphore(%arg17 : memref<!tpu.dma_semaphore, #tpu.memory_space<semaphore_mem>>) {add = true}
    %dma_wait3A_61 = arith.constant 0 : i32
    %dma_wait3A_62 = arith.constant 0 : i32
    %dma_wait3A_63 = tpu.memref_slice %arg4[%arg0, %dma_wait3A_61, %dma_wait3A_62] : memref<2x1280x128xf32, #tpu.memory_space<hbm>> -> memref<1x16x128xf32, #tpu.memory_space<hbm>>
    %dma_wait3A_64 = tpu.memref_squeeze %dma_wait3A_63 : memref<1x16x128xf32, #tpu.memory_space<hbm>> -> memref<16x128xf32, #tpu.memory_space<hbm>>
    %dma_wait3A_65 = arith.constant 0 : i32
    %dma_wait3A_66 = arith.constant 0 : i32
    %dma_wait3A_67 = tpu.memref_slice %arg4[%arg0, %dma_wait3A_65, %dma_wait3A_66] : memref<2x1280x128xf32, #tpu.memory_space<hbm>> -> memref<1x16x128xf32, #tpu.memory_space<hbm>>
    %dma_wait3A_68 = tpu.memref_squeeze %dma_wait3A_67 : memref<1x16x128xf32, #tpu.memory_space<hbm>> -> memref<16x128xf32, #tpu.memory_space<hbm>>
    tpu.wait_dma2 semaphore(%arg14 : memref<!tpu.dma_semaphore, #tpu.memory_space<semaphore_mem>>) src(%dma_wait3A_68 : memref<16x128xf32, #tpu.memory_space<hbm>>) dst(%arg7 : memref<16x128xf32, #tpu.memory_space<vmem>>)
    %get3A_69 = arith.constant 9936 : index
    %get3A_70 = tpu.vector_load %arg5[%get3A_69] {strides = array<i32>} : memref<10000xi32, #tpu.memory_space<vmem>>, vector<16xi32>,
    %get3A_71 = vector.shape_cast %get3A_70 : vector<16xi32> to vector<16xi32>
    %shift_right_logical3A_72 = arith.shrui %get3A_71, %broadcast_in_dim3A_16 : vector<16xi32>
    %dma_start3A_73 = arith.constant 0 : i32
    %dma_start3A_74 = arith.constant 0 : i32
    %dma_start3A_75 = tpu.memref_slice %arg11[%dma_start3A_73, %dma_start3A_74] : memref<1280x128xf32, #tpu.memory_space<vmem_shared>> -> memref<1280x128xf32, #tpu.memory_space<vmem_shared>>
    tpu.enqueue_indirect_dma source(%arg7 : memref<16x128xf32, #tpu.memory_space<vmem>>) target(%dma_start3A_75 : memref<1280x128xf32, #tpu.memory_space<vmem_shared>>) offsets(%shift_right_logical3A_72 : vector<16xi32>) semaphore(%arg18 : memref<!tpu.dma_semaphore, #tpu.memory_space<semaphore_mem>>) {add = true}
    %dma_wait3A_76 = arith.constant 0 : i32
    %dma_wait3A_77 = arith.constant 0 : i32
    %dma_wait3A_78 = tpu.memref_slice %arg4[%arg0, %dma_wait3A_76, %dma_wait3A_77] : memref<2x1280x128xf32, #tpu.memory_space<hbm>> -> memref<1x16x128xf32, #tpu.memory_space<hbm>>
    %dma_wait3A_79 = tpu.memref_squeeze %dma_wait3A_78 : memref<1x16x128xf32, #tpu.memory_space<hbm>> -> memref<16x128xf32, #tpu.memory_space<hbm>>
    %dma_wait3A_80 = arith.constant 0 : i32
    %dma_wait3A_81 = arith.constant 0 : i32
    %dma_wait3A_82 = tpu.memref_slice %arg4[%arg0, %dma_wait3A_80, %dma_wait3A_81] : memref<2x1280x128xf32, #tpu.memory_space<hbm>> -> memref<1x16x128xf32, #tpu.memory_space<hbm>>
    %dma_wait3A_83 = tpu.memref_squeeze %dma_wait3A_82 : memref<1x16x128xf32, #tpu.memory_space<hbm>> -> memref<16x128xf32, #tpu.memory_space<hbm>>
    tpu.wait_dma2 semaphore(%arg15 : memref<!tpu.dma_semaphore, #tpu.memory_space<semaphore_mem>>) src(%dma_wait3A_83 : memref<16x128xf32, #tpu.memory_space<hbm>>) dst(%arg8 : memref<16x128xf32, #tpu.memory_space<vmem>>)
    %get3A_84 = arith.constant 9952 : index
    %get3A_85 = tpu.vector_load %arg5[%get3A_84] {strides = array<i32>} : memref<10000xi32, #tpu.memory_space<vmem>>, vector<16xi32>,
    %get3A_86 = vector.shape_cast %get3A_85 : vector<16xi32> to vector<16xi32>
    %shift_right_logical3A_87 = arith.shrui %get3A_86, %broadcast_in_dim3A_16 : vector<16xi32>
    %dma_start3A_88 = arith.constant 0 : i32
    %dma_start3A_89 = arith.constant 0 : i32
    %dma_start3A_90 = tpu.memref_slice %arg11[%dma_start3A_88, %dma_start3A_89] : memref<1280x128xf32, #tpu.memory_space<vmem_shared>> -> memref<1280x128xf32, #tpu.memory_space<vmem_shared>>
    tpu.enqueue_indirect_dma source(%arg8 : memref<16x128xf32, #tpu.memory_space<vmem>>) target(%dma_start3A_90 : memref<1280x128xf32, #tpu.memory_space<vmem_shared>>) offsets(%shift_right_logical3A_87 : vector<16xi32>) semaphore(%arg19 : memref<!tpu.dma_semaphore, #tpu.memory_space<semaphore_mem>>) {add = true}
    %dma_wait3A_91 = arith.constant 0 : i32
    %dma_wait3A_92 = arith.constant 0 : i32
    %dma_wait3A_93 = tpu.memref_slice %arg4[%arg0, %dma_wait3A_91, %dma_wait3A_92] : memref<2x1280x128xf32, #tpu.memory_space<hbm>> -> memref<1x16x128xf32, #tpu.memory_space<hbm>>
    %dma_wait3A_94 = tpu.memref_squeeze %dma_wait3A_93 : memref<1x16x128xf32, #tpu.memory_space<hbm>> -> memref<16x128xf32, #tpu.memory_space<hbm>>
    %dma_wait3A_95 = arith.constant 0 : i32
    %dma_wait3A_96 = arith.constant 0 : i32
    %dma_wait3A_97 = tpu.memref_slice %arg4[%arg0, %dma_wait3A_95, %dma_wait3A_96] : memref<2x1280x128xf32, #tpu.memory_space<hbm>> -> memref<1x16x128xf32, #tpu.memory_space<hbm>>
    %dma_wait3A_98 = tpu.memref_squeeze %dma_wait3A_97 : memref<1x16x128xf32, #tpu.memory_space<hbm>> -> memref<16x128xf32, #tpu.memory_space<hbm>>
    tpu.wait_dma2 semaphore(%arg16 : memref<!tpu.dma_semaphore, #tpu.memory_space<semaphore_mem>>) src(%dma_wait3A_98 : memref<16x128xf32, #tpu.memory_space<hbm>>) dst(%arg9 : memref<16x128xf32, #tpu.memory_space<vmem>>)
    %get3A_99 = arith.constant 9968 : index
    %get3A_100 = tpu.vector_load %arg5[%get3A_99] {strides = array<i32>} : memref<10000xi32, #tpu.memory_space<vmem>>, vector<16xi32>,
    %get3A_101 = vector.shape_cast %get3A_100 : vector<16xi32> to vector<16xi32>
    %shift_right_logical3A_102 = arith.shrui %get3A_101, %broadcast_in_dim3A_16 : vector<16xi32>
    %dma_start3A_103 = arith.constant 0 : i32
    %dma_start3A_104 = arith.constant 0 : i32
    %dma_start3A_105 = tpu.memref_slice %arg11[%dma_start3A_103, %dma_start3A_104] : memref<1280x128xf32, #tpu.memory_space<vmem_shared>> -> memref<1280x128xf32, #tpu.memory_space<vmem_shared>>
    tpu.enqueue_indirect_dma source(%arg9 : memref<16x128xf32, #tpu.memory_space<vmem>>) target(%dma_start3A_105 : memref<1280x128xf32, #tpu.memory_space<vmem_shared>>) offsets(%shift_right_logical3A_102 : vector<16xi32>) semaphore(%arg20 : memref<!tpu.dma_semaphore, #tpu.memory_space<semaphore_mem>>) {add = true}
    %dma_wait3A_106 = arith.constant 0 : i32
    %dma_wait3A_107 = arith.constant 0 : i32
    %dma_wait3A_108 = tpu.memref_slice %arg11[%dma_wait3A_106, %dma_wait3A_107] : memref<1280x128xf32, #tpu.memory_space<vmem_shared>> -> memref<16x128xf32, #tpu.memory_space<vmem_shared>>
    %dma_wait3A_109 = arith.constant 0 : i32
    %dma_wait3A_110 = arith.constant 0 : i32
    %dma_wait3A_111 = tpu.memref_slice %arg11[%dma_wait3A_109, %dma_wait3A_110] : memref<1280x128xf32, #tpu.memory_space<vmem_shared>> -> memref<16x128xf32, #tpu.memory_space<vmem_shared>>
    tpu.wait_dma2 semaphore(%arg17 : memref<!tpu.dma_semaphore, #tpu.memory_space<semaphore_mem>>) src(%arg6 : memref<16x128xf32, #tpu.memory_space<vmem>>) dst(%dma_wait3A_111 : memref<16x128xf32, #tpu.memory_space<vmem_shared>>)
    %dma_wait3A_112 = arith.constant 0 : i32
    %dma_wait3A_113 = arith.constant 0 : i32
    %dma_wait3A_114 = tpu.memref_slice %arg11[%dma_wait3A_112, %dma_wait3A_113] : memref<1280x128xf32, #tpu.memory_space<vmem_shared>> -> memref<16x128xf32, #tpu.memory_space<vmem_shared>>
    %dma_wait3A_115 = arith.constant 0 : i32
    %dma_wait3A_116 = arith.constant 0 : i32
    %dma_wait3A_117 = tpu.memref_slice %arg11[%dma_wait3A_115, %dma_wait3A_116] : memref<1280x128xf32, #tpu.memory_space<vmem_shared>> -> memref<16x128xf32, #tpu.memory_space<vmem_shared>>
    tpu.wait_dma2 semaphore(%arg18 : memref<!tpu.dma_semaphore, #tpu.memory_space<semaphore_mem>>) src(%arg7 : memref<16x128xf32, #tpu.memory_space<vmem>>) dst(%dma_wait3A_117 : memref<16x128xf32, #tpu.memory_space<vmem_shared>>)
    %dma_wait3A_118 = arith.constant 0 : i32
    %dma_wait3A_119 = arith.constant 0 : i32
    %dma_wait3A_120 = tpu.memref_slice %arg11[%dma_wait3A_118, %dma_wait3A_119] : memref<1280x128xf32, #tpu.memory_space<vmem_shared>> -> memref<16x128xf32, #tpu.memory_space<vmem_shared>>
    %dma_wait3A_121 = arith.constant 0 : i32
    %dma_wait3A_122 = arith.constant 0 : i32
    %dma_wait3A_123 = tpu.memref_slice %arg11[%dma_wait3A_121, %dma_wait3A_122] : memref<1280x128xf32, #tpu.memory_space<vmem_shared>> -> memref<16x128xf32, #tpu.memory_space<vmem_shared>>
    tpu.wait_dma2 semaphore(%arg19 : memref<!tpu.dma_semaphore, #tpu.memory_space<semaphore_mem>>) src(%arg8 : memref<16x128xf32, #tpu.memory_space<vmem>>) dst(%dma_wait3A_123 : memref<16x128xf32, #tpu.memory_space<vmem_shared>>)
    %dma_wait3A_124 = arith.constant 0 : i32
    %dma_wait3A_125 = arith.constant 0 : i32
    %dma_wait3A_126 = tpu.memref_slice %arg11[%dma_wait3A_124, %dma_wait3A_125] : memref<1280x128xf32, #tpu.memory_space<vmem_shared>> -> memref<16x128xf32, #tpu.memory_space<vmem_shared>>
    %dma_wait3A_127 = arith.constant 0 : i32
    %dma_wait3A_128 = arith.constant 0 : i32
    %dma_wait3A_129 = tpu.memref_slice %arg11[%dma_wait3A_127, %dma_wait3A_128] : memref<1280x128xf32, #tpu.memory_space<vmem_shared>> -> memref<16x128xf32, #tpu.memory_space<vmem_shared>>
    tpu.wait_dma2 semaphore(%arg20 : memref<!tpu.dma_semaphore, #tpu.memory_space<semaphore_mem>>) src(%arg9 : memref<16x128xf32, #tpu.memory_space<vmem>>) dst(%dma_wait3A_129 : memref<16x128xf32, #tpu.memory_space<vmem_shared>>)
    %get3A_130 = arith.constant 9984 : index
    %get3A_131 = tpu.vector_load %arg5[%get3A_130] {strides = array<i32>} : memref<10000xi32, #tpu.memory_space<vmem>>, vector<16xi32>,
    %get3A_132 = vector.shape_cast %get3A_131 : vector<16xi32> to vector<16xi32>
    %and3A_133 = arith.andi %get3A_132, %broadcast_in_dim3A_14 : vector<16xi32>
    %dma_start3A_134 = arith.constant 0 : i32
    %dma_start3A_135 = arith.constant 0 : i32
    %dma_start3A_136 = tpu.memref_slice %arg12[%dma_start3A_134, %dma_start3A_135] : memref<8x128xf32, #tpu.memory_space<vmem_shared>> -> memref<8x128xf32, #tpu.memory_space<vmem_shared>>
    tpu.enqueue_indirect_dma source(%dma_start3A_136 : memref<8x128xf32, #tpu.memory_space<vmem_shared>>) target(%arg6 : memref<16x128xf32, #tpu.memory_space<vmem>>) offsets(%and3A_133 : vector<16xi32>) semaphore(%arg13 : memref<!tpu.dma_semaphore, #tpu.memory_space<semaphore_mem>>)
    %dma_wait3A_137 = arith.constant 0 : i32
    %dma_wait3A_138 = arith.constant 0 : i32
    %dma_wait3A_139 = tpu.memref_slice %arg4[%arg0, %dma_wait3A_137, %dma_wait3A_138] : memref<2x1280x128xf32, #tpu.memory_space<hbm>> -> memref<1x16x128xf32, #tpu.memory_space<hbm>>
    %dma_wait3A_140 = tpu.memref_squeeze %dma_wait3A_139 : memref<1x16x128xf32, #tpu.memory_space<hbm>> -> memref<16x128xf32, #tpu.memory_space<hbm>>
    %dma_wait3A_141 = arith.constant 0 : i32
    %dma_wait3A_142 = arith.constant 0 : i32
    %dma_wait3A_143 = tpu.memref_slice %arg4[%arg0, %dma_wait3A_141, %dma_wait3A_142] : memref<2x1280x128xf32, #tpu.memory_space<hbm>> -> memref<1x16x128xf32, #tpu.memory_space<hbm>>
    %dma_wait3A_144 = tpu.memref_squeeze %dma_wait3A_143 : memref<1x16x128xf32, #tpu.memory_space<hbm>> -> memref<16x128xf32, #tpu.memory_space<hbm>>
    tpu.wait_dma2 semaphore(%arg13 : memref<!tpu.dma_semaphore, #tpu.memory_space<semaphore_mem>>) src(%dma_wait3A_144 : memref<16x128xf32, #tpu.memory_space<hbm>>) dst(%arg6 : memref<16x128xf32, #tpu.memory_space<vmem>>)
    %get3A_145 = arith.constant 9984 : index
    %get3A_146 = tpu.vector_load %arg5[%get3A_145] {strides = array<i32>} : memref<10000xi32, #tpu.memory_space<vmem>>, vector<16xi32>,
    %get3A_147 = vector.shape_cast %get3A_146 : vector<16xi32> to vector<16xi32>
    %shift_right_logical3A_148 = arith.shrui %get3A_147, %broadcast_in_dim3A_16 : vector<16xi32>
    %dma_start3A_149 = arith.constant 0 : i32
    %dma_start3A_150 = arith.constant 0 : i32
    %dma_start3A_151 = tpu.memref_slice %arg11[%dma_start3A_149, %dma_start3A_150] : memref<1280x128xf32, #tpu.memory_space<vmem_shared>> -> memref<1280x128xf32, #tpu.memory_space<vmem_shared>>
    tpu.enqueue_indirect_dma source(%arg6 : memref<16x128xf32, #tpu.memory_space<vmem>>) target(%dma_start3A_151 : memref<1280x128xf32, #tpu.memory_space<vmem_shared>>) offsets(%shift_right_logical3A_148 : vector<16xi32>) semaphore(%arg17 : memref<!tpu.dma_semaphore, #tpu.memory_space<semaphore_mem>>) {add = true}
    %dma_wait3A_152 = arith.constant 0 : i32
    %dma_wait3A_153 = arith.constant 0 : i32
    %dma_wait3A_154 = tpu.memref_slice %arg11[%dma_wait3A_152, %dma_wait3A_153] : memref<1280x128xf32, #tpu.memory_space<vmem_shared>> -> memref<16x128xf32, #tpu.memory_space<vmem_shared>>
    %dma_wait3A_155 = arith.constant 0 : i32
    %dma_wait3A_156 = arith.constant 0 : i32
    %dma_wait3A_157 = tpu.memref_slice %arg11[%dma_wait3A_155, %dma_wait3A_156] : memref<1280x128xf32, #tpu.memory_space<vmem_shared>> -> memref<16x128xf32, #tpu.memory_space<vmem_shared>>
    tpu.wait_dma2 semaphore(%arg17 : memref<!tpu.dma_semaphore, #tpu.memory_space<semaphore_mem>>) src(%arg6 : memref<16x128xf32, #tpu.memory_space<vmem>>) dst(%dma_wait3A_157 : memref<16x128xf32, #tpu.memory_space<vmem_shared>>)
    %barrier3A_158 = arith.constant 0 : index
    tpu.barrier barrier_id(%barrier3A_158)
    %mul3A_159 = arith.constant 80 : i32
    %mul3A_160 = arith.muli %arg1, %mul3A_159 : i32
    "tpu.region"() ({
      %run_scoped3A = tpu.sem_alloc : memref<!tpu.dma_semaphore, #tpu.memory_space<semaphore_mem>>
      %dma_start3A_161 = arith.constant 0 : i32
      %dma_start3A_162 = tpu.memref_slice %arg11[%mul3A_160, %dma_start3A_161] : memref<1280x128xf32, #tpu.memory_space<vmem_shared>> -> memref<80x128xf32, #tpu.memory_space<vmem_shared>>
      %dma_start3A_163 = arith.constant 0 : i32
      %dma_start3A_164 = tpu.memref_slice %arg11[%mul3A_160, %dma_start3A_163] : memref<1280x128xf32, #tpu.memory_space<vmem_shared>> -> memref<80x128xf32, #tpu.memory_space<vmem_shared>>
      tpu.enqueue_dma source(%dma_start3A_164 : memref<80x128xf32, #tpu.memory_space<vmem_shared>>) target(%arg10 : memref<80x128xf32, #tpu.memory_space<vmem>>) target_semaphore(%run_scoped3A : memref<!tpu.dma_semaphore, #tpu.memory_space<semaphore_mem>>)
      %dma_wait3A_165 = arith.constant 0 : i32
      %dma_wait3A_166 = tpu.memref_slice %arg11[%mul3A_160, %dma_wait3A_165] : memref<1280x128xf32, #tpu.memory_space<vmem_shared>> -> memref<80x128xf32, #tpu.memory_space<vmem_shared>>
      %dma_wait3A_167 = arith.constant 0 : i32
      %dma_wait3A_168 = tpu.memref_slice %arg11[%mul3A_160, %dma_wait3A_167] : memref<1280x128xf32, #tpu.memory_space<vmem_shared>> -> memref<80x128xf32, #tpu.memory_space<vmem_shared>>
      tpu.wait_dma2 semaphore(%run_scoped3A : memref<!tpu.dma_semaphore, #tpu.memory_space<semaphore_mem>>) src(%dma_wait3A_168 : memref<80x128xf32, #tpu.memory_space<vmem_shared>>) dst(%arg10 : memref<80x128xf32, #tpu.memory_space<vmem>>)
      tpu.yield
    }) : () -> ()
    "tpu.region"() ({
      %run_scoped3A = tpu.sem_alloc : memref<!tpu.dma_semaphore, #tpu.memory_space<semaphore_mem>>
      %dma_start3A_161 = arith.constant 0 : i32
      %dma_start3A_162 = tpu.memref_slice %arg4[%arg0, %mul3A_160, %dma_start3A_161] : memref<2x1280x128xf32, #tpu.memory_space<hbm>> -> memref<1x80x128xf32, #tpu.memory_space<hbm>>
      %dma_start3A_163 = tpu.memref_squeeze %dma_start3A_162 : memref<1x80x128xf32, #tpu.memory_space<hbm>> -> memref<80x128xf32, #tpu.memory_space<hbm>>
      %dma_start3A_164 = arith.constant 0 : i32
      %dma_start3A_165 = tpu.memref_slice %arg4[%arg0, %mul3A_160, %dma_start3A_164] : memref<2x1280x128xf32, #tpu.memory_space<hbm>> -> memref<1x80x128xf32, #tpu.memory_space<hbm>>
      %dma_start3A_166 = tpu.memref_squeeze %dma_start3A_165 : memref<1x80x128xf32, #tpu.memory_space<hbm>> -> memref<80x128xf32, #tpu.memory_space<hbm>>
      tpu.enqueue_dma source(%arg10 : memref<80x128xf32, #tpu.memory_space<vmem>>) target(%dma_start3A_166 : memref<80x128xf32, #tpu.memory_space<hbm>>) target_semaphore(%run_scoped3A : memref<!tpu.dma_semaphore, #tpu.memory_space<semaphore_mem>>)
      %dma_wait3A_167 = arith.constant 0 : i32
      %dma_wait3A_168 = tpu.memref_slice %arg4[%arg0, %mul3A_160, %dma_wait3A_167] : memref<2x1280x128xf32, #tpu.memory_space<hbm>> -> memref<1x80x128xf32, #tpu.memory_space<hbm>>
      %dma_wait3A_169 = tpu.memref_squeeze %dma_wait3A_168 : memref<1x80x128xf32, #tpu.memory_space<hbm>> -> memref<80x128xf32, #tpu.memory_space<hbm>>
      %dma_wait3A_170 = arith.constant 0 : i32
      %dma_wait3A_171 = tpu.memref_slice %arg4[%arg0, %mul3A_160, %dma_wait3A_170] : memref<2x1280x128xf32, #tpu.memory_space<hbm>> -> memref<1x80x128xf32, #tpu.memory_space<hbm>>
      %dma_wait3A_172 = tpu.memref_squeeze %dma_wait3A_171 : memref<1x80x128xf32, #tpu.memory_space<hbm>> -> memref<80x128xf32, #tpu.memory_space<hbm>>
      tpu.wait_dma2 semaphore(%run_scoped3A : memref<!tpu.dma_semaphore, #tpu.memory_space<semaphore_mem>>) src(%arg10 : memref<80x128xf32, #tpu.memory_space<vmem>>) dst(%dma_wait3A_172 : memref<80x128xf32, #tpu.memory_space<hbm>>)
      tpu.yield
    }) : () -> ()
    return
  }
}

module attributes {stable_mosaic.version = 14 : i64} {
  func.func @_tc_mid_body(%arg0: i32, %arg1: memref<2000x128xf32, #tpu.memory_space<vmem>>, %arg2: memref<128x64xf32, #tpu.memory_space<vmem>>, %arg3: memref<2x2000x16xf32, #tpu.memory_space<vmem>>, %arg4: memref<1x2000x128xf32, #tpu.memory_space<vmem>>, %arg5: memref<2000x64xf32, #tpu.memory_space<vmem>>) attributes {dimension_semantics = [#tpu.dimension_semantics<arbitrary>], iteration_bounds = array<i64: 10>, scalar_prefetch = 0 : i64, scratch_operands = 0 : i64, tpu.core_type = #tpu.core_type<tc>, window_params = [{transform_indices = @transform_0, window_bounds = array<i64: 2000, 128>}, {pipeline_mode = #tpu.pipeline_mode<synchronous>, transform_indices = @transform_1, window_bounds = array<i64: 128, 64>}, {transform_indices = @transform_2, window_bounds = array<i64: 2, 2000, 16>}, {transform_indices = @transform_3, window_bounds = array<i64: 1, 2000, 128>}, {transform_indices = @transform_4, window_bounds = array<i64: 2000, 64>}]} {
    %jit3A = arith.constant 5 : i32
    %div3A = arith.divsi %arg0, %jit3A : i32
    %sign3A = arith.constant 0 : i32
    %sign3A_0 = arith.cmpi sgt, %arg0, %sign3A : i32
    %sign3A_1 = arith.extui %sign3A_0 : i1 to i32
    %sign3A_2 = arith.constant 0 : i32
    %sign3A_3 = arith.cmpi slt, %arg0, %sign3A_2 : i32
    %sign3A_4 = arith.extui %sign3A_3 : i1 to i32
    %sign3A_5 = arith.subi %sign3A_1, %sign3A_4 : i32
    %sign3A_6 = arith.constant 0 : i32
    %sign3A_7 = arith.cmpi sgt, %jit3A, %sign3A_6 : i32
    %sign3A_8 = arith.extui %sign3A_7 : i1 to i32
    %sign3A_9 = arith.constant 0 : i32
    %sign3A_10 = arith.cmpi slt, %jit3A, %sign3A_9 : i32
    %sign3A_11 = arith.extui %sign3A_10 : i1 to i32
    %sign3A_12 = arith.subi %sign3A_8, %sign3A_11 : i32
    %ne3A = arith.cmpi ne, %sign3A_5, %sign3A_12 : i32
    %rem3A = arith.remsi %arg0, %jit3A : i32
    %ne3A_13 = arith.constant 0 : i32
    %ne3A_14 = arith.cmpi ne, %rem3A, %ne3A_13 : i32
    %and3A = arith.andi %ne3A, %ne3A_14 : i1
    %sub3A = arith.constant 1 : i32
    %sub3A_15 = arith.subi %div3A, %sub3A : i32
    %select_n3A = arith.select %and3A, %sub3A_15, %div3A : i32
    %get3A = arith.constant 0 : index
    %get3A_16 = arith.constant 0 : index
    %get3A_17 = vector.load %arg1[%get3A, %get3A_16] : memref<2000x128xf32, #tpu.memory_space<vmem>>, vector<2000x128xf32>
    %get3A_18 = arith.constant 0 : index
    %get3A_19 = arith.constant 0 : index
    %get3A_20 = vector.load %arg2[%get3A_18, %get3A_19] : memref<128x64xf32, #tpu.memory_space<vmem>>, vector<128x64xf32>
    %dot_general3A = arith.constant dense<0.000000e+00> : vector<2000x64xf32>
    %dot_general3A_21 = tpu.matmul %get3A_17, %get3A_20, %dot_general3A {dimension_numbers = #tpu.dot_dimension_numbers<[1], [0], [0], [1], [0, 0, 1, 1], [], []>, transpose_lhs_hint = false} : vector<2000x128xf32>, vector<128x64xf32>, vector<2000x64xf32> -> vector<2000x64xf32>
    %get3A_22 = arith.constant 0 : index
    %get3A_23 = arith.constant 0 : index
    %get3A_24 = arith.constant 0 : index
    %get3A_25 = vector.load %arg3[%get3A_22, %get3A_23, %get3A_24] : memref<2x2000x16xf32, #tpu.memory_space<vmem>>, vector<1x2000x1xf32>
    %get3A_26 = vector.shape_cast %get3A_25 : vector<1x2000x1xf32> to vector<2000x1xf32>
    %get3A_27 = arith.constant 1 : index
    %get3A_28 = arith.constant 0 : index
    %get3A_29 = arith.constant 0 : index
    %get3A_30 = vector.load %arg3[%get3A_27, %get3A_28, %get3A_29] : memref<2x2000x16xf32, #tpu.memory_space<vmem>>, vector<1x2000x1xf32>
    %get3A_31 = vector.shape_cast %get3A_30 : vector<1x2000x1xf32> to vector<2000x1xf32>
    %add3A = arith.addf %get3A_26, %get3A_31 : vector<2000x1xf32>
    %add3A_32 = arith.constant 1.000000e+00 : f32
    %add3A_33 = vector.broadcast %add3A_32 : f32 to vector<2000x1xf32>
    %add3A_34 = arith.addf %add3A, %add3A_33 : vector<2000x1xf32>
    %rsqrt3A = math.rsqrt %add3A_34 : vector<2000x1xf32>
    %mul3A = vector.broadcast %rsqrt3A : vector<2000x1xf32> to vector<2000x64xf32>
    %mul3A_35 = arith.mulf %dot_general3A_21, %mul3A : vector<2000x64xf32>
    %swap3A = arith.constant 0 : index
    %swap3A_36 = arith.constant 0 : index
    %swap3A_37 = vector.load %arg5[%swap3A, %swap3A_36] : memref<2000x64xf32, #tpu.memory_space<vmem>>, vector<2000x64xf32>
    tpu.vector_store %arg5[%swap3A, %swap3A_36], %mul3A_35 {strides = array<i32>} : memref<2000x64xf32, #tpu.memory_space<vmem>>, vector<2000x64xf32>,
    %broadcast_in_dim3A = arith.constant 0.000000e+00 : f32
    %broadcast_in_dim3A_38 = vector.broadcast %broadcast_in_dim3A : f32 to vector<2000x64xf32>
    %eq3A = arith.constant 0 : i32
    %eq3A_39 = arith.cmpi eq, %select_n3A, %eq3A : i32
    %convert_element_type3A = arith.extui %eq3A_39 : i1 to i32
    %cond3A = arith.constant 0 : i32
    %cond3A_40 = arith.cmpi ne, %convert_element_type3A, %cond3A : i32
    scf.if %cond3A_40 {
      %concatenate3A = tpu.concatenate %mul3A_35, %broadcast_in_dim3A_38 in 1 : vector<2000x64xf32>, vector<2000x64xf32> -> vector<2000x128xf32>
      %broadcast_in_dim3A_46 = vector.shape_cast %concatenate3A : vector<2000x128xf32> to vector<1x2000x128xf32>
      %swap3A_47 = arith.constant 0 : index
      %swap3A_48 = arith.constant 0 : index
      %swap3A_49 = arith.constant 0 : index
      %swap3A_50 = vector.load %arg4[%swap3A_47, %swap3A_48, %swap3A_49] : memref<1x2000x128xf32, #tpu.memory_space<vmem>>, vector<1x2000x128xf32>
      tpu.vector_store %arg4[%swap3A_47, %swap3A_48, %swap3A_49], %broadcast_in_dim3A_46 {strides = array<i32>} : memref<1x2000x128xf32, #tpu.memory_space<vmem>>, vector<1x2000x128xf32>,
    } else {
    }
    %eq3A_41 = arith.constant 1 : i32
    %eq3A_42 = arith.cmpi eq, %select_n3A, %eq3A_41 : i32
    %convert_element_type3A_43 = arith.extui %eq3A_42 : i1 to i32
    %cond3A_44 = arith.constant 0 : i32
    %cond3A_45 = arith.cmpi ne, %convert_element_type3A_43, %cond3A_44 : i32
    scf.if %cond3A_45 {
      %concatenate3A = tpu.concatenate %broadcast_in_dim3A_38, %mul3A_35 in 1 : vector<2000x64xf32>, vector<2000x64xf32> -> vector<2000x128xf32>
      %broadcast_in_dim3A_46 = vector.shape_cast %concatenate3A : vector<2000x128xf32> to vector<1x2000x128xf32>
      %swap3A_47 = arith.constant 0 : index
      %swap3A_48 = arith.constant 0 : index
      %swap3A_49 = arith.constant 0 : index
      %swap3A_50 = vector.load %arg4[%swap3A_47, %swap3A_48, %swap3A_49] : memref<1x2000x128xf32, #tpu.memory_space<vmem>>, vector<1x2000x128xf32>
      tpu.vector_store %arg4[%swap3A_47, %swap3A_48, %swap3A_49], %broadcast_in_dim3A_46 {strides = array<i32>} : memref<1x2000x128xf32, #tpu.memory_space<vmem>>, vector<1x2000x128xf32>,
    } else {
    }
    return
  }
  func.func @transform_0(%arg0: i32) -> (i32, i32) {
    %jit3A = arith.constant 5 : i32
    %eq3A = arith.constant 0 : i32
    %eq3A_0 = arith.cmpi eq, %jit3A, %eq3A : i32
    %jit3A_1 = arith.constant 1 : i32
    %select_n3A = arith.select %eq3A_0, %jit3A_1, %jit3A : i32
    %rem3A = arith.remsi %arg0, %select_n3A : i32
    %ne3A = arith.constant 0 : i32
    %ne3A_2 = arith.cmpi ne, %rem3A, %ne3A : i32
    %lt3A = arith.constant 0 : i32
    %lt3A_3 = arith.cmpi slt, %rem3A, %lt3A : i32
    %lt3A_4 = arith.constant 0 : i32
    %lt3A_5 = arith.cmpi slt, %select_n3A, %lt3A_4 : i32
    %ne3A_6 = arith.xori %lt3A_3, %lt3A_5 : i1
    %and3A = arith.andi %ne3A_6, %ne3A_2 : i1
    %add3A = arith.addi %rem3A, %select_n3A : i32
    %select_n3A_7 = arith.select %and3A, %add3A, %rem3A : i32
    %c0_i32 = arith.constant 0 : i32
    %c0_i32_8 = arith.constant 0 : i32
    return %select_n3A_7, %c0_i32 : i32, i32
  }
  func.func @transform_1(%arg0: i32) -> (i32, i32) {
    %c0_i32 = arith.constant 0 : i32
    %c0_i32_0 = arith.constant 0 : i32
    %c0_i32_1 = arith.constant 0 : i32
    return %c0_i32, %c0_i32_0 : i32, i32
  }
  func.func @transform_2(%arg0: i32) -> (i32, i32, i32) {
    %jit3A = arith.constant 5 : i32
    %eq3A = arith.constant 0 : i32
    %eq3A_0 = arith.cmpi eq, %jit3A, %eq3A : i32
    %jit3A_1 = arith.constant 1 : i32
    %select_n3A = arith.select %eq3A_0, %jit3A_1, %jit3A : i32
    %rem3A = arith.remsi %arg0, %select_n3A : i32
    %ne3A = arith.constant 0 : i32
    %ne3A_2 = arith.cmpi ne, %rem3A, %ne3A : i32
    %lt3A = arith.constant 0 : i32
    %lt3A_3 = arith.cmpi slt, %rem3A, %lt3A : i32
    %lt3A_4 = arith.constant 0 : i32
    %lt3A_5 = arith.cmpi slt, %select_n3A, %lt3A_4 : i32
    %ne3A_6 = arith.xori %lt3A_3, %lt3A_5 : i1
    %and3A = arith.andi %ne3A_6, %ne3A_2 : i1
    %add3A = arith.addi %rem3A, %select_n3A : i32
    %select_n3A_7 = arith.select %and3A, %add3A, %rem3A : i32
    %c0_i32 = arith.constant 0 : i32
    %c0_i32_8 = arith.constant 0 : i32
    %c0_i32_9 = arith.constant 0 : i32
    return %c0_i32, %select_n3A_7, %c0_i32_8 : i32, i32, i32
  }
  func.func @transform_3(%arg0: i32) -> (i32, i32, i32) {
    %jit3A = arith.constant 5 : i32
    %div3A = arith.divsi %arg0, %jit3A : i32
    %sign3A = arith.constant 0 : i32
    %sign3A_0 = arith.cmpi sgt, %arg0, %sign3A : i32
    %sign3A_1 = arith.extui %sign3A_0 : i1 to i32
    %sign3A_2 = arith.constant 0 : i32
    %sign3A_3 = arith.cmpi slt, %arg0, %sign3A_2 : i32
    %sign3A_4 = arith.extui %sign3A_3 : i1 to i32
    %sign3A_5 = arith.subi %sign3A_1, %sign3A_4 : i32
    %sign3A_6 = arith.constant 0 : i32
    %sign3A_7 = arith.cmpi sgt, %jit3A, %sign3A_6 : i32
    %sign3A_8 = arith.extui %sign3A_7 : i1 to i32
    %sign3A_9 = arith.constant 0 : i32
    %sign3A_10 = arith.cmpi slt, %jit3A, %sign3A_9 : i32
    %sign3A_11 = arith.extui %sign3A_10 : i1 to i32
    %sign3A_12 = arith.subi %sign3A_8, %sign3A_11 : i32
    %ne3A = arith.cmpi ne, %sign3A_5, %sign3A_12 : i32
    %rem3A = arith.remsi %arg0, %jit3A : i32
    %ne3A_13 = arith.constant 0 : i32
    %ne3A_14 = arith.cmpi ne, %rem3A, %ne3A_13 : i32
    %and3A = arith.andi %ne3A, %ne3A_14 : i1
    %sub3A = arith.constant 1 : i32
    %sub3A_15 = arith.subi %div3A, %sub3A : i32
    %select_n3A = arith.select %and3A, %sub3A_15, %div3A : i32
    %jit3A_16 = arith.constant 5 : i32
    %eq3A = arith.constant 0 : i32
    %eq3A_17 = arith.cmpi eq, %jit3A_16, %eq3A : i32
    %jit3A_18 = arith.constant 1 : i32
    %select_n3A_19 = arith.select %eq3A_17, %jit3A_18, %jit3A_16 : i32
    %rem3A_20 = arith.remsi %arg0, %select_n3A_19 : i32
    %ne3A_21 = arith.constant 0 : i32
    %ne3A_22 = arith.cmpi ne, %rem3A_20, %ne3A_21 : i32
    %lt3A = arith.constant 0 : i32
    %lt3A_23 = arith.cmpi slt, %rem3A_20, %lt3A : i32
    %lt3A_24 = arith.constant 0 : i32
    %lt3A_25 = arith.cmpi slt, %select_n3A_19, %lt3A_24 : i32
    %ne3A_26 = arith.xori %lt3A_23, %lt3A_25 : i1
    %and3A_27 = arith.andi %ne3A_26, %ne3A_22 : i1
    %add3A = arith.addi %rem3A_20, %select_n3A_19 : i32
    %select_n3A_28 = arith.select %and3A_27, %add3A, %rem3A_20 : i32
    %c0_i32 = arith.constant 0 : i32
    %c0_i32_29 = arith.constant 0 : i32
    return %select_n3A, %select_n3A_28, %c0_i32 : i32, i32, i32
  }
  func.func @transform_4(%arg0: i32) -> (i32, i32) {
    %jit3A = arith.constant 5 : i32
    %eq3A = arith.constant 0 : i32
    %eq3A_0 = arith.cmpi eq, %jit3A, %eq3A : i32
    %jit3A_1 = arith.constant 1 : i32
    %select_n3A = arith.select %eq3A_0, %jit3A_1, %jit3A : i32
    %rem3A = arith.remsi %arg0, %select_n3A : i32
    %ne3A = arith.constant 0 : i32
    %ne3A_2 = arith.cmpi ne, %rem3A, %ne3A : i32
    %lt3A = arith.constant 0 : i32
    %lt3A_3 = arith.cmpi slt, %rem3A, %lt3A : i32
    %lt3A_4 = arith.constant 0 : i32
    %lt3A_5 = arith.cmpi slt, %select_n3A, %lt3A_4 : i32
    %ne3A_6 = arith.xori %lt3A_3, %lt3A_5 : i1
    %and3A = arith.andi %ne3A_6, %ne3A_2 : i1
    %add3A = arith.addi %rem3A, %select_n3A : i32
    %select_n3A_7 = arith.select %and3A, %add3A, %rem3A : i32
    %c0_i32 = arith.constant 0 : i32
    %c0_i32_8 = arith.constant 0 : i32
    return %select_n3A_7, %c0_i32 : i32, i32
  }
}

module attributes {stable_mosaic.version = 14 : i64} {
  func.func @_tc_final_body(%arg0: i32, %arg1: memref<2x2000x64xf32, #tpu.memory_space<vmem>>, %arg2: memref<2x2000x16xf32, #tpu.memory_space<vmem>>, %arg3: memref<2000x64xf32, #tpu.memory_space<vmem>>, %arg4: memref<1x64xf32, #tpu.memory_space<vmem>>, %arg5: memref<64x64xf32, #tpu.memory_space<vmem>>, %arg6: memref<64x64xf32, #tpu.memory_space<vmem>>, %arg7: memref<64x64xf32, #tpu.memory_space<vmem>>, %arg8: memref<64x64xf32, #tpu.memory_space<vmem>>, %arg9: memref<64x64xf32, #tpu.memory_space<vmem>>, %arg10: memref<64x64xf32, #tpu.memory_space<vmem>>, %arg11: memref<1x64xf32, #tpu.memory_space<vmem>>, %arg12: memref<1x64xf32, #tpu.memory_space<vmem>>, %arg13: memref<1x64xf32, #tpu.memory_space<vmem>>, %arg14: memref<1x64xf32, #tpu.memory_space<vmem>>, %arg15: memref<1x64xf32, #tpu.memory_space<vmem>>, %arg16: memref<1x64xf32, #tpu.memory_space<vmem>>, %arg17: memref<2000x64xf32, #tpu.memory_space<vmem>>, %arg18: memref<2000x64xf32, #tpu.memory_space<vmem>>) attributes {dimension_semantics = [#tpu.dimension_semantics<arbitrary>], iteration_bounds = array<i64: 5>, scalar_prefetch = 0 : i64, scratch_operands = 0 : i64, tpu.core_type = #tpu.core_type<tc>, window_params = [{transform_indices = @transform_0, window_bounds = array<i64: 2, 2000, 64>}, {transform_indices = @transform_1, window_bounds = array<i64: 2, 2000, 16>}, {transform_indices = @transform_2, window_bounds = array<i64: 2000, 64>}, {pipeline_mode = #tpu.pipeline_mode<synchronous>, transform_indices = @transform_3, window_bounds = array<i64: 1, 64>}, {pipeline_mode = #tpu.pipeline_mode<synchronous>, transform_indices = @transform_4, window_bounds = array<i64: 64, 64>}, {pipeline_mode = #tpu.pipeline_mode<synchronous>, transform_indices = @transform_5, window_bounds = array<i64: 64, 64>}, {pipeline_mode = #tpu.pipeline_mode<synchronous>, transform_indices = @transform_6, window_bounds = array<i64: 64, 64>}, {pipeline_mode = #tpu.pipeline_mode<synchronous>, transform_indices = @transform_7, window_bounds = array<i64: 64, 64>}, {pipeline_mode = #tpu.pipeline_mode<synchronous>, transform_indices = @transform_8, window_bounds = array<i64: 64, 64>}, {pipeline_mode = #tpu.pipeline_mode<synchronous>, transform_indices = @transform_9, window_bounds = array<i64: 64, 64>}, {pipeline_mode = #tpu.pipeline_mode<synchronous>, transform_indices = @transform_10, window_bounds = array<i64: 1, 64>}, {pipeline_mode = #tpu.pipeline_mode<synchronous>, transform_indices = @transform_11, window_bounds = array<i64: 1, 64>}, {pipeline_mode = #tpu.pipeline_mode<synchronous>, transform_indices = @transform_12, window_bounds = array<i64: 1, 64>}, {pipeline_mode = #tpu.pipeline_mode<synchronous>, transform_indices = @transform_13, window_bounds = array<i64: 1, 64>}, {pipeline_mode = #tpu.pipeline_mode<synchronous>, transform_indices = @transform_14, window_bounds = array<i64: 1, 64>}, {pipeline_mode = #tpu.pipeline_mode<synchronous>, transform_indices = @transform_15, window_bounds = array<i64: 1, 64>}, {transform_indices = @transform_16, window_bounds = array<i64: 2000, 64>}, {transform_indices = @transform_17, window_bounds = array<i64: 2000, 64>}]} {
    %get3A = arith.constant 0 : index
    %get3A_0 = arith.constant 0 : index
    %get3A_1 = arith.constant 0 : index
    %get3A_2 = vector.load %arg2[%get3A, %get3A_0, %get3A_1] : memref<2x2000x16xf32, #tpu.memory_space<vmem>>, vector<1x2000x1xf32>
    %get3A_3 = vector.shape_cast %get3A_2 : vector<1x2000x1xf32> to vector<2000x1xf32>
    %get3A_4 = arith.constant 1 : index
    %get3A_5 = arith.constant 0 : index
    %get3A_6 = arith.constant 0 : index
    %get3A_7 = vector.load %arg2[%get3A_4, %get3A_5, %get3A_6] : memref<2x2000x16xf32, #tpu.memory_space<vmem>>, vector<1x2000x1xf32>
    %get3A_8 = vector.shape_cast %get3A_7 : vector<1x2000x1xf32> to vector<2000x1xf32>
    %add3A = arith.addf %get3A_3, %get3A_8 : vector<2000x1xf32>
    %add3A_9 = arith.constant 1.000000e+00 : f32
    %add3A_10 = vector.broadcast %add3A_9 : f32 to vector<2000x1xf32>
    %add3A_11 = arith.addf %add3A, %add3A_10 : vector<2000x1xf32>
    %rsqrt3A = math.rsqrt %add3A_11 : vector<2000x1xf32>
    %get3A_12 = arith.constant 0 : index
    %get3A_13 = arith.constant 0 : index
    %get3A_14 = vector.load %arg3[%get3A_12, %get3A_13] : memref<2000x64xf32, #tpu.memory_space<vmem>>, vector<2000x64xf32>
    %get3A_15 = arith.constant 0 : index
    %get3A_16 = arith.constant 0 : index
    %get3A_17 = arith.constant 0 : index
    %get3A_18 = vector.load %arg1[%get3A_15, %get3A_16, %get3A_17] : memref<2x2000x64xf32, #tpu.memory_space<vmem>>, vector<1x2000x64xf32>
    %get3A_19 = vector.shape_cast %get3A_18 : vector<1x2000x64xf32> to vector<2000x64xf32>
    %get3A_20 = arith.constant 1 : index
    %get3A_21 = arith.constant 0 : index
    %get3A_22 = arith.constant 0 : index
    %get3A_23 = vector.load %arg1[%get3A_20, %get3A_21, %get3A_22] : memref<2x2000x64xf32, #tpu.memory_space<vmem>>, vector<1x2000x64xf32>
    %get3A_24 = vector.shape_cast %get3A_23 : vector<1x2000x64xf32> to vector<2000x64xf32>
    %add3A_25 = arith.addf %get3A_19, %get3A_24 : vector<2000x64xf32>
    %add3A_26 = arith.addf %add3A_25, %get3A_14 : vector<2000x64xf32>
    %mul3A = vector.broadcast %rsqrt3A : vector<2000x1xf32> to vector<2000x64xf32>
    %mul3A_27 = arith.mulf %add3A_26, %mul3A : vector<2000x64xf32>
    %get3A_28 = arith.constant 0 : index
    %get3A_29 = arith.constant 0 : index
    %get3A_30 = vector.load %arg4[%get3A_28, %get3A_29] : memref<1x64xf32, #tpu.memory_space<vmem>>, vector<1x64xf32>
    %add3A_31 = vector.broadcast %get3A_30 : vector<1x64xf32> to vector<2000x64xf32>
    %add3A_32 = arith.addf %mul3A_27, %add3A_31 : vector<2000x64xf32>
    %get3A_33 = arith.constant 0 : index
    %get3A_34 = arith.constant 0 : index
    %get3A_35 = vector.load %arg17[%get3A_33, %get3A_34] : memref<2000x64xf32, #tpu.memory_space<vmem>>, vector<2000x64xf32>
    %get3A_36 = arith.constant 0 : index
    %get3A_37 = arith.constant 0 : index
    %get3A_38 = vector.load %arg5[%get3A_36, %get3A_37] : memref<64x64xf32, #tpu.memory_space<vmem>>, vector<64x64xf32>
    %dot_general3A = arith.constant dense<0.000000e+00> : vector<2000x64xf32>
    %dot_general3A_39 = tpu.matmul %add3A_32, %get3A_38, %dot_general3A {dimension_numbers = #tpu.dot_dimension_numbers<[1], [0], [0], [1], [0, 0, 1, 1], [], []>, transpose_lhs_hint = false} : vector<2000x64xf32>, vector<64x64xf32>, vector<2000x64xf32> -> vector<2000x64xf32>
    %get3A_40 = arith.constant 0 : index
    %get3A_41 = arith.constant 0 : index
    %get3A_42 = vector.load %arg11[%get3A_40, %get3A_41] : memref<1x64xf32, #tpu.memory_space<vmem>>, vector<1x64xf32>
    %add3A_43 = vector.broadcast %get3A_42 : vector<1x64xf32> to vector<2000x64xf32>
    %add3A_44 = arith.addf %dot_general3A_39, %add3A_43 : vector<2000x64xf32>
    %get3A_45 = arith.constant 0 : index
    %get3A_46 = arith.constant 0 : index
    %get3A_47 = vector.load %arg8[%get3A_45, %get3A_46] : memref<64x64xf32, #tpu.memory_space<vmem>>, vector<64x64xf32>
    %dot_general3A_48 = arith.constant dense<0.000000e+00> : vector<2000x64xf32>
    %dot_general3A_49 = tpu.matmul %get3A_35, %get3A_47, %dot_general3A_48 {dimension_numbers = #tpu.dot_dimension_numbers<[1], [0], [0], [1], [0, 0, 1, 1], [], []>, transpose_lhs_hint = false} : vector<2000x64xf32>, vector<64x64xf32>, vector<2000x64xf32> -> vector<2000x64xf32>
    %add3A_50 = arith.addf %add3A_44, %dot_general3A_49 : vector<2000x64xf32>
    %get3A_51 = arith.constant 0 : index
    %get3A_52 = arith.constant 0 : index
    %get3A_53 = vector.load %arg14[%get3A_51, %get3A_52] : memref<1x64xf32, #tpu.memory_space<vmem>>, vector<1x64xf32>
    %add3A_54 = vector.broadcast %get3A_53 : vector<1x64xf32> to vector<2000x64xf32>
    %add3A_55 = arith.addf %add3A_50, %add3A_54 : vector<2000x64xf32>
    %logistic3A = arith.negf %add3A_55 : vector<2000x64xf32>
    %logistic3A_56 = math.exp %logistic3A : vector<2000x64xf32>
    %logistic3A_57 = arith.constant 1.000000e+00 : f32
    %logistic3A_58 = vector.broadcast %logistic3A_57 : f32 to vector<2000x64xf32>
    %logistic3A_59 = arith.addf %logistic3A_58, %logistic3A_56 : vector<2000x64xf32>
    %logistic3A_60 = arith.divf %logistic3A_58, %logistic3A_59 : vector<2000x64xf32>
    %get3A_61 = arith.constant 0 : index
    %get3A_62 = arith.constant 0 : index
    %get3A_63 = vector.load %arg6[%get3A_61, %get3A_62] : memref<64x64xf32, #tpu.memory_space<vmem>>, vector<64x64xf32>
    %dot_general3A_64 = arith.constant dense<0.000000e+00> : vector<2000x64xf32>
    %dot_general3A_65 = tpu.matmul %add3A_32, %get3A_63, %dot_general3A_64 {dimension_numbers = #tpu.dot_dimension_numbers<[1], [0], [0], [1], [0, 0, 1, 1], [], []>, transpose_lhs_hint = false} : vector<2000x64xf32>, vector<64x64xf32>, vector<2000x64xf32> -> vector<2000x64xf32>
    %get3A_66 = arith.constant 0 : index
    %get3A_67 = arith.constant 0 : index
    %get3A_68 = vector.load %arg12[%get3A_66, %get3A_67] : memref<1x64xf32, #tpu.memory_space<vmem>>, vector<1x64xf32>
    %add3A_69 = vector.broadcast %get3A_68 : vector<1x64xf32> to vector<2000x64xf32>
    %add3A_70 = arith.addf %dot_general3A_65, %add3A_69 : vector<2000x64xf32>
    %get3A_71 = arith.constant 0 : index
    %get3A_72 = arith.constant 0 : index
    %get3A_73 = vector.load %arg9[%get3A_71, %get3A_72] : memref<64x64xf32, #tpu.memory_space<vmem>>, vector<64x64xf32>
    %dot_general3A_74 = arith.constant dense<0.000000e+00> : vector<2000x64xf32>
    %dot_general3A_75 = tpu.matmul %get3A_35, %get3A_73, %dot_general3A_74 {dimension_numbers = #tpu.dot_dimension_numbers<[1], [0], [0], [1], [0, 0, 1, 1], [], []>, transpose_lhs_hint = false} : vector<2000x64xf32>, vector<64x64xf32>, vector<2000x64xf32> -> vector<2000x64xf32>
    %add3A_76 = arith.addf %add3A_70, %dot_general3A_75 : vector<2000x64xf32>
    %get3A_77 = arith.constant 0 : index
    %get3A_78 = arith.constant 0 : index
    %get3A_79 = vector.load %arg15[%get3A_77, %get3A_78] : memref<1x64xf32, #tpu.memory_space<vmem>>, vector<1x64xf32>
    %add3A_80 = vector.broadcast %get3A_79 : vector<1x64xf32> to vector<2000x64xf32>
    %add3A_81 = arith.addf %add3A_76, %add3A_80 : vector<2000x64xf32>
    %logistic3A_82 = arith.negf %add3A_81 : vector<2000x64xf32>
    %logistic3A_83 = math.exp %logistic3A_82 : vector<2000x64xf32>
    %logistic3A_84 = arith.constant 1.000000e+00 : f32
    %logistic3A_85 = vector.broadcast %logistic3A_84 : f32 to vector<2000x64xf32>
    %logistic3A_86 = arith.addf %logistic3A_85, %logistic3A_83 : vector<2000x64xf32>
    %logistic3A_87 = arith.divf %logistic3A_85, %logistic3A_86 : vector<2000x64xf32>
    %get3A_88 = arith.constant 0 : index
    %get3A_89 = arith.constant 0 : index
    %get3A_90 = vector.load %arg7[%get3A_88, %get3A_89] : memref<64x64xf32, #tpu.memory_space<vmem>>, vector<64x64xf32>
    %dot_general3A_91 = arith.constant dense<0.000000e+00> : vector<2000x64xf32>
    %dot_general3A_92 = tpu.matmul %add3A_32, %get3A_90, %dot_general3A_91 {dimension_numbers = #tpu.dot_dimension_numbers<[1], [0], [0], [1], [0, 0, 1, 1], [], []>, transpose_lhs_hint = false} : vector<2000x64xf32>, vector<64x64xf32>, vector<2000x64xf32> -> vector<2000x64xf32>
    %get3A_93 = arith.constant 0 : index
    %get3A_94 = arith.constant 0 : index
    %get3A_95 = vector.load %arg13[%get3A_93, %get3A_94] : memref<1x64xf32, #tpu.memory_space<vmem>>, vector<1x64xf32>
    %add3A_96 = vector.broadcast %get3A_95 : vector<1x64xf32> to vector<2000x64xf32>
    %add3A_97 = arith.addf %dot_general3A_92, %add3A_96 : vector<2000x64xf32>
    %get3A_98 = arith.constant 0 : index
    %get3A_99 = arith.constant 0 : index
    %get3A_100 = vector.load %arg10[%get3A_98, %get3A_99] : memref<64x64xf32, #tpu.memory_space<vmem>>, vector<64x64xf32>
    %dot_general3A_101 = arith.constant dense<0.000000e+00> : vector<2000x64xf32>
    %dot_general3A_102 = tpu.matmul %get3A_35, %get3A_100, %dot_general3A_101 {dimension_numbers = #tpu.dot_dimension_numbers<[1], [0], [0], [1], [0, 0, 1, 1], [], []>, transpose_lhs_hint = false} : vector<2000x64xf32>, vector<64x64xf32>, vector<2000x64xf32> -> vector<2000x64xf32>
    %get3A_103 = arith.constant 0 : index
    %get3A_104 = arith.constant 0 : index
    %get3A_105 = vector.load %arg16[%get3A_103, %get3A_104] : memref<1x64xf32, #tpu.memory_space<vmem>>, vector<1x64xf32>
    %add3A_106 = vector.broadcast %get3A_105 : vector<1x64xf32> to vector<2000x64xf32>
    %add3A_107 = arith.addf %dot_general3A_102, %add3A_106 : vector<2000x64xf32>
    %mul3A_108 = arith.mulf %logistic3A_60, %add3A_107 : vector<2000x64xf32>
    %add3A_109 = arith.addf %add3A_97, %mul3A_108 : vector<2000x64xf32>
    %tanh3A = math.tanh %add3A_109 : vector<2000x64xf32>
    %sub3A = arith.constant 1.000000e+00 : f32
    %sub3A_110 = vector.broadcast %sub3A : f32 to vector<2000x64xf32>
    %sub3A_111 = arith.subf %sub3A_110, %logistic3A_87 : vector<2000x64xf32>
    %mul3A_112 = arith.mulf %sub3A_111, %tanh3A : vector<2000x64xf32>
    %mul3A_113 = arith.mulf %logistic3A_87, %get3A_35 : vector<2000x64xf32>
    %add3A_114 = arith.addf %mul3A_112, %mul3A_113 : vector<2000x64xf32>
    %swap3A = arith.constant 0 : index
    %swap3A_115 = arith.constant 0 : index
    %swap3A_116 = vector.load %arg18[%swap3A, %swap3A_115] : memref<2000x64xf32, #tpu.memory_space<vmem>>, vector<2000x64xf32>
    tpu.vector_store %arg18[%swap3A, %swap3A_115], %add3A_114 {strides = array<i32>} : memref<2000x64xf32, #tpu.memory_space<vmem>>, vector<2000x64xf32>,
    return
  }
  func.func @transform_0(%arg0: i32) -> (i32, i32, i32) {
    %c0_i32 = arith.constant 0 : i32
    %c0_i32_0 = arith.constant 0 : i32
    %c0_i32_1 = arith.constant 0 : i32
    return %c0_i32, %arg0, %c0_i32_0 : i32, i32, i32
  }
  func.func @transform_1(%arg0: i32) -> (i32, i32, i32) {
    %c0_i32 = arith.constant 0 : i32
    %c0_i32_0 = arith.constant 0 : i32
    %c0_i32_1 = arith.constant 0 : i32
    return %c0_i32, %arg0, %c0_i32_0 : i32, i32, i32
  }
  func.func @transform_2(%arg0: i32) -> (i32, i32) {
    %c0_i32 = arith.constant 0 : i32
    %c0_i32_0 = arith.constant 0 : i32
    return %arg0, %c0_i32 : i32, i32
  }
  func.func @transform_3(%arg0: i32) -> (i32, i32) {
    %c0_i32 = arith.constant 0 : i32
    %c0_i32_0 = arith.constant 0 : i32
    %c0_i32_1 = arith.constant 0 : i32
    return %c0_i32, %c0_i32_0 : i32, i32
  }
  func.func @transform_4(%arg0: i32) -> (i32, i32) {
    %c0_i32 = arith.constant 0 : i32
    %c0_i32_0 = arith.constant 0 : i32
    %c0_i32_1 = arith.constant 0 : i32
    return %c0_i32, %c0_i32_0 : i32, i32
  }
  func.func @transform_5(%arg0: i32) -> (i32, i32) {
    %c0_i32 = arith.constant 0 : i32
    %c0_i32_0 = arith.constant 0 : i32
    %c0_i32_1 = arith.constant 0 : i32
    return %c0_i32, %c0_i32_0 : i32, i32
  }
  func.func @transform_6(%arg0: i32) -> (i32, i32) {
    %c0_i32 = arith.constant 0 : i32
    %c0_i32_0 = arith.constant 0 : i32
    %c0_i32_1 = arith.constant 0 : i32
    return %c0_i32, %c0_i32_0 : i32, i32
  }
  func.func @transform_7(%arg0: i32) -> (i32, i32) {
    %c0_i32 = arith.constant 0 : i32
    %c0_i32_0 = arith.constant 0 : i32
    %c0_i32_1 = arith.constant 0 : i32
    return %c0_i32, %c0_i32_0 : i32, i32
  }
  func.func @transform_8(%arg0: i32) -> (i32, i32) {
    %c0_i32 = arith.constant 0 : i32
    %c0_i32_0 = arith.constant 0 : i32
    %c0_i32_1 = arith.constant 0 : i32
    return %c0_i32, %c0_i32_0 : i32, i32
  }
  func.func @transform_9(%arg0: i32) -> (i32, i32) {
    %c0_i32 = arith.constant 0 : i32
    %c0_i32_0 = arith.constant 0 : i32
    %c0_i32_1 = arith.constant 0 : i32
    return %c0_i32, %c0_i32_0 : i32, i32
  }
  func.func @transform_10(%arg0: i32) -> (i32, i32) {
    %c0_i32 = arith.constant 0 : i32
    %c0_i32_0 = arith.constant 0 : i32
    %c0_i32_1 = arith.constant 0 : i32
    return %c0_i32, %c0_i32_0 : i32, i32
  }
  func.func @transform_11(%arg0: i32) -> (i32, i32) {
    %c0_i32 = arith.constant 0 : i32
    %c0_i32_0 = arith.constant 0 : i32
    %c0_i32_1 = arith.constant 0 : i32
    return %c0_i32, %c0_i32_0 : i32, i32
  }
  func.func @transform_12(%arg0: i32) -> (i32, i32) {
    %c0_i32 = arith.constant 0 : i32
    %c0_i32_0 = arith.constant 0 : i32
    %c0_i32_1 = arith.constant 0 : i32
    return %c0_i32, %c0_i32_0 : i32, i32
  }
  func.func @transform_13(%arg0: i32) -> (i32, i32) {
    %c0_i32 = arith.constant 0 : i32
    %c0_i32_0 = arith.constant 0 : i32
    %c0_i32_1 = arith.constant 0 : i32
    return %c0_i32, %c0_i32_0 : i32, i32
  }
  func.func @transform_14(%arg0: i32) -> (i32, i32) {
    %c0_i32 = arith.constant 0 : i32
    %c0_i32_0 = arith.constant 0 : i32
    %c0_i32_1 = arith.constant 0 : i32
    return %c0_i32, %c0_i32_0 : i32, i32
  }
  func.func @transform_15(%arg0: i32) -> (i32, i32) {
    %c0_i32 = arith.constant 0 : i32
    %c0_i32_0 = arith.constant 0 : i32
    %c0_i32_1 = arith.constant 0 : i32
    return %c0_i32, %c0_i32_0 : i32, i32
  }
  func.func @transform_16(%arg0: i32) -> (i32, i32) {
    %c0_i32 = arith.constant 0 : i32
    %c0_i32_0 = arith.constant 0 : i32
    return %arg0, %c0_i32 : i32, i32
  }
  func.func @transform_17(%arg0: i32) -> (i32, i32) {
    %c0_i32 = arith.constant 0 : i32
    %c0_i32_0 = arith.constant 0 : i32
    return %arg0, %c0_i32 : i32, i32
  }
}

</mosaic_0001>

<sc_bundles>
// kernel: kernel.6.cloned.1.call-start
scs
__scs_entry_jumppad:
0x0: {  	(pc) =	sbr.rel $0x88, $3  }
0x1: {  	(tag) =	ssettag $0x0;
	lr =	simm.s32 $0x1  }
0x2: {  	[smem:$0x3F98] =	sst lr;
	_ =	strace $0xD0000000  }
0x3: {  	_ = 	snop  }
0x4: {  	_ = 	snop  }
0x5: {  	_ = 	snop  }
0x6: {  	_ = 	snop  }
0x7: {  	_ = 	snop  }
__scs_overlays_trampoline_lowered:
0x8: {  	[smem:$0x3FA7] =	sst s0  }
0x9: {  	[smem:$0x3FA8] =	sst s1  }
0xa: {  	[smem:$0x3FA9] =	sst s2  }
0xb: {  	[smem:$0x3FAA] =	sst s3  }
0xc: {  	[smem:$0x3FAB] =	sst s4  }
0xd: {  	[smem:$0x3FAC] =	sst s5  }
0xe: {  	[smem:$0x3FAD] =	sst s6  }
0xf: {  	[smem:$0x3FAE] =	sst s7  }
0x10: {  	[smem:$0x3FAF] =	sst s8  }
0x11: {  	[smem:$0x3FB0] =	sst s9;
	s0 =	simm.s32 @!p0 $0x0  }
0x12: {  	s1 =	sld [smem:$0x3F96];
	s0 =	simm.s32 @p0 $0x1  }
0x13: {  	[smem:$0x3FB1] =	sst s0;
	s0 =	simm.s32 @!p1 $0x0  }
0x14: {  	s2 =	sld [smem:$0x3F95];
	s0 =	simm.s32 @p1 $0x1  }
0x15: {  	[smem:$0x3FB2] =	sst s0;
	s0 =	simm.s32 @!p2 $0x0  }
0x16: {  	s3 =	sld [smem:$0x3FDB];
	s0 =	simm.s32 @p2 $0x1  }
0x17: {  	s4 =	simm.s32 $0x1BF5;
	[smem:$0x3FB4] =	sst s0  }
0x18: {  	s0 =	sld [smem:$0x3F97];
	_ =	swait.ge [sflag:s4], $0x0  }
0x19: {  	s7 =	sld [smem:$0x3F98]  }
0x1a: {  	s8 =	sadd.s32 $0xFFFFE003, lr  }
0x1b: {  	s9 =	sadd.s32 $0xFFFFFEF7, lr;
	s5 =	simm.s32 $0xFFFFFFFF;
	p2 =	slt.u32 s8, $0xFFFFF086  }
0x1c: {  	p1 =	slt.u32 s9, $0xF7A;
	s5 =	simm.s32 @!p2 $0x0  }
0x1d: {  	s5 =	simm.s32 @p1 $0x1;
	p0 =	seq.s32 s7, s2  }
0x1e: {  	s7 =	smul.u32 @!p0 $0xF7A, s2;
	p2 =	seq.s32 @!p0 s5, $0x0  }
0x1f: {  	s9 =	smul.u32 $0xF7A, s1;
	s8 =	simm.s32 @!p0 $0x1BF5;
	p2 =	por !p2, p0  }
0x20: {  	[sflag:s8] =	ssyncset.s32 @!p0 $0xFFFFF086;
	s6 =	sadd.s32 @!p0 s3, s7;
	s7 =	simm.s32 @!p0 $0x108  }
0x21: {  	s3 =	sadd.s32 s3, s9;
	s6 =	sadd.s32 @!p0 $0x88, s6;
	s7 =	simm.s32 @p2 $0x1082  }
0x22: {  	[simem:s7], [sflag:s8] =	dma.local @!p0 [hbm:s6], $0xF7A  }
0x23: {  	s9 =	sor.u32 $0xD0000000, s2;
	s6 =	simm.s32 $0x108;
	_ =	swait.ge @!p0 [sflag:s8], $0x0  }
0x24: {  	s3 =	sadd.s32 $0x88, s3;
	s6 =	simm.s32 @!p1 $0x1082;
	[sflag:s4] =	ssyncset.s32 $0xFFFFF086  }
0x25: {  	[simem:s6], [sflag:s4] =	dma.local [hbm:s3], $0xF7A  }
0x26: {  	[smem:$0x3F98] =	sst s1;
	(tag) =	ssettag s2;
	_ =	strace s9  }
0x27: {  	s1 =	sld [smem:$0x3FA8]  }
0x28: {  	s2 =	sld [smem:$0x3FA9]  }
0x29: {  	s4 =	sld [smem:$0x3FAB]  }
0x2a: {  	p0 =	seq.s32 s5, $0x0;
	s5 =	sld [smem:$0x3FAC]  }
0x2b: {  	s6 =	sld [smem:$0x3FAD]  }
0x2c: {  	s7 =	sld [smem:$0x3FAE]  }
0x2d: {  	s3 =	simm.s32 $0x108;
	s8 =	sld [smem:$0x3FAF]  }
0x2e: {  	s3 =	simm.s32 @!p0 $0x1082;
	s9 =	sld [smem:$0x3FB0]  }
0x2f: {  	lr =	sadd.s32 s0, s3;
	s0 =	sld [smem:$0x3FA7]  }
0x30: {  	s3 =	sld [smem:$0x3FAA]  }
0x31: {  	[smem:$0x3FB3] =	sst s10  }
0x32: {  	s10 =	sld [smem:$0x3FB1];
	_ =	sdelay $0x3  }
0x33: {  	p0 =	seq.s32 s10, $0x1;
	s10 =	sld [smem:$0x3FB3];
	_ =	sdelay $0x3  }
0x34: {  	[smem:$0x3FB3] =	sst s10  }
0x35: {  	s10 =	sld [smem:$0x3FB2];
	_ =	sdelay $0x3  }
0x36: {  	p1 =	seq.s32 s10, $0x1;
	s10 =	sld [smem:$0x3FB3];
	_ =	sdelay $0x3  }
0x37: {  	[smem:$0x3FB3] =	sst s10  }
0x38: {  	s10 =	sld [smem:$0x3FB4]  }
0x39: {  	_ = 	snop;
	(pc) =	sbr.ind lr, $3  }
0x3a: {  	_ = 	snop  }
0x3b: {  	_ = 	snop  }
0x3c: {  	p2 =	seq.s32 s10, $0x1;
	s10 =	sld [smem:$0x3FB3]  }
0x3d: {  	_ =	shalt  }
0x3e: {  	_ =	shalt  }
0x3f: {  	_ =	shalt  }
0x40: {  	_ =	shalt  }
0x41: {  	_ =	shalt  }
0x42: {  	_ =	shalt  }
0x43: {  	_ =	shalt  }
0x44: {  	_ =	shalt  }
0x45: {  	_ =	shalt  }
0x46: {  	_ =	shalt  }
0x47: {  	_ =	shalt  }
0x48: {  	_ =	shalt  }
0x49: {  	_ =	shalt  }
0x4a: {  	_ =	shalt  }
0x4b: {  	_ =	shalt  }
0x4c: {  	_ =	shalt  }
0x4d: {  	_ =	shalt  }
0x4e: {  	_ =	shalt  }
0x4f: {  	_ =	shalt  }
0x50: {  	_ =	shalt  }
0x51: {  	_ =	shalt  }
0x52: {  	_ =	shalt  }
0x53: {  	_ =	shalt  }
0x54: {  	_ =	shalt  }
0x55: {  	_ =	shalt  }
0x56: {  	_ =	shalt  }
0x57: {  	_ =	shalt  }
0x58: {  	_ =	shalt  }
0x59: {  	_ =	shalt  }
0x5a: {  	_ =	shalt  }
0x5b: {  	_ =	shalt  }
0x5c: {  	_ =	shalt  }
0x5d: {  	_ =	shalt  }
0x5e: {  	_ =	shalt  }
0x5f: {  	_ =	shalt  }
0x60: {  	_ =	shalt  }
0x61: {  	_ =	shalt  }
0x62: {  	_ =	shalt  }
0x63: {  	_ =	shalt  }
0x64: {  	_ =	shalt  }
0x65: {  	_ =	shalt  }
0x66: {  	_ =	shalt  }
0x67: {  	_ =	shalt  }
0x68: {  	_ =	shalt  }
0x69: {  	_ =	shalt  }
0x6a: {  	_ =	shalt  }
0x6b: {  	_ =	shalt  }
0x6c: {  	_ =	shalt  }
0x6d: {  	_ =	shalt  }
0x6e: {  	_ =	shalt  }
0x6f: {  	_ =	shalt  }
0x70: {  	_ =	shalt  }
0x71: {  	_ =	shalt  }
0x72: {  	_ =	shalt  }
0x73: {  	_ =	shalt  }
0x74: {  	_ =	shalt  }
0x75: {  	_ =	shalt  }
0x76: {  	_ =	shalt  }
0x77: {  	_ =	shalt  }
0x78: {  	_ =	shalt  }
0x79: {  	_ =	shalt  }
0x7a: {  	_ =	shalt  }
0x7b: {  	_ =	shalt  }
0x7c: {  	_ =	shalt  }
0x7d: {  	_ =	shalt  }
0x7e: {  	_ =	shalt  }
0x7f: {  	_ =	shalt  }
0x80: {  	_ =	shalt  }
0x81: {  	_ =	shalt  }
0x82: {  	_ =	shalt  }
0x83: {  	_ =	shalt  }
0x84: {  	_ =	shalt  }
0x85: {  	_ =	shalt  }
0x86: {  	_ =	shalt  }
0x87: {  	_ =	shalt  }
.Lfunc_end0:
.L_simem_size_0:
called_computation_lowered:
.L_overlay_start_0:
0x88: {  	s2 =	sld [smem:$0x3FD9]  }
0x89: {  	s3 =	sld [smem:$0x3FFE];
	_ =	sdelay $0x1  }
0x8a: {  	s1 =	srdreg.scid  }
0x8b: {  	s0 =	sand.u32 $0x1, s1  }
0x8c: {  	s17 =	sshll.u32 s0, $0xA;
	s2 =	sadd.s32 s3, s2  }
0x8d: {  	s2 =	sadd.s32 s2, s17  }
0x8e: {  	[smem:$0x3FBF] =	sst s2  }
0x8f: {  	_ = 	snop  }
0x90: {  	s2 =	sld [smem:$0x3FD0];
	(tm) =	ssettm $0x1  }
0x91: {  	s18 =	sld [smem:$0x3FFB];
	_ =	sdelay $0x3  }
0x92: {  	_ =	strace s18  }
0x93: {  	s3 =	sld [smem:$0x3FFC];
	_ =	sdelay $0x3  }
0x94: {  	_ =	strace s3  }
0x95: {  	s3 =	sld [smem:$0x3FFD];
	_ =	sdelay $0x3  }
0x96: {  	_ =	strace s3  }
0x97: {  	_ =	strace $0x8FFFFFFF  }
0x98: {  	s19 =	sld [smem:$0x3FDB];
	_ =	sdelay $0x1  }
0x99: {  	s4 =	simm.s32 $_scs_section_size  }
0x9a: {  	s5 =	simm.s32 $_size__tile_overlayer_lowered;
	s6 =	simm.s32 $_tile_overlayer_lowered  }
0x9b: {  	s22 =	simm.s32 $0x1BFF;
	s21 =	sshll.u32 s6, $0x1;
	s3 =	sadd.s32 s4, s19  }
0x9c: {  	s7 =	simm.s32 $0x0;
	s20 =	sshll.u32 s5, $0x1;
	s5 =	sadd.s32 s21, s3  }
0x9d: {  	[timem:s7], [sflag:s22] =	dma.local [hbm:s5], s20  }
0x9e: {  	_ =	swait.ge [sflag:s22], s20  }
0x9f: {  	s4 =	ssub.s32 $0x0, s20;
	[sflag:s22] =	ssyncset.done $0x0  }
0xa0: {  	[sflag:s22] =	ssyncadd.s32 s4;
	_ =	sdelay $0x1  }
0xa1: {  	s23 =	simm.s32 $0x1B8B  }
0xa2: {  	_ =	swait.ge [sflag:s23], $0x1  }
0xa3: {  	[sflag:s23] =	ssyncset.done $0x0  }
0xa4: {  	s25 =	simm.s32 $0x1B8E;
	s24 =	sld [smem:$0x3FFE];
	[sflag:s23] =	ssyncadd.s32 $0xFFFFFFFF  }
0xa5: {  	s26 =	simm.s32 $execute0_lowered;
	[smem:$0x3FD2] =	sst s25  }
0xa6: {  	s5 =	sshll.u32 s26, $0x1;
	_ =	strace $0x80000046;
	[dreg:$0x1] =	wrdreg $0xFFFFFFFF  }
0xa7: {  	s28 =	simm.s32 $_size_execute0_lowered;
	s3 =	sadd.s32 s3, s5;
	[dreg:$0x0] =	wrdreg $0x0  }
0xa8: {  	s5 =	sshll.u32 s28, $0x1;
	[dreg:$0x2] =	wrdreg s3  }
0xa9: {  	[dreg:$0x3] =	wrdreg s5  }
0xaa: {  	[dreg:$0x4] =	wrdreg $0xC0  }
0xab: {  	_ =	task [dreg:s7], $0x5FFFF  }
0xac: {  	[dreg:$0x1] =	wrdreg $0xFFFFFFFF  }
0xad: {  	[dreg:$0x0] =	wrdreg $0x60  }
0xae: {  	[dreg:$0x2] =	wrdreg s24  }
0xaf: {  	[dreg:$0x3] =	wrdreg s2  }
0xb0: {  	[dreg:$0x4] =	wrdreg $0x6F800  }
0xb1: {  	[dreg:$0x5] =	wrdreg $0x97800  }
0xb2: {  	[dreg:$0x6] =	wrdreg $0x9  }
0xb3: {  	_ =	task.clear_ibuf [dreg:s7], $0x7FFFF;
	_ =	strace $0x90000046  }
0xb4: {  	s29 =	simm.s32 $0x9;
	_ =	strace $0x80000048  }
0xb5: {  	_ =	swait.ge [sflag:s29], $0x1  }
0xb6: {  	[sflag:s29] =	ssyncadd.s32 $0xFFFFFFFF  }
0xb7: {  	_ =	strace $0x90000048  }
0xb8: {  	_ =	sfence  }
0xb9: {  	s30 =	sld [smem:$0x0];
	_ =	sdelay $0x2  }
0xba: {  	s31 =	sshll.u32 s1, $0xD;
	s1 =	sshrl.u32 s1, $0x2  }
0xbb: {  	s3 =	sand.u32 $0x4000, s31;
	s1 =	sadd.s32 s1, s30  }
0xbc: {  	s0 =	sor.u32 s3, s0;
	s1 =	sshll.u32 s1, $0x11  }
0xbd: {  	s0 =	sor.u32 s1, s0  }
0xbe: {  	s0 =	sadd.s32 $0x8F2B, s0  }
0xbf: {  	[sflag:s0] =	ssyncadd.remote.s32 $0x1  }
0xc0: {  	_ =	sfence.sel $0xFFFF  }
0xc1: {  	[dreg:$0x0] =	wrdreg $0xFFFFFFFF;
	(pc) =	sbr.abs _section_cstart, $3  }
0xc2: {  	[dreg:$0x1] =	wrdreg $0xFFFFFFFF  }
0xc3: {  	_ =	task.clear_ibuf [dreg:s7], $0x2FFFF;
	_ =	strace $0x9FFFFFFF  }
0xc4: {  	(tm) =	ssettm $0x7FFFFFFF  }
0xc5: {  	_ =	shalt  }
tec
execute0_lowered:
.L_overlay_start_1:
0x0: {  	(tag) =	ssettag $0x1  }
0x1: {  	s4 =	rddreg [dreg:$0x0]  }
0x2: {  	s7 =	rddreg [dreg:$0x1]  }
0x3: {  	s0 =	srdreg.scid;
	s1 =	rddreg [dreg:$0x2]  }
0x4: {  	s9 =	stileid.u32;
	s2 =	rddreg [dreg:$0x3]  }
0x5: {  	s3 =	simm.s32 $0x0;
	s13 =	simm.s32 $0x3780;
	s14 =	simm.s32 $0x3F80  }
0x6: {  	s15 =	simm.s32 $0x1;
	s16 =	simm.s32 $0x2;
	s17 =	simm.s32 $0x3  }
0x7: {  	s18 =	simm.s32 $0x4;
	s19 =	simm.s32 $0x5;
	s20 =	simm.s32 $0x6  }
0x8: {  	s21 =	simm.s32 $0x7;
	s22 =	simm.s32 $0x8;
	s23 =	simm.s32 $0x0  }
0x9: {  	s5 =	sand.u32 $0x1, s0;
	s29 =	sshll.u32 s9, $0x1;
	s8 =	smul.u32 $0xA000, s9  }
0xa: {  	[smem:$0x7FF] =	sst s3;
	s11 =	smul.u32 $0x2800, s9;
	p0 =	sne.s32 s9, $0x0  }
0xb: {  	s9 =	simm.s32 $0x4780;
	s0 =	sor.u32 s5, s29;
	s10 =	smul.u32 $0x28000, s5  }
0xc: {  	s5 =	ssub.s32 $0x2, s5;
	s6 =	smul.u32 $0x4E2, s0;
	s0 =	rddreg [dreg:$0x4]  }
0xd: {  	_ =	strace $0x80000047;
	s12 =	sshrl.u32 s5, $0x1;
	s30 =	sshrl.u32 s8, $0x2  }
0xe: {  	s12 =	ssub.s32 s5, s12;
	s31 =	sadd.s32 s11, s10;
	s5 =	sadd.s32 s30, s1  }
0xf: {  	s10 =	simm.s32 $0x9;
	s11 =	simm.s32 $0x2780;
	s6 =	sadd.s32 s6, s4  }
0x10: {  	s4 =	sadd.s32 $0x15A00, s4;
	s8 =	sshrl.u32 s31, $0x3;
	s6 =	sadd.s32 $0x1E00, s6  }
0x11: {  	v0 =	vimm.f32 $0.0e+00;
	vm0 =	vmmov $0xffff;
	s7 =	sadd.s32 s7, s8;
	s8 =	smax.u32 s12, $0x1;
	s12 =	simm.s32 $0x2F80  }
.LBB2_1:
0x12: {  	s24 =	simm.s32 $0x0;
	s25 =	simm.s32 $0x200  }
.LBB2_2:
0x13: {  	p1 =	sne.s32 s25, $0x9E00;
	[tilespmem:s24+$0x47F0] =	vst v0  }
0x14: {  	[tilespmem:s24+$0x4780] =	vst v0  }
0x15: {  	[tilespmem:s24+$0x4790] =	vst v0  }
.Ltmp0:
0x16: {  	[tilespmem:s24+$0x47A0] =	vst v0;
	(pc) =	sbr.rel @p1 .LBB2_2-.Ltmp0, $4  }
0x17: {  	[tilespmem:s24+$0x47B0] =	vst v0  }
0x18: {  	[tilespmem:s24+$0x47C0] =	vst v0  }
0x19: {  	[tilespmem:s24+$0x47D0] =	vst v0  }
0x1a: {  	[tilespmem:s24+$0x47E0] =	vst v0;
	s24 =	sshra.s32 s25, $0x2;
	s25 =	sadd.s32 $0x200, s25  }
0x1b: {  	[tilespmem:s24+$0x47F0] =	vst v0  }
0x1c: {  	[tilespmem:s24+$0x4780] =	vst v0  }
0x1d: {  	[tilespmem:s24+$0x4790] =	vst v0  }
0x1e: {  	[tilespmem:s24+$0x47A0] =	vst v0  }
0x1f: {  	[tilespmem:s24+$0x47B0] =	vst v0  }
0x20: {  	[tilespmem:s24+$0x47C0] =	vst v0  }
0x21: {  	[tilespmem:s24+$0x47D0] =	vst v0  }
0x22: {  	[tilespmem:s24+$0x47E0] =	vst v0  }
0x23: {  	[spmem:s5] =	stream.linear.scatter [tilespmem:s9], [sflag:$0x9], $0x2800, $0x38;
	[tilespmem:$0x97C0] =	vst v63  }
0x24: {  	_ =	swait.ge [sflag:s10], $0x2800  }
0x25: {  	[sflag:s10] =	ssyncset.done $0x0  }
0x26: {  	s24 =	simm.s32 @!p0 $0x0;
	s25 =	simm.s32 @!p0 $0x4780;
	[sflag:s10] =	ssyncadd.s32 $0xFFFFD800  }
0x27: {  	[tilespmem:s25], [sflag:$0x9] =	stream.linear.gather @!p0 [hbm4b:s4+s24], $0x400, $0x38;
	[tilespmem:$0x97C0] =	vst v63  }
0x28: {  	s24 =	simm.s32 @!p0 $0x9  }
0x29: {  	_ =	swait.ge @!p0 [sflag:s24], $0x400  }
0x2a: {  	[sflag:s24] =	ssyncset.done @!p0 $0x0  }
0x2b: {  	[sflag:s24] =	ssyncadd.s32 @!p0 $0xFFFFFC00  }
0x2c: {  	[spmem:s2] =	stream.linear.scatter @!p0 [tilespmem:s25], [sflag:$0x9], $0x400, $0x38;
	[tilespmem:$0x97C0] =	vst v63  }
0x2d: {  	_ =	swait.ge @!p0 [sflag:s24], $0x400  }
0x2e: {  	[sflag:s24] =	ssyncset.done @!p0 $0x0  }
0x2f: {  	[sflag:s24] =	ssyncadd.s32 @!p0 $0xFFFFFC00;
	s24 =	simm.s32 $0x0  }
0x30: {  	[tilespmem:s24], [sflag:$0x9] =	stream.linear.gather [hbm4b:s6+s24], $0x2710, $0x38;
	[tilespmem:$0x97C0] =	vst v63  }
0x31: {  	_ =	swait.ge [sflag:s10], $0x2710  }
0x32: {  	[sflag:s10] =	ssyncset.done $0x0  }
0x33: {  	[sflag:s10] =	ssyncadd.s32 $0xFFFFD8F0  }
0x34: {  	[bflag:$0x0] =	sbarrier.arrive $0xFFFF  }
0x35: {  	v1 =	vld [tilespmem:$0x0];
	_ =	sdelay $0x4  }
0x36: {  	v1 =	vand.u32 $0x7, v1;
	_ =	sdelay $0x4  }
0x37: {  	[tilespmem:s11], [sflag:$0x1] =	stream.indirect_vreg.gather [spmem:s2], $0x80, v1, vm0, $0xb8;
	[tilespmem:$0x97C0] =	vst v63  }
0x38: {  	v1 =	vld [tilespmem:$0x10];
	_ =	sdelay $0x4  }
0x39: {  	v1 =	vand.u32 $0x7, v1;
	_ =	sdelay $0x4  }
0x3a: {  	[tilespmem:s12], [sflag:$0x2] =	stream.indirect_vreg.gather [spmem:s2], $0x80, v1, vm0, $0xb8;
	[tilespmem:$0x97C0] =	vst v63  }
0x3b: {  	v1 =	vld [tilespmem:$0x20];
	_ =	sdelay $0x4  }
0x3c: {  	v1 =	vand.u32 $0x7, v1;
	_ =	sdelay $0x4  }
0x3d: {  	[tilespmem:s13], [sflag:$0x3] =	stream.indirect_vreg.gather [spmem:s2], $0x80, v1, vm0, $0xb8;
	[tilespmem:$0x97C0] =	vst v63  }
0x3e: {  	v1 =	vld [tilespmem:$0x30];
	_ =	sdelay $0x4  }
0x3f: {  	v1 =	vand.u32 $0x7, v1;
	_ =	sdelay $0x4  }
0x40: {  	[tilespmem:s14], [sflag:$0x4] =	stream.indirect_vreg.gather [spmem:s2], $0x80, v1, vm0, $0xb8;
	[tilespmem:$0x97C0] =	vst v63  }
.LBB2_4:
0x41: {  	_ =	swait.ge [sflag:s15], $0x800  }
0x42: {  	[sflag:s15] =	ssyncset.done $0x0  }
0x43: {  	s25 =	sshra.s32 s24, $0x2;
	[sflag:s15] =	ssyncadd.s32 $0xFFFFF800  }
0x44: {  	v1 =	vld [tilespmem:s25+$0x0];
	_ =	sdelay $0x4  }
0x45: {  	v1 =	vshrl.u32 v1, $0x3;
	_ =	sdelay $0x4  }
0x46: {  	[spmem:s1] =	stream.indirect_vreg.scatter.add.f32 [tilespmem:s11], [sflag:$0x5], $0x80, v1, vm0, $0xb8;
	[tilespmem:$0x97C0] =	vst v63  }
0x47: {  	_ =	swait.ge [sflag:s16], $0x800  }
0x48: {  	[sflag:s16] =	ssyncset.done $0x0  }
0x49: {  	[sflag:s16] =	ssyncadd.s32 $0xFFFFF800  }
0x4a: {  	v1 =	vld [tilespmem:s25+$0x10];
	_ =	sdelay $0x4  }
0x4b: {  	v1 =	vshrl.u32 v1, $0x3;
	_ =	sdelay $0x4  }
0x4c: {  	[spmem:s1] =	stream.indirect_vreg.scatter.add.f32 [tilespmem:s12], [sflag:$0x6], $0x80, v1, vm0, $0xb8;
	[tilespmem:$0x97C0] =	vst v63  }
0x4d: {  	_ =	swait.ge [sflag:s17], $0x800  }
0x4e: {  	[sflag:s17] =	ssyncset.done $0x0  }
0x4f: {  	[sflag:s17] =	ssyncadd.s32 $0xFFFFF800  }
0x50: {  	v1 =	vld [tilespmem:s25+$0x20];
	_ =	sdelay $0x4  }
0x51: {  	v1 =	vshrl.u32 v1, $0x3;
	_ =	sdelay $0x4  }
0x52: {  	[spmem:s1] =	stream.indirect_vreg.scatter.add.f32 [tilespmem:s13], [sflag:$0x7], $0x80, v1, vm0, $0xb8;
	[tilespmem:$0x97C0] =	vst v63  }
0x53: {  	_ =	swait.ge [sflag:s18], $0x800  }
0x54: {  	[sflag:s18] =	ssyncset.done $0x0  }
0x55: {  	[sflag:s18] =	ssyncadd.s32 $0xFFFFF800  }
0x56: {  	v1 =	vld [tilespmem:s25+$0x30];
	_ =	sdelay $0x4  }
0x57: {  	v1 =	vshrl.u32 v1, $0x3;
	_ =	sdelay $0x4  }
0x58: {  	[spmem:s1] =	stream.indirect_vreg.scatter.add.f32 [tilespmem:s14], [sflag:$0x8], $0x80, v1, vm0, $0xb8;
	[tilespmem:$0x97C0] =	vst v63  }
0x59: {  	_ =	swait.ge [sflag:s19], $0x800  }
0x5a: {  	[sflag:s19] =	ssyncset.done $0x0  }
0x5b: {  	[sflag:s19] =	ssyncadd.s32 $0xFFFFF800  }
0x5c: {  	v1 =	vld [tilespmem:s25+$0x40];
	_ =	sdelay $0x4  }
0x5d: {  	v1 =	vand.u32 $0x7, v1;
	_ =	sdelay $0x4  }
0x5e: {  	[tilespmem:s11], [sflag:$0x1] =	stream.indirect_vreg.gather [spmem:s2], $0x80, v1, vm0, $0xb8;
	[tilespmem:$0x97C0] =	vst v63  }
0x5f: {  	_ =	swait.ge [sflag:s20], $0x800  }
0x60: {  	[sflag:s20] =	ssyncset.done $0x0  }
0x61: {  	[sflag:s20] =	ssyncadd.s32 $0xFFFFF800  }
0x62: {  	v1 =	vld [tilespmem:s25+$0x50];
	_ =	sdelay $0x4  }
0x63: {  	v1 =	vand.u32 $0x7, v1;
	_ =	sdelay $0x4  }
0x64: {  	[tilespmem:s12], [sflag:$0x2] =	stream.indirect_vreg.gather [spmem:s2], $0x80, v1, vm0, $0xb8;
	[tilespmem:$0x97C0] =	vst v63  }
0x65: {  	_ =	swait.ge [sflag:s21], $0x800  }
0x66: {  	[sflag:s21] =	ssyncset.done $0x0  }
0x67: {  	[sflag:s21] =	ssyncadd.s32 $0xFFFFF800  }
0x68: {  	v1 =	vld [tilespmem:s25+$0x60];
	_ =	sdelay $0x4  }
0x69: {  	v1 =	vand.u32 $0x7, v1;
	_ =	sdelay $0x4  }
0x6a: {  	[tilespmem:s13], [sflag:$0x3] =	stream.indirect_vreg.gather [spmem:s2], $0x80, v1, vm0, $0xb8;
	[tilespmem:$0x97C0] =	vst v63  }
0x6b: {  	_ =	swait.ge [sflag:s22], $0x800  }
0x6c: {  	[sflag:s22] =	ssyncset.done $0x0  }
0x6d: {  	[sflag:s22] =	ssyncadd.s32 $0xFFFFF800  }
0x6e: {  	v1 =	vld [tilespmem:s25+$0x70];
	_ =	sdelay $0x4  }
0x6f: {  	p1 =	sne.s32 s24, $0x9A00;
	v1 =	vand.u32 $0x7, v1  }
.Ltmp1:
0x70: {  	_ = 	snop;
	(pc) =	sbr.rel @p1 .LBB2_4-.Ltmp1, $3  }
0x71: {  	_ =	sdelay $0x1  }
0x72: {  	s24 =	sadd.s32 $0x100, s24  }
0x73: {  	[tilespmem:s14], [sflag:$0x4] =	stream.indirect_vreg.gather [spmem:s2], $0x80, v1, vm0, $0xb8;
	[tilespmem:$0x97C0] =	vst v63  }
0x74: {  	_ =	swait.ge [sflag:s15], $0x800  }
0x75: {  	[sflag:s15] =	ssyncset.done $0x0  }
0x76: {  	[sflag:s15] =	ssyncadd.s32 $0xFFFFF800  }
0x77: {  	v1 =	vld [tilespmem:$0x26C0];
	_ =	sdelay $0x4  }
0x78: {  	v1 =	vshrl.u32 v1, $0x3;
	_ =	sdelay $0x4  }
0x79: {  	[spmem:s1] =	stream.indirect_vreg.scatter.add.f32 [tilespmem:s11], [sflag:$0x5], $0x80, v1, vm0, $0xb8;
	[tilespmem:$0x97C0] =	vst v63  }
0x7a: {  	_ =	swait.ge [sflag:s16], $0x800  }
0x7b: {  	[sflag:s16] =	ssyncset.done $0x0  }
0x7c: {  	[sflag:s16] =	ssyncadd.s32 $0xFFFFF800  }
0x7d: {  	v1 =	vld [tilespmem:$0x26D0];
	_ =	sdelay $0x4  }
0x7e: {  	v1 =	vshrl.u32 v1, $0x3;
	_ =	sdelay $0x4  }
0x7f: {  	[spmem:s1] =	stream.indirect_vreg.scatter.add.f32 [tilespmem:s12], [sflag:$0x6], $0x80, v1, vm0, $0xb8;
	[tilespmem:$0x97C0] =	vst v63  }
0x80: {  	_ =	swait.ge [sflag:s17], $0x800  }
0x81: {  	[sflag:s17] =	ssyncset.done $0x0  }
0x82: {  	[sflag:s17] =	ssyncadd.s32 $0xFFFFF800  }
0x83: {  	v1 =	vld [tilespmem:$0x26E0];
	_ =	sdelay $0x4  }
0x84: {  	v1 =	vshrl.u32 v1, $0x3;
	_ =	sdelay $0x4  }
0x85: {  	[spmem:s1] =	stream.indirect_vreg.scatter.add.f32 [tilespmem:s13], [sflag:$0x7], $0x80, v1, vm0, $0xb8;
	[tilespmem:$0x97C0] =	vst v63  }
0x86: {  	_ =	swait.ge [sflag:s18], $0x800  }
0x87: {  	[sflag:s18] =	ssyncset.done $0x0  }
0x88: {  	[sflag:s18] =	ssyncadd.s32 $0xFFFFF800  }
0x89: {  	v1 =	vld [tilespmem:$0x26F0];
	_ =	sdelay $0x4  }
0x8a: {  	v1 =	vshrl.u32 v1, $0x3;
	_ =	sdelay $0x4  }
0x8b: {  	[spmem:s1] =	stream.indirect_vreg.scatter.add.f32 [tilespmem:s14], [sflag:$0x8], $0x80, v1, vm0, $0xb8;
	[tilespmem:$0x97C0] =	vst v63  }
0x8c: {  	_ =	swait.ge [sflag:s19], $0x800  }
0x8d: {  	[sflag:s19] =	ssyncset.done $0x0  }
0x8e: {  	[sflag:s19] =	ssyncadd.s32 $0xFFFFF800  }
0x8f: {  	_ =	swait.ge [sflag:s20], $0x800  }
0x90: {  	[sflag:s20] =	ssyncset.done $0x0  }
0x91: {  	[sflag:s20] =	ssyncadd.s32 $0xFFFFF800  }
0x92: {  	_ =	swait.ge [sflag:s21], $0x800  }
0x93: {  	[sflag:s21] =	ssyncset.done $0x0  }
0x94: {  	[sflag:s21] =	ssyncadd.s32 $0xFFFFF800  }
0x95: {  	_ =	swait.ge [sflag:s22], $0x800  }
0x96: {  	[sflag:s22] =	ssyncset.done $0x0  }
0x97: {  	[sflag:s22] =	ssyncadd.s32 $0xFFFFF800  }
0x98: {  	v1 =	vld [tilespmem:$0x2700];
	_ =	sdelay $0x4  }
0x99: {  	v1 =	vand.u32 $0x7, v1;
	_ =	sdelay $0x4  }
0x9a: {  	[tilespmem:s11], [sflag:$0x1] =	stream.indirect_vreg.gather [spmem:s2], $0x80, v1, vm0, $0xb8;
	[tilespmem:$0x97C0] =	vst v63  }
0x9b: {  	_ =	swait.ge [sflag:s15], $0x800  }
0x9c: {  	[sflag:s15] =	ssyncset.done $0x0  }
0x9d: {  	[sflag:s15] =	ssyncadd.s32 $0xFFFFF800  }
0x9e: {  	v1 =	vld [tilespmem:$0x2700];
	_ =	sdelay $0x4  }
0x9f: {  	v1 =	vshrl.u32 v1, $0x3;
	_ =	sdelay $0x4  }
0xa0: {  	[spmem:s1] =	stream.indirect_vreg.scatter.add.f32 [tilespmem:s11], [sflag:$0x5], $0x80, v1, vm0, $0xb8;
	[tilespmem:$0x97C0] =	vst v63  }
0xa1: {  	_ =	swait.ge [sflag:s19], $0x800  }
0xa2: {  	[sflag:s19] =	ssyncset.done $0x0  }
0xa3: {  	[sflag:s19] =	ssyncadd.s32 $0xFFFFF800  }
0xa4: {  	[bflag:$0x0] =	sbarrier.arrive $0xFFFF  }
0xa5: {  	[tilespmem:s9], [sflag:$0x9] =	stream.linear.gather [spmem:s5], $0x2800, $0x38;
	[tilespmem:$0x97C0] =	vst v63  }
0xa6: {  	s23 =	sadd.s32 $0x1, s23;
	_ =	swait.ge [sflag:s10], $0x2800  }
0xa7: {  	p1 =	sne.s32 s23, s8;
	[sflag:s10] =	ssyncset.done $0x0  }
.Ltmp2:
0xa8: {  	[sflag:s10] =	ssyncadd.s32 $0xFFFFD800;
	(pc) =	sbr.rel @p1 .LBB2_1-.Ltmp2, $4  }
0xa9: {  	[hbm4b:s7+s3] =	stream.linear.scatter [tilespmem:s9], [sflag:$0x9], $0x2800, $0x38;
	[tilespmem:$0x97C0] =	vst v63  }
0xaa: {  	_ =	swait.ge [sflag:s10], $0x2800  }
0xab: {  	[sflag:s10] =	ssyncset.done $0x0  }
0xac: {  	[sflag:s10] =	ssyncadd.s32 $0xFFFFD800  }
0xad: {  	_ =	sfence.sel $0x180000  }
0xae: {  	[bflag:$0x0] =	sbarrier.arrive $0xFFFF  }
0xaf: {  	_ =	strace $0x90000047  }
0xb0: {  	s0 =	sadd.s32 @!p0 $0x100000, s0;
	[bflag:$0x2] =	sbarrier.arrive $0xFFFF  }
0xb1: {  	[sflag:s0] =	ssyncadd.tile.s32 @!p0 $0x1;
	_ =	shalt  }
.Lfunc_end2:
_tile_overlayer_lowered:
.L_overlay_start_2:
0xb2: {  	(tag) =	ssettag $0x2  }
0xb3: {  	s0 =	rddreg [dreg:$0x0];
	s2 =	stileid.u32  }
0xb4: {  	s1 =	rddreg [dreg:$0x1];
	p0 =	sne.s32 s2, $0x0  }
0xb5: {  	s3 =	rddreg [dreg:$0x2];
	[bflag:$0x3] =	sbarrier.arrive $0xFFFF;
	s2 =	simm.s32 @!p0 $0x1C09  }
0xb6: {  	[timem:s3], [sflag:s2] =	dma.local @!p0 [hbm:s0], s1  }
0xb7: {  	s0 =	simm.s32 @!p0 $0x9  }
0xb8: {  	_ =	swait.ge @!p0 [sflag:s0], s1  }
0xb9: {  	s1 =	ssub.s32 @!p0 $0x0, s1;
	[sflag:s0] =	ssyncset.done @!p0 $0x0  }
0xba: {  	[sflag:s0] =	ssyncadd.s32 @!p0 s1  }
0xbb: {  	[bflag:$0x3] =	sbarrier.arrive $0xFFFF  }
0xbc: {  	_ =	shalt  }

// kernel: kernel.9.cloned.1.call-start
scs
__scs_entry_jumppad:
0x0: {  	(pc) =	sbr.rel $0x88, $3  }
0x1: {  	(tag) =	ssettag $0x0;
	lr =	simm.s32 $0x1  }
0x2: {  	[smem:$0x3F98] =	sst lr;
	_ =	strace $0xD0000000  }
0x3: {  	_ = 	snop  }
0x4: {  	_ = 	snop  }
0x5: {  	_ = 	snop  }
0x6: {  	_ = 	snop  }
0x7: {  	_ = 	snop  }
__scs_overlays_trampoline_lowered:
0x8: {  	[smem:$0x3FA7] =	sst s0  }
0x9: {  	[smem:$0x3FA8] =	sst s1  }
0xa: {  	[smem:$0x3FA9] =	sst s2  }
0xb: {  	[smem:$0x3FAA] =	sst s3  }
0xc: {  	[smem:$0x3FAB] =	sst s4  }
0xd: {  	[smem:$0x3FAC] =	sst s5  }
0xe: {  	[smem:$0x3FAD] =	sst s6  }
0xf: {  	[smem:$0x3FAE] =	sst s7  }
0x10: {  	[smem:$0x3FAF] =	sst s8  }
0x11: {  	[smem:$0x3FB0] =	sst s9;
	s0 =	simm.s32 @!p0 $0x0  }
0x12: {  	s1 =	sld [smem:$0x3F96];
	s0 =	simm.s32 @p0 $0x1  }
0x13: {  	[smem:$0x3FB1] =	sst s0;
	s0 =	simm.s32 @!p1 $0x0  }
0x14: {  	s2 =	sld [smem:$0x3F95];
	s0 =	simm.s32 @p1 $0x1  }
0x15: {  	[smem:$0x3FB2] =	sst s0;
	s0 =	simm.s32 @!p2 $0x0  }
0x16: {  	s3 =	sld [smem:$0x3FDB];
	s0 =	simm.s32 @p2 $0x1  }
0x17: {  	s4 =	simm.s32 $0x1BF5;
	[smem:$0x3FB4] =	sst s0  }
0x18: {  	s0 =	sld [smem:$0x3F97];
	_ =	swait.ge [sflag:s4], $0x0  }
0x19: {  	s7 =	sld [smem:$0x3F98]  }
0x1a: {  	s8 =	sadd.s32 $0xFFFFE003, lr  }
0x1b: {  	s9 =	sadd.s32 $0xFFFFFEF7, lr;
	s5 =	simm.s32 $0xFFFFFFFF;
	p2 =	slt.u32 s8, $0xFFFFF086  }
0x1c: {  	p1 =	slt.u32 s9, $0xF7A;
	s5 =	simm.s32 @!p2 $0x0  }
0x1d: {  	s5 =	simm.s32 @p1 $0x1;
	p0 =	seq.s32 s7, s2  }
0x1e: {  	s7 =	smul.u32 @!p0 $0xF7A, s2;
	p2 =	seq.s32 @!p0 s5, $0x0  }
0x1f: {  	s9 =	smul.u32 $0xF7A, s1;
	s8 =	simm.s32 @!p0 $0x1BF5;
	p2 =	por !p2, p0  }
0x20: {  	[sflag:s8] =	ssyncset.s32 @!p0 $0xFFFFF086;
	s6 =	sadd.s32 @!p0 s3, s7;
	s7 =	simm.s32 @!p0 $0x108  }
0x21: {  	s3 =	sadd.s32 s3, s9;
	s6 =	sadd.s32 @!p0 $0x88, s6;
	s7 =	simm.s32 @p2 $0x1082  }
0x22: {  	[simem:s7], [sflag:s8] =	dma.local @!p0 [hbm:s6], $0xF7A  }
0x23: {  	s9 =	sor.u32 $0xD0000000, s2;
	s6 =	simm.s32 $0x108;
	_ =	swait.ge @!p0 [sflag:s8], $0x0  }
0x24: {  	s3 =	sadd.s32 $0x88, s3;
	s6 =	simm.s32 @!p1 $0x1082;
	[sflag:s4] =	ssyncset.s32 $0xFFFFF086  }
0x25: {  	[simem:s6], [sflag:s4] =	dma.local [hbm:s3], $0xF7A  }
0x26: {  	[smem:$0x3F98] =	sst s1;
	(tag) =	ssettag s2;
	_ =	strace s9  }
0x27: {  	s1 =	sld [smem:$0x3FA8]  }
0x28: {  	s2 =	sld [smem:$0x3FA9]  }
0x29: {  	s4 =	sld [smem:$0x3FAB]  }
0x2a: {  	p0 =	seq.s32 s5, $0x0;
	s5 =	sld [smem:$0x3FAC]  }
0x2b: {  	s6 =	sld [smem:$0x3FAD]  }
0x2c: {  	s7 =	sld [smem:$0x3FAE]  }
0x2d: {  	s3 =	simm.s32 $0x108;
	s8 =	sld [smem:$0x3FAF]  }
0x2e: {  	s3 =	simm.s32 @!p0 $0x1082;
	s9 =	sld [smem:$0x3FB0]  }
0x2f: {  	lr =	sadd.s32 s0, s3;
	s0 =	sld [smem:$0x3FA7]  }
0x30: {  	s3 =	sld [smem:$0x3FAA]  }
0x31: {  	[smem:$0x3FB3] =	sst s10  }
0x32: {  	s10 =	sld [smem:$0x3FB1];
	_ =	sdelay $0x3  }
0x33: {  	p0 =	seq.s32 s10, $0x1;
	s10 =	sld [smem:$0x3FB3];
	_ =	sdelay $0x3  }
0x34: {  	[smem:$0x3FB3] =	sst s10  }
0x35: {  	s10 =	sld [smem:$0x3FB2];
	_ =	sdelay $0x3  }
0x36: {  	p1 =	seq.s32 s10, $0x1;
	s10 =	sld [smem:$0x3FB3];
	_ =	sdelay $0x3  }
0x37: {  	[smem:$0x3FB3] =	sst s10  }
0x38: {  	s10 =	sld [smem:$0x3FB4]  }
0x39: {  	_ = 	snop;
	(pc) =	sbr.ind lr, $3  }
0x3a: {  	_ = 	snop  }
0x3b: {  	_ = 	snop  }
0x3c: {  	p2 =	seq.s32 s10, $0x1;
	s10 =	sld [smem:$0x3FB3]  }
0x3d: {  	_ =	shalt  }
0x3e: {  	_ =	shalt  }
0x3f: {  	_ =	shalt  }
0x40: {  	_ =	shalt  }
0x41: {  	_ =	shalt  }
0x42: {  	_ =	shalt  }
0x43: {  	_ =	shalt  }
0x44: {  	_ =	shalt  }
0x45: {  	_ =	shalt  }
0x46: {  	_ =	shalt  }
0x47: {  	_ =	shalt  }
0x48: {  	_ =	shalt  }
0x49: {  	_ =	shalt  }
0x4a: {  	_ =	shalt  }
0x4b: {  	_ =	shalt  }
0x4c: {  	_ =	shalt  }
0x4d: {  	_ =	shalt  }
0x4e: {  	_ =	shalt  }
0x4f: {  	_ =	shalt  }
0x50: {  	_ =	shalt  }
0x51: {  	_ =	shalt  }
0x52: {  	_ =	shalt  }
0x53: {  	_ =	shalt  }
0x54: {  	_ =	shalt  }
0x55: {  	_ =	shalt  }
0x56: {  	_ =	shalt  }
0x57: {  	_ =	shalt  }
0x58: {  	_ =	shalt  }
0x59: {  	_ =	shalt  }
0x5a: {  	_ =	shalt  }
0x5b: {  	_ =	shalt  }
0x5c: {  	_ =	shalt  }
0x5d: {  	_ =	shalt  }
0x5e: {  	_ =	shalt  }
0x5f: {  	_ =	shalt  }
0x60: {  	_ =	shalt  }
0x61: {  	_ =	shalt  }
0x62: {  	_ =	shalt  }
0x63: {  	_ =	shalt  }
0x64: {  	_ =	shalt  }
0x65: {  	_ =	shalt  }
0x66: {  	_ =	shalt  }
0x67: {  	_ =	shalt  }
0x68: {  	_ =	shalt  }
0x69: {  	_ =	shalt  }
0x6a: {  	_ =	shalt  }
0x6b: {  	_ =	shalt  }
0x6c: {  	_ =	shalt  }
0x6d: {  	_ =	shalt  }
0x6e: {  	_ =	shalt  }
0x6f: {  	_ =	shalt  }
0x70: {  	_ =	shalt  }
0x71: {  	_ =	shalt  }
0x72: {  	_ =	shalt  }
0x73: {  	_ =	shalt  }
0x74: {  	_ =	shalt  }
0x75: {  	_ =	shalt  }
0x76: {  	_ =	shalt  }
0x77: {  	_ =	shalt  }
0x78: {  	_ =	shalt  }
0x79: {  	_ =	shalt  }
0x7a: {  	_ =	shalt  }
0x7b: {  	_ =	shalt  }
0x7c: {  	_ =	shalt  }
0x7d: {  	_ =	shalt  }
0x7e: {  	_ =	shalt  }
0x7f: {  	_ =	shalt  }
0x80: {  	_ =	shalt  }
0x81: {  	_ =	shalt  }
0x82: {  	_ =	shalt  }
0x83: {  	_ =	shalt  }
0x84: {  	_ =	shalt  }
0x85: {  	_ =	shalt  }
0x86: {  	_ =	shalt  }
0x87: {  	_ =	shalt  }
.Lfunc_end0:
.L_simem_size_0:
called_computation.1_lowered:
.L_overlay_start_0:
0x88: {  	s2 =	sld [smem:$0x3FD9]  }
0x89: {  	s3 =	sld [smem:$0x3FFE];
	_ =	sdelay $0x1  }
0x8a: {  	s1 =	srdreg.scid  }
0x8b: {  	s0 =	sand.u32 $0x1, s1  }
0x8c: {  	s16 =	sshll.u32 s0, $0xA;
	s2 =	sadd.s32 s3, s2  }
0x8d: {  	s2 =	sadd.s32 s2, s16  }
0x8e: {  	[smem:$0x3FBF] =	sst s2  }
0x8f: {  	_ = 	snop  }
0x90: {  	(tm) =	ssettm $0x1  }
0x91: {  	s17 =	sld [smem:$0x3FFB];
	_ =	sdelay $0x3  }
0x92: {  	_ =	strace s17  }
0x93: {  	s2 =	sld [smem:$0x3FFC];
	_ =	sdelay $0x3  }
0x94: {  	_ =	strace s2  }
0x95: {  	s2 =	sld [smem:$0x3FFD];
	_ =	sdelay $0x3  }
0x96: {  	_ =	strace s2  }
0x97: {  	_ =	strace $0x8FFFFFFF  }
0x98: {  	s18 =	sld [smem:$0x3FDB];
	_ =	sdelay $0x1  }
0x99: {  	s19 =	simm.s32 $_scs_section_size  }
0x9a: {  	s4 =	simm.s32 $_size__tile_overlayer_lowered;
	s5 =	simm.s32 $_tile_overlayer_lowered  }
0x9b: {  	s22 =	simm.s32 $0x1BFF;
	s21 =	sshll.u32 s5, $0x1;
	s2 =	sadd.s32 s19, s18  }
0x9c: {  	s6 =	simm.s32 $0x0;
	s20 =	sshll.u32 s4, $0x1;
	s4 =	sadd.s32 s21, s2  }
0x9d: {  	[timem:s6], [sflag:s22] =	dma.local [hbm:s4], s20  }
0x9e: {  	_ =	swait.ge [sflag:s22], s20  }
0x9f: {  	s3 =	ssub.s32 $0x0, s20;
	[sflag:s22] =	ssyncset.done $0x0  }
0xa0: {  	[sflag:s22] =	ssyncadd.s32 s3;
	_ =	sdelay $0x1  }
0xa1: {  	s23 =	simm.s32 $0x1B8B  }
0xa2: {  	_ =	swait.ge [sflag:s23], $0x1  }
0xa3: {  	[sflag:s23] =	ssyncset.done $0x0  }
0xa4: {  	s25 =	simm.s32 $0x1B8E;
	s24 =	sld [smem:$0x3FFE];
	[sflag:s23] =	ssyncadd.s32 $0xFFFFFFFF  }
0xa5: {  	s26 =	simm.s32 $execute0_lowered;
	[smem:$0x3FD2] =	sst s25  }
0xa6: {  	s4 =	sshll.u32 s26, $0x1;
	_ =	strace $0x80000049;
	[dreg:$0x1] =	wrdreg $0xFFFFFFFF  }
0xa7: {  	s28 =	simm.s32 $_size_execute0_lowered;
	s2 =	sadd.s32 s2, s4;
	[dreg:$0x0] =	wrdreg $0x0  }
0xa8: {  	s4 =	sshll.u32 s28, $0x1;
	[dreg:$0x2] =	wrdreg s2  }
0xa9: {  	[dreg:$0x3] =	wrdreg s4  }
0xaa: {  	[dreg:$0x4] =	wrdreg $0xC0  }
0xab: {  	_ =	task [dreg:s6], $0x5FFFF  }
0xac: {  	[dreg:$0x1] =	wrdreg $0xFFFFFFFF  }
0xad: {  	[dreg:$0x0] =	wrdreg $0x60  }
0xae: {  	[dreg:$0x2] =	wrdreg s24  }
0xaf: {  	[dreg:$0x3] =	wrdreg $0xAF000  }
0xb0: {  	[dreg:$0x4] =	wrdreg $0x9  }
0xb1: {  	_ =	task.clear_ibuf [dreg:s6], $0x5FFFF;
	_ =	strace $0x90000049  }
0xb2: {  	s29 =	simm.s32 $0x9;
	_ =	strace $0x8000004B  }
0xb3: {  	_ =	swait.ge [sflag:s29], $0x1  }
0xb4: {  	[sflag:s29] =	ssyncadd.s32 $0xFFFFFFFF  }
0xb5: {  	_ =	strace $0x9000004B  }
0xb6: {  	_ =	sfence  }
0xb7: {  	s30 =	sld [smem:$0x0];
	_ =	sdelay $0x2  }
0xb8: {  	s31 =	sshll.u32 s1, $0xD;
	s1 =	sshrl.u32 s1, $0x2  }
0xb9: {  	s3 =	sand.u32 $0x4000, s31;
	s1 =	sadd.s32 s1, s30  }
0xba: {  	s0 =	sor.u32 s3, s0;
	s1 =	sshll.u32 s1, $0x11  }
0xbb: {  	s0 =	sor.u32 s1, s0  }
0xbc: {  	s0 =	sadd.s32 $0x8F2B, s0  }
0xbd: {  	[sflag:s0] =	ssyncadd.remote.s32 $0x1  }
0xbe: {  	_ =	sfence.sel $0xFFFF  }
0xbf: {  	[dreg:$0x0] =	wrdreg $0xFFFFFFFF;
	(pc) =	sbr.abs _section_cstart, $3  }
0xc0: {  	[dreg:$0x1] =	wrdreg $0xFFFFFFFF  }
0xc1: {  	_ =	task.clear_ibuf [dreg:s6], $0x2FFFF;
	_ =	strace $0x9FFFFFFF  }
0xc2: {  	(tm) =	ssettm $0x7FFFFFFF  }
0xc3: {  	_ =	shalt  }
tec
execute0_lowered:
.L_overlay_start_1:
0x0: {  	(tag) =	ssettag $0x1  }
0x1: {  	s1 =	rddreg [dreg:$0x0]  }
0x2: {  	s3 =	srdreg.scid;
	s0 =	stileid.u32  }
0x3: {  	s2 =	rddreg [dreg:$0x1];
	s15 =	simm.s32 $0x9;
	s16 =	simm.s32 $0x2780  }
0x4: {  	s17 =	simm.s32 $0x4F00;
	s18 =	simm.s32 $0x5700;
	s19 =	simm.s32 $0x5F00  }
0x5: {  	s20 =	simm.s32 $0x6700;
	s21 =	simm.s32 $0x1;
	s22 =	simm.s32 $0x2  }
0x6: {  	s23 =	simm.s32 $0x3;
	s24 =	simm.s32 $0x4;
	s25 =	simm.s32 $0x5  }
0x7: {  	s26 =	simm.s32 $0x6;
	s28 =	simm.s32 $0x7;
	s29 =	simm.s32 $0x8  }
0x8: {  	s30 =	simm.s32 $0x0;
	s6 =	sand.u32 $0x1, s3;
	s5 =	smul.u32 $0x28000, s0  }
0x9: {  	s4 =	sshll.u32 s0, $0x1;
	s3 =	simm.s32 $0x0;
	s10 =	smul.u32 $0xA000, s0  }
0xa: {  	s4 =	sor.u32 s6, s4;
	[smem:$0x7FF] =	sst s3;
	s14 =	smul.u32 $0xA0000, s6  }
0xb: {  	s7 =	ssub.s32 $0x2, s6;
	s4 =	smul.u32 $0x4E2, s4;
	_ =	strace $0x8000004A  }
0xc: {  	s8 =	sshrl.u32 s7, $0x1;
	s5 =	sshrl.u32 s5, $0x2;
	s11 =	sadd.s32 $0x4000, s10  }
0xd: {  	s12 =	sadd.s32 $0x8000, s10;
	s13 =	ssub.s32 s7, s8;
	s5 =	sadd.s32 s5, s2  }
0xe: {  	s6 =	sadd.s32 s11, s2;
	s7 =	sadd.s32 s12, s2;
	s10 =	sadd.s32 s10, s14  }
0xf: {  	s11 =	sadd.s32 s14, s11;
	s12 =	sadd.s32 s14, s12;
	s14 =	simm.s32 $0x6F00  }
0x10: {  	s9 =	sadd.s32 s4, s1;
	s4 =	sadd.s32 $0x65A00, s1;
	s1 =	sadd.s32 $0xB5A00, s1  }
0x11: {  	s10 =	sshrl.u32 s10, $0x3;
	s11 =	sshrl.u32 s11, $0x3;
	s12 =	sshrl.u32 s12, $0x3  }
0x12: {  	s13 =	smax.u32 s13, $0x1;
	s8 =	sadd.s32 $0xBC00, s9;
	s9 =	sadd.s32 $0x1E00, s9  }
0x13: {  	v0 =	vimm.f32 $0.0e+00;
	v1 =	vimm.s32 $0x0;
	vm0 =	vmmov $0xffff;
	s10 =	sadd.s32 s1, s10;
	s11 =	sadd.s32 s1, s11;
	s12 =	sadd.s32 s1, s12  }
.LBB2_1:
0x14: {  	s31 =	simm.s32 $0x0;
	s1 =	simm.s32 $0x200  }
.LBB2_2:
0x15: {  	p0 =	sne.s32 s1, $0xFE00;
	[tilespmem:s31+$0x6F70] =	vst v0  }
0x16: {  	[tilespmem:s31+$0x6F00] =	vst v0  }
0x17: {  	[tilespmem:s31+$0x6F10] =	vst v0  }
.Ltmp0:
0x18: {  	[tilespmem:s31+$0x6F20] =	vst v0;
	(pc) =	sbr.rel @p0 .LBB2_2-.Ltmp0, $4  }
0x19: {  	[tilespmem:s31+$0x6F30] =	vst v0  }
0x1a: {  	[tilespmem:s31+$0x6F40] =	vst v0  }
0x1b: {  	[tilespmem:s31+$0x6F50] =	vst v0  }
0x1c: {  	[tilespmem:s31+$0x6F60] =	vst v0;
	s31 =	sshra.s32 s1, $0x2;
	s1 =	sadd.s32 $0x200, s1  }
0x1d: {  	[tilespmem:s31+$0x6F70] =	vst v0  }
0x1e: {  	[tilespmem:s31+$0x6F00] =	vst v0  }
0x1f: {  	[tilespmem:s31+$0x6F10] =	vst v0  }
0x20: {  	[tilespmem:s31+$0x6F20] =	vst v0  }
0x21: {  	[tilespmem:s31+$0x6F30] =	vst v0  }
0x22: {  	[tilespmem:s31+$0x6F40] =	vst v0  }
0x23: {  	[tilespmem:s31+$0x6F50] =	vst v0  }
0x24: {  	[tilespmem:s31+$0x6F60] =	vst v0  }
0x25: {  	[spmem:s5] =	stream.linear.scatter [tilespmem:s14], [sflag:$0x9], $0x4000, $0x38;
	[tilespmem:$0x14F00] =	vst v63  }
0x26: {  	_ =	swait.ge [sflag:s15], $0x4000  }
0x27: {  	[sflag:s15] =	ssyncset.done $0x0  }
0x28: {  	[sflag:s15] =	ssyncadd.s32 $0xFFFFC000  }
0x29: {  	[spmem:s6] =	stream.linear.scatter [tilespmem:s14], [sflag:$0x9], $0x4000, $0x38;
	[tilespmem:$0x14F00] =	vst v63  }
0x2a: {  	_ =	swait.ge [sflag:s15], $0x4000  }
0x2b: {  	[sflag:s15] =	ssyncset.done $0x0  }
0x2c: {  	[sflag:s15] =	ssyncadd.s32 $0xFFFFC000  }
0x2d: {  	[spmem:s7] =	stream.linear.scatter [tilespmem:s14], [sflag:$0x9], $0x2000, $0x38;
	[tilespmem:$0x14F00] =	vst v63  }
0x2e: {  	_ =	swait.ge [sflag:s15], $0x2000  }
0x2f: {  	[sflag:s15] =	ssyncset.done $0x0  }
0x30: {  	[sflag:s15] =	ssyncadd.s32 $0xFFFFE000  }
0x31: {  	[tilespmem:s3], [sflag:$0x9] =	stream.linear.gather [hbm4b:s8+s3], $0x2710, $0x38;
	[tilespmem:$0x14F00] =	vst v63  }
0x32: {  	_ =	swait.ge [sflag:s15], $0x2710  }
0x33: {  	[sflag:s15] =	ssyncset.done $0x0  }
0x34: {  	[sflag:s15] =	ssyncadd.s32 $0xFFFFD8F0  }
0x35: {  	[tilespmem:s16], [sflag:$0x9] =	stream.linear.gather [hbm4b:s9+s3], $0x2710, $0x38;
	[tilespmem:$0x14F00] =	vst v63  }
0x36: {  	_ =	swait.ge [sflag:s15], $0x2710  }
0x37: {  	[sflag:s15] =	ssyncset.done $0x0  }
0x38: {  	[sflag:s15] =	ssyncadd.s32 $0xFFFFD8F0  }
0x39: {  	[bflag:$0x0] =	sbarrier.arrive $0xFFFF  }
0x3a: {  	v2 =	vld [tilespmem:$0x2780];
	_ =	sdelay $0x2  }
0x3b: {  	v3 =	vld [tilespmem:$0x0];
	_ =	sdelay $0x1  }
0x3c: {  	v2 =	vand.u32 $0x1, v2  }
0x3d: {  	vm1 =	veq.s32 v2, $0x1  }
0x3e: {  	v2 =	vsel vm1, $0x2800, v1  }
0x3f: {  	v2 =	vadd.s32 v3, v2;
	_ =	sdelay $0x4  }
0x40: {  	[tilespmem:s17], [sflag:$0x1] =	stream.indirect_vreg.gather [hbm4b:s4+s3], $0x80, v2, vm0, $0xb8;
	[tilespmem:$0x14F00] =	vst v63  }
0x41: {  	v2 =	vld [tilespmem:$0x2790];
	_ =	sdelay $0x2  }
0x42: {  	v3 =	vld [tilespmem:$0x10];
	_ =	sdelay $0x1  }
0x43: {  	v2 =	vand.u32 $0x1, v2  }
0x44: {  	vm1 =	veq.s32 v2, $0x1  }
0x45: {  	v2 =	vsel vm1, $0x2800, v1  }
0x46: {  	v2 =	vadd.s32 v3, v2;
	_ =	sdelay $0x4  }
0x47: {  	[tilespmem:s18], [sflag:$0x2] =	stream.indirect_vreg.gather [hbm4b:s4+s3], $0x80, v2, vm0, $0xb8;
	[tilespmem:$0x14F00] =	vst v63  }
0x48: {  	v2 =	vld [tilespmem:$0x27A0];
	_ =	sdelay $0x2  }
0x49: {  	v3 =	vld [tilespmem:$0x20];
	_ =	sdelay $0x1  }
0x4a: {  	v2 =	vand.u32 $0x1, v2  }
0x4b: {  	vm1 =	veq.s32 v2, $0x1  }
0x4c: {  	v2 =	vsel vm1, $0x2800, v1  }
0x4d: {  	v2 =	vadd.s32 v3, v2;
	_ =	sdelay $0x4  }
0x4e: {  	[tilespmem:s19], [sflag:$0x3] =	stream.indirect_vreg.gather [hbm4b:s4+s3], $0x80, v2, vm0, $0xb8;
	[tilespmem:$0x14F00] =	vst v63  }
0x4f: {  	v2 =	vld [tilespmem:$0x27B0];
	_ =	sdelay $0x2  }
0x50: {  	v3 =	vld [tilespmem:$0x30];
	_ =	sdelay $0x1  }
0x51: {  	v2 =	vand.u32 $0x1, v2  }
0x52: {  	vm1 =	veq.s32 v2, $0x1  }
0x53: {  	v2 =	vsel vm1, $0x2800, v1  }
0x54: {  	v2 =	vadd.s32 v3, v2;
	_ =	sdelay $0x3  }
0x55: {  	s31 =	simm.s32 $0x1C0  }
0x56: {  	[tilespmem:s20], [sflag:$0x4] =	stream.indirect_vreg.gather [hbm4b:s4+s3], $0x80, v2, vm0, $0xb8;
	[tilespmem:$0x14F00] =	vst v63  }
.LBB2_4:
0x57: {  	_ =	swait.ge [sflag:s21], $0x800  }
0x58: {  	[sflag:s21] =	ssyncset.done $0x0  }
0x59: {  	s1 =	sshra.s32 s31, $0x2;
	[sflag:s21] =	ssyncadd.s32 $0xFFFFF800  }
0x5a: {  	v2 =	vld [tilespmem:s1+$0x2710];
	_ =	sdelay $0x4  }
0x5b: {  	v2 =	vshrl.u32 v2, $0x1;
	_ =	sdelay $0x4  }
0x5c: {  	[spmem:s2] =	stream.indirect_vreg.scatter.add.f32 [tilespmem:s17], [sflag:$0x5], $0x80, v2, vm0, $0xb8;
	[tilespmem:$0x14F00] =	vst v63  }
0x5d: {  	_ =	swait.ge [sflag:s22], $0x800  }
0x5e: {  	[sflag:s22] =	ssyncset.done $0x0  }
0x5f: {  	[sflag:s22] =	ssyncadd.s32 $0xFFFFF800  }
0x60: {  	v2 =	vld [tilespmem:s1+$0x2720];
	_ =	sdelay $0x4  }
0x61: {  	v2 =	vshrl.u32 v2, $0x1;
	_ =	sdelay $0x4  }
0x62: {  	[spmem:s2] =	stream.indirect_vreg.scatter.add.f32 [tilespmem:s18], [sflag:$0x6], $0x80, v2, vm0, $0xb8;
	[tilespmem:$0x14F00] =	vst v63  }
0x63: {  	_ =	swait.ge [sflag:s23], $0x800  }
0x64: {  	[sflag:s23] =	ssyncset.done $0x0  }
0x65: {  	[sflag:s23] =	ssyncadd.s32 $0xFFFFF800  }
0x66: {  	v2 =	vld [tilespmem:s1+$0x2730];
	_ =	sdelay $0x4  }
0x67: {  	v2 =	vshrl.u32 v2, $0x1;
	_ =	sdelay $0x4  }
0x68: {  	[spmem:s2] =	stream.indirect_vreg.scatter.add.f32 [tilespmem:s19], [sflag:$0x7], $0x80, v2, vm0, $0xb8;
	[tilespmem:$0x14F00] =	vst v63  }
0x69: {  	_ =	swait.ge [sflag:s24], $0x800  }
0x6a: {  	[sflag:s24] =	ssyncset.done $0x0  }
0x6b: {  	[sflag:s24] =	ssyncadd.s32 $0xFFFFF800  }
0x6c: {  	v2 =	vld [tilespmem:s1+$0x2740];
	_ =	sdelay $0x4  }
0x6d: {  	v2 =	vshrl.u32 v2, $0x1;
	_ =	sdelay $0x4  }
0x6e: {  	[spmem:s2] =	stream.indirect_vreg.scatter.add.f32 [tilespmem:s20], [sflag:$0x8], $0x80, v2, vm0, $0xb8;
	[tilespmem:$0x14F00] =	vst v63  }
0x6f: {  	_ =	swait.ge [sflag:s25], $0x800  }
0x70: {  	[sflag:s25] =	ssyncset.done $0x0  }
0x71: {  	[sflag:s25] =	ssyncadd.s32 $0xFFFFF800  }
0x72: {  	v2 =	vld [tilespmem:s1+$0x2750];
	_ =	sdelay $0x2  }
0x73: {  	v3 =	vld [tilespmem:s1+$0xFFFFFFD0];
	_ =	sdelay $0x1  }
0x74: {  	v2 =	vand.u32 $0x1, v2  }
0x75: {  	vm1 =	veq.s32 v2, $0x1  }
0x76: {  	v2 =	vsel vm1, $0x2800, v1  }
0x77: {  	v2 =	vadd.s32 v3, v2;
	_ =	sdelay $0x4  }
0x78: {  	[tilespmem:s17], [sflag:$0x1] =	stream.indirect_vreg.gather [hbm4b:s4+s3], $0x80, v2, vm0, $0xb8;
	[tilespmem:$0x14F00] =	vst v63  }
0x79: {  	_ =	swait.ge [sflag:s26], $0x800  }
0x7a: {  	[sflag:s26] =	ssyncset.done $0x0  }
0x7b: {  	[sflag:s26] =	ssyncadd.s32 $0xFFFFF800  }
0x7c: {  	v2 =	vld [tilespmem:s1+$0x2760];
	_ =	sdelay $0x2  }
0x7d: {  	v3 =	vld [tilespmem:s1+$0xFFFFFFE0];
	_ =	sdelay $0x1  }
0x7e: {  	v2 =	vand.u32 $0x1, v2  }
0x7f: {  	vm1 =	veq.s32 v2, $0x1  }
0x80: {  	v2 =	vsel vm1, $0x2800, v1  }
0x81: {  	v2 =	vadd.s32 v3, v2;
	_ =	sdelay $0x4  }
0x82: {  	[tilespmem:s18], [sflag:$0x2] =	stream.indirect_vreg.gather [hbm4b:s4+s3], $0x80, v2, vm0, $0xb8;
	[tilespmem:$0x14F00] =	vst v63  }
0x83: {  	_ =	swait.ge [sflag:s28], $0x800  }
0x84: {  	[sflag:s28] =	ssyncset.done $0x0  }
0x85: {  	[sflag:s28] =	ssyncadd.s32 $0xFFFFF800  }
0x86: {  	v2 =	vld [tilespmem:s1+$0x2770];
	_ =	sdelay $0x2  }
0x87: {  	v3 =	vld [tilespmem:s1+$0xFFFFFFF0];
	_ =	sdelay $0x1  }
0x88: {  	v2 =	vand.u32 $0x1, v2  }
0x89: {  	vm1 =	veq.s32 v2, $0x1  }
0x8a: {  	v2 =	vsel vm1, $0x2800, v1  }
0x8b: {  	v2 =	vadd.s32 v3, v2;
	_ =	sdelay $0x4  }
0x8c: {  	[tilespmem:s19], [sflag:$0x3] =	stream.indirect_vreg.gather [hbm4b:s4+s3], $0x80, v2, vm0, $0xb8;
	[tilespmem:$0x14F00] =	vst v63  }
0x8d: {  	_ =	swait.ge [sflag:s29], $0x800  }
0x8e: {  	[sflag:s29] =	ssyncset.done $0x0  }
0x8f: {  	[sflag:s29] =	ssyncadd.s32 $0xFFFFF800  }
0x90: {  	v2 =	vld [tilespmem:s1+$0x2780];
	_ =	sdelay $0x2  }
0x91: {  	v3 =	vld [tilespmem:s1+$0x0];
	_ =	sdelay $0x1  }
0x92: {  	v2 =	vand.u32 $0x1, v2  }
0x93: {  	vm1 =	veq.s32 v2, $0x1  }
0x94: {  	v2 =	vsel vm1, $0x2800, v1  }
0x95: {  	p0 =	sne.s32 s31, $0x9BC0;
	v2 =	vadd.s32 v3, v2  }
.Ltmp1:
0x96: {  	_ = 	snop;
	(pc) =	sbr.rel @p0 .LBB2_4-.Ltmp1, $3  }
0x97: {  	_ =	sdelay $0x1  }
0x98: {  	s31 =	sadd.s32 $0x100, s31  }
0x99: {  	[tilespmem:s20], [sflag:$0x4] =	stream.indirect_vreg.gather [hbm4b:s4+s3], $0x80, v2, vm0, $0xb8;
	[tilespmem:$0x14F00] =	vst v63  }
0x9a: {  	_ =	swait.ge [sflag:s21], $0x800  }
0x9b: {  	[sflag:s21] =	ssyncset.done $0x0  }
0x9c: {  	[sflag:s21] =	ssyncadd.s32 $0xFFFFF800  }
0x9d: {  	v2 =	vld [tilespmem:$0x4E40];
	_ =	sdelay $0x4  }
0x9e: {  	v2 =	vshrl.u32 v2, $0x1;
	_ =	sdelay $0x4  }
0x9f: {  	[spmem:s2] =	stream.indirect_vreg.scatter.add.f32 [tilespmem:s17], [sflag:$0x5], $0x80, v2, vm0, $0xb8;
	[tilespmem:$0x14F00] =	vst v63  }
0xa0: {  	_ =	swait.ge [sflag:s22], $0x800  }
0xa1: {  	[sflag:s22] =	ssyncset.done $0x0  }
0xa2: {  	[sflag:s22] =	ssyncadd.s32 $0xFFFFF800  }
0xa3: {  	v2 =	vld [tilespmem:$0x4E50];
	_ =	sdelay $0x4  }
0xa4: {  	v2 =	vshrl.u32 v2, $0x1;
	_ =	sdelay $0x4  }
0xa5: {  	[spmem:s2] =	stream.indirect_vreg.scatter.add.f32 [tilespmem:s18], [sflag:$0x6], $0x80, v2, vm0, $0xb8;
	[tilespmem:$0x14F00] =	vst v63  }
0xa6: {  	_ =	swait.ge [sflag:s23], $0x800  }
0xa7: {  	[sflag:s23] =	ssyncset.done $0x0  }
0xa8: {  	[sflag:s23] =	ssyncadd.s32 $0xFFFFF800  }
0xa9: {  	v2 =	vld [tilespmem:$0x4E60];
	_ =	sdelay $0x4  }
0xaa: {  	v2 =	vshrl.u32 v2, $0x1;
	_ =	sdelay $0x4  }
0xab: {  	[spmem:s2] =	stream.indirect_vreg.scatter.add.f32 [tilespmem:s19], [sflag:$0x7], $0x80, v2, vm0, $0xb8;
	[tilespmem:$0x14F00] =	vst v63  }
0xac: {  	_ =	swait.ge [sflag:s24], $0x800  }
0xad: {  	[sflag:s24] =	ssyncset.done $0x0  }
0xae: {  	[sflag:s24] =	ssyncadd.s32 $0xFFFFF800  }
0xaf: {  	v2 =	vld [tilespmem:$0x4E70];
	_ =	sdelay $0x4  }
0xb0: {  	v2 =	vshrl.u32 v2, $0x1;
	_ =	sdelay $0x4  }
0xb1: {  	[spmem:s2] =	stream.indirect_vreg.scatter.add.f32 [tilespmem:s20], [sflag:$0x8], $0x80, v2, vm0, $0xb8;
	[tilespmem:$0x14F00] =	vst v63  }
0xb2: {  	_ =	swait.ge [sflag:s25], $0x800  }
0xb3: {  	[sflag:s25] =	ssyncset.done $0x0  }
0xb4: {  	[sflag:s25] =	ssyncadd.s32 $0xFFFFF800  }
0xb5: {  	_ =	swait.ge [sflag:s26], $0x800  }
0xb6: {  	[sflag:s26] =	ssyncset.done $0x0  }
0xb7: {  	[sflag:s26] =	ssyncadd.s32 $0xFFFFF800  }
0xb8: {  	_ =	swait.ge [sflag:s28], $0x800  }
0xb9: {  	[sflag:s28] =	ssyncset.done $0x0  }
0xba: {  	[sflag:s28] =	ssyncadd.s32 $0xFFFFF800  }
0xbb: {  	_ =	swait.ge [sflag:s29], $0x800  }
0xbc: {  	[sflag:s29] =	ssyncset.done $0x0  }
0xbd: {  	[sflag:s29] =	ssyncadd.s32 $0xFFFFF800  }
0xbe: {  	v2 =	vld [tilespmem:$0x4E80];
	_ =	sdelay $0x2  }
0xbf: {  	v3 =	vld [tilespmem:$0x2700];
	_ =	sdelay $0x1  }
0xc0: {  	v2 =	vand.u32 $0x1, v2  }
0xc1: {  	vm1 =	veq.s32 v2, $0x1  }
0xc2: {  	v2 =	vsel vm1, $0x2800, v1  }
0xc3: {  	v2 =	vadd.s32 v3, v2;
	_ =	sdelay $0x4  }
0xc4: {  	[tilespmem:s17], [sflag:$0x1] =	stream.indirect_vreg.gather [hbm4b:s4+s3], $0x80, v2, vm0, $0xb8;
	[tilespmem:$0x14F00] =	vst v63  }
0xc5: {  	_ =	swait.ge [sflag:s21], $0x800  }
0xc6: {  	[sflag:s21] =	ssyncset.done $0x0  }
0xc7: {  	[sflag:s21] =	ssyncadd.s32 $0xFFFFF800  }
0xc8: {  	v2 =	vld [tilespmem:$0x4E80];
	_ =	sdelay $0x4  }
0xc9: {  	v2 =	vshrl.u32 v2, $0x1;
	_ =	sdelay $0x4  }
0xca: {  	[spmem:s2] =	stream.indirect_vreg.scatter.add.f32 [tilespmem:s17], [sflag:$0x5], $0x80, v2, vm0, $0xb8;
	[tilespmem:$0x14F00] =	vst v63  }
0xcb: {  	_ =	swait.ge [sflag:s25], $0x800  }
0xcc: {  	[sflag:s25] =	ssyncset.done $0x0  }
0xcd: {  	[sflag:s25] =	ssyncadd.s32 $0xFFFFF800  }
0xce: {  	[bflag:$0x0] =	sbarrier.arrive $0xFFFF  }
0xcf: {  	[tilespmem:s14], [sflag:$0x9] =	stream.linear.gather [spmem:s5], $0x4000, $0x38;
	[tilespmem:$0x14F00] =	vst v63  }
0xd0: {  	_ =	swait.ge [sflag:s15], $0x4000  }
0xd1: {  	[sflag:s15] =	ssyncset.done $0x0  }
0xd2: {  	[sflag:s15] =	ssyncadd.s32 $0xFFFFC000  }
0xd3: {  	[hbm4b:s10+s3] =	stream.linear.scatter [tilespmem:s14], [sflag:$0x9], $0x4000, $0x38;
	[tilespmem:$0x14F00] =	vst v63  }
0xd4: {  	_ =	swait.ge [sflag:s15], $0x4000  }
0xd5: {  	[sflag:s15] =	ssyncset.done $0x0  }
0xd6: {  	[sflag:s15] =	ssyncadd.s32 $0xFFFFC000  }
0xd7: {  	[tilespmem:s14], [sflag:$0x9] =	stream.linear.gather [spmem:s6], $0x4000, $0x38;
	[tilespmem:$0x14F00] =	vst v63  }
0xd8: {  	_ =	swait.ge [sflag:s15], $0x4000  }
0xd9: {  	[sflag:s15] =	ssyncset.done $0x0  }
0xda: {  	[sflag:s15] =	ssyncadd.s32 $0xFFFFC000  }
0xdb: {  	[hbm4b:s11+s3] =	stream.linear.scatter [tilespmem:s14], [sflag:$0x9], $0x4000, $0x38;
	[tilespmem:$0x14F00] =	vst v63  }
0xdc: {  	_ =	swait.ge [sflag:s15], $0x4000  }
0xdd: {  	[sflag:s15] =	ssyncset.done $0x0  }
0xde: {  	[sflag:s15] =	ssyncadd.s32 $0xFFFFC000  }
0xdf: {  	[tilespmem:s14], [sflag:$0x9] =	stream.linear.gather [spmem:s7], $0x2000, $0x38;
	[tilespmem:$0x14F00] =	vst v63  }
0xe0: {  	s30 =	sadd.s32 $0x1, s30;
	_ =	swait.ge [sflag:s15], $0x2000  }
0xe1: {  	p0 =	sne.s32 s30, s13;
	[sflag:s15] =	ssyncset.done $0x0  }
.Ltmp2:
0xe2: {  	[sflag:s15] =	ssyncadd.s32 $0xFFFFE000;
	(pc) =	sbr.rel @p0 .LBB2_1-.Ltmp2, $4  }
0xe3: {  	[hbm4b:s12+s3] =	stream.linear.scatter [tilespmem:s14], [sflag:$0x9], $0x2000, $0x38;
	[tilespmem:$0x14F00] =	vst v63  }
0xe4: {  	_ =	swait.ge [sflag:s15], $0x2000  }
0xe5: {  	[sflag:s15] =	ssyncset.done $0x0  }
0xe6: {  	[sflag:s15] =	ssyncadd.s32 $0xFFFFE000  }
0xe7: {  	_ =	sfence.sel $0x180000  }
0xe8: {  	[bflag:$0x0] =	sbarrier.arrive $0xFFFF  }
0xe9: {  	_ =	strace $0x9000004A  }
0xea: {  	[bflag:$0x2] =	sbarrier.arrive $0xFFFF  }
0xeb: {  	p0 =	sne.s32 s0, $0x0;
	s0 =	rddreg [dreg:$0x2]  }
0xec: {  	s0 =	sadd.s32 @!p0 $0x100000, s0  }
0xed: {  	[sflag:s0] =	ssyncadd.tile.s32 @!p0 $0x1;
	_ =	shalt  }
.Lfunc_end2:
_tile_overlayer_lowered:
.L_overlay_start_2:
0xee: {  	(tag) =	ssettag $0x2  }
0xef: {  	s0 =	rddreg [dreg:$0x0];
	s2 =	stileid.u32  }
0xf0: {  	s1 =	rddreg [dreg:$0x1];
	p0 =	sne.s32 s2, $0x0  }
0xf1: {  	s3 =	rddreg [dreg:$0x2];
	[bflag:$0x3] =	sbarrier.arrive $0xFFFF;
	s2 =	simm.s32 @!p0 $0x1C09  }
0xf2: {  	[timem:s3], [sflag:s2] =	dma.local @!p0 [hbm:s0], s1  }
0xf3: {  	s0 =	simm.s32 @!p0 $0x9  }
0xf4: {  	_ =	swait.ge @!p0 [sflag:s0], s1  }
0xf5: {  	s1 =	ssub.s32 @!p0 $0x0, s1;
	[sflag:s0] =	ssyncset.done @!p0 $0x0  }
0xf6: {  	[sflag:s0] =	ssyncadd.s32 @!p0 s1  }
0xf7: {  	[bflag:$0x3] =	sbarrier.arrive $0xFFFF  }
0xf8: {  	_ =	shalt  }

</sc_bundles>
